<compile_context>
chip_gen: v7x
topology: tpu7x:2x2x1
jax: 0.10.2.dev20260603
libtpu: 0.0.44.dev20260713+nightly
codegen_flags: <defaults>
</compile_context>

<pallas_src>
import functools

import jax
import jax.numpy as jnp
from jax import lax
from jax.experimental import pallas as pl
from jax.experimental.pallas import tpu as pltpu
from jax.experimental.pallas import tpu_sc as plsc

NN = 100000
NE = 3200000
CN = 256
CE = 2560
N_FULL_NODE = NN // CN
NODE_REM_BASE = N_FULL_NODE * CN
NODE_REM = 256
N_FULL_EDGE = NE // CE
NW = 32
NW_NODE = 5
NW_EDGE = NW - NW_NODE
K_PAIRS = (N_FULL_EDGE // NW_EDGE + 2) // 2 * 2
KN_PAIRS = (N_FULL_NODE // NW_NODE + 2) // 2 * 2

_f32 = jnp.float32
_i32 = jnp.int32


def _cvt_idx(v, hi):
    i = v.astype(_i32)
    return jnp.minimum(jnp.maximum(i, 0), hi)


def _sc_body(xt_hbm, bond_hbm, dist_hbm, at_hbm, ht_hbm, bt_hbm,
             nout_hbm, eout_hbm, at_v, ht_v, bt_v, xv, nov0, nov1,
             bv0, bv1, eov0, eov1,
             sem0, sem1, semi0, semi1, semn0, semn1, semd):
    c = lax.axis_index("c")
    s = lax.axis_index("s")
    wid = s * 2 + c

    pltpu.sync_copy(at_hbm, at_v)
    pltpu.sync_copy(ht_hbm, ht_v)
    pltpu.sync_copy(bt_hbm, bt_v)

    eovs = (eov0, eov1)
    sems = (sem0, sem1)
    bvs = (bv0, bv1)
    semis = (semi0, semi1)
    novs = (nov0, nov1)
    semns = (semn0, semn1)

    def node_compute(base, width, nov):
        pltpu.sync_copy(xt_hbm.at[pl.ds(0, 16), pl.ds(base, width)],
                        xv.at[pl.ds(0, 16), pl.ds(0, width)])

        @pl.loop(0, width // 16)
        def _grp(g):
            j = g * 16
            sidx = _cvt_idx(xv[0, pl.ds(j, 16)], 38)
            hidx = _cvt_idx(xv[1, pl.ds(j, 16)], 7)
            for r0 in (0, 16):
                vals = [plsc.load_gather(at_v, [sidx + 39 * (r0 + r)])
                        for r in range(16)]
                for r in range(16):
                    nov[r0 + r, pl.ds(j, 16)] = vals[r]
            vals = [plsc.load_gather(ht_v, [hidx + 8 * r]) for r in range(16)]
            for r in range(16):
                nov[32 + r, pl.ds(j, 16)] = vals[r]
            vals = [xv[2 + r, pl.ds(j, 16)] for r in range(14)]
            for r in range(14):
                nov[48 + r, pl.ds(j, 16)] = vals[r]

    def node_out_start(b, base):
        pltpu.async_copy(novs[b], nout_hbm.at[pl.ds(0, 64), pl.ds(base, CN)],
                         semns[b])

    def node_out_wait(b):
        pltpu.make_async_copy(novs[b],
                              nout_hbm.at[pl.ds(0, 64), pl.ds(0, CN)],
                              semns[b]).wait()

    def edge_compute(width, bv, eov):
        @pl.loop(0, width // 16, unroll=2)
        def _grp(g):
            j = g * 16
            bidx = jnp.minimum(bv[pl.ds(j, 16)].astype(_i32).astype(jnp.uint32),
                               jnp.uint32(5)).astype(_i32)
            vals = [plsc.load_gather(bt_v, [bidx + 6 * r]) for r in range(16)]
            for r in range(16):
                eov[r, pl.ds(j, 16)] = vals[r]

    def edge_in_start(b, base):
        pltpu.async_copy(bond_hbm.at[pl.ds(base, CE)], bvs[b], semis[b])

    def edge_in_wait(b):
        pltpu.make_async_copy(bond_hbm.at[pl.ds(0, CE)], bvs[b], semis[b]).wait()

    def edge_out_start(b, base):
        pltpu.async_copy(eovs[b],
                         eout_hbm.at[pl.ds(0, 16), pl.ds(base, CE)], sems[b])

    def edge_out_wait(b):
        pltpu.make_async_copy(eovs[b],
                              eout_hbm.at[pl.ds(0, 16), pl.ds(0, CE)],
                              sems[b]).wait()

    @pl.when(wid < NW_NODE)
    def _node_side():
        n_kn = (N_FULL_NODE - 1 - wid) // NW_NODE + 1

        @pl.loop(0, KN_PAIRS, step=2)
        def _node_pair(k2):
            for b in range(2):
                k = k2 + b
                ci = wid + k * NW_NODE

                @pl.when(k < n_kn)
                def _do():
                    @pl.when(k >= 2)
                    def _drain():
                        node_out_wait(b)

                    node_compute(ci * CN, CN, novs[b])
                    node_out_start(b, ci * CN)

        for b in range(2):
            node_out_wait(b)

        @pl.when(wid == 0)
        def _node_rem():
            base = pl.multiple_of(wid * 0 + NODE_REM_BASE, 128)
            node_compute(base, NODE_REM, nov0)
            pltpu.sync_copy(nov0.at[pl.ds(0, 64), pl.ds(0, NODE_REM)],
                            nout_hbm.at[pl.ds(0, 64), pl.ds(base, NODE_REM)])

    @pl.when(wid >= NW_NODE)
    def _edge_side():
        ew = wid - NW_NODE
        n_k = (N_FULL_EDGE - 1 - ew) // NW_EDGE + 1

        @pl.when(ew == 0)
        def _dist_start():
            pltpu.async_copy(dist_hbm,
                             eout_hbm.at[pl.ds(16, 1), pl.ds(0, NE)], semd)

        edge_in_start(0, ew * CE)

        @pl.loop(0, K_PAIRS, step=2)
        def _edge_pair(k2):
            for b in range(2):
                k = k2 + b
                ci = ew + k * NW_EDGE

                @pl.when(k < n_k)
                def _do():
                    edge_in_wait(b)

                    @pl.when(k + 1 < n_k)
                    def _prefetch():
                        edge_in_start(1 - b, (ci + NW_EDGE) * CE)

                    @pl.when(k >= 2)
                    def _drain():
                        edge_out_wait(b)

                    edge_compute(CE, bvs[b], eovs[b])
                    edge_out_start(b, ci * CE)

        for b in range(2):
            edge_out_wait(b)

        @pl.when(ew == 0)
        def _dist_wait():
            pltpu.make_async_copy(dist_hbm,
                                  eout_hbm.at[pl.ds(16, 1), pl.ds(0, NE)],
                                  semd).wait()


_OUT_TYPE = (
    jax.ShapeDtypeStruct((62, NN), _f32),
    jax.ShapeDtypeStruct((17, NE), _f32),
)

_SCRATCH = [
    pltpu.VMEM((39 * 32,), _f32),
    pltpu.VMEM((8 * 16,), _f32),
    pltpu.VMEM((6 * 16,), _f32),
    pltpu.VMEM((16, CN), _f32),
    pltpu.VMEM((64, CN), _f32),
    pltpu.VMEM((64, CN), _f32),
    pltpu.VMEM((CE,), _f32),
    pltpu.VMEM((CE,), _f32),
    pltpu.VMEM((16, CE), _f32),
    pltpu.VMEM((16, CE), _f32),
    pltpu.SemaphoreType.DMA,
    pltpu.SemaphoreType.DMA,
    pltpu.SemaphoreType.DMA,
    pltpu.SemaphoreType.DMA,
    pltpu.SemaphoreType.DMA,
    pltpu.SemaphoreType.DMA,
    pltpu.SemaphoreType.DMA,
]

_MESH = plsc.VectorSubcoreMesh(core_axis_name="c", subcore_axis_name="s")

_sc_call = functools.partial(
    pl.kernel,
    out_type=_OUT_TYPE,
    mesh=_MESH,
    scratch_types=_SCRATCH,
    compiler_params=pltpu.CompilerParams(needs_layout_passes=False),
)(_sc_body)


@jax.jit
def kernel(x, edge_attr, atom_table, hybrid_table, bond_table):
    node_t, edge_t = _sc_call(
        x.T, edge_attr[:, 0], edge_attr[:, 1:2].T, atom_table.T.reshape(-1),
        hybrid_table.T.reshape(-1), bond_table.T.reshape(-1))
    return node_t.T, edge_t.T

# --- scband reference (transcript-rebuilt; emitter-appended) ---
"""Pipeline reference for scband-embedding-encoder-40527311405119 (READ-ONLY COPY).

The authoritative reference and input builder live on the scoring server;
editing this copy changes nothing except your own understanding.
"""

import jax, jax.numpy as jnp
import numpy as np

N_NODES = 100000
N_EDGES = 3200000
ATOM_DIM = 32
HYBRID_DIM = 16
BOND_DIM = 16
PERIODIC_ELEMENTS = 39
HYBRIDIZATION_TYPES = 8
N_BOND_TYPES = 6


def setup_inputs(seed: int = 0) -> dict:
    key = jax.random.key(seed)
    k1, k2, k3, k4, k5 = jax.random.split(key, 5)
    x = jax.random.uniform(k1, (N_NODES, 16), dtype=jnp.float32)
    edge_attr = jax.random.uniform(k2, (N_EDGES, 2), dtype=jnp.float32)
    atom_table = jax.random.normal(k3, (PERIODIC_ELEMENTS, ATOM_DIM), dtype=jnp.float32)
    hybrid_table = jax.random.normal(k4, (HYBRIDIZATION_TYPES, HYBRID_DIM), dtype=jnp.float32)
    bond_table = jax.random.normal(k5, (N_BOND_TYPES, BOND_DIM), dtype=jnp.float32)
    return {"x": x, "edge_attr": edge_attr, "atom_table": atom_table,
            "hybrid_table": hybrid_table, "bond_table": bond_table}


def reference(x, edge_attr, atom_table, hybrid_table, bond_table):
    # encode_nodes
    symbol_idx = x[:, 0].astype(jnp.int32)
    hybrid_idx = x[:, 1].astype(jnp.int32)
    cont_features = x[:, 2:]
    symbol_emb = jnp.take(atom_table, symbol_idx, axis=0)
    hybrid_emb = jnp.take(hybrid_table, hybrid_idx, axis=0)
    node_out = jnp.concatenate([symbol_emb, hybrid_emb, cont_features], axis=1)
    # encode_edges
    bond_idx = edge_attr[:, 0].astype(jnp.int32)
    bond_dist = edge_attr[:, 1][:, None]
    bond_emb = jnp.take(bond_table, bond_idx, axis=0)
    edge_out = jnp.concatenate([bond_emb, bond_dist], axis=1)
    return (node_out, edge_out)

if __name__ == "__main__":
    import jax
    _d = setup_inputs()
    print(jax.jit(kernel)(*tuple(_d.values())))

</pallas_src>

<mosaic_0001>
#map = affine_map<(d0, d1) -> (0, 0)>
#map1 = affine_map<(d0, d1) -> (0)>
module attributes {stable_mosaic.version = 14 : i64} {
  func.func @_sc_body(%arg0: i32, %arg1: i32, %arg2: memref<16x100000xf32, #tpu.memory_space<hbm>>, %arg3: memref<3200000xf32, #tpu.memory_space<hbm>>, %arg4: memref<1x3200000xf32, #tpu.memory_space<hbm>>, %arg5: memref<1248xf32, #tpu.memory_space<hbm>>, %arg6: memref<128xf32, #tpu.memory_space<hbm>>, %arg7: memref<96xf32, #tpu.memory_space<hbm>>, %arg8: memref<62x100000xf32, #tpu.memory_space<hbm>>, %arg9: memref<17x3200000xf32, #tpu.memory_space<hbm>>, %arg10: memref<1248xf32, #tpu.memory_space<vmem>>, %arg11: memref<128xf32, #tpu.memory_space<vmem>>, %arg12: memref<96xf32, #tpu.memory_space<vmem>>, %arg13: memref<16x256xf32, #tpu.memory_space<vmem>>, %arg14: memref<64x256xf32, #tpu.memory_space<vmem>>, %arg15: memref<64x256xf32, #tpu.memory_space<vmem>>, %arg16: memref<2560xf32, #tpu.memory_space<vmem>>, %arg17: memref<2560xf32, #tpu.memory_space<vmem>>, %arg18: memref<16x2560xf32, #tpu.memory_space<vmem>>, %arg19: memref<16x2560xf32, #tpu.memory_space<vmem>>, %arg20: memref<!tpu.dma_semaphore, #tpu.memory_space<semaphore_mem>>, %arg21: memref<!tpu.dma_semaphore, #tpu.memory_space<semaphore_mem>>, %arg22: memref<!tpu.dma_semaphore, #tpu.memory_space<semaphore_mem>>, %arg23: memref<!tpu.dma_semaphore, #tpu.memory_space<semaphore_mem>>, %arg24: memref<!tpu.dma_semaphore, #tpu.memory_space<semaphore_mem>>, %arg25: memref<!tpu.dma_semaphore, #tpu.memory_space<semaphore_mem>>, %arg26: memref<!tpu.dma_semaphore, #tpu.memory_space<semaphore_mem>>) attributes {dimension_semantics = [#tpu.dimension_semantics<core_parallel>, #tpu.dimension_semantics<subcore_parallel>], iteration_bounds = array<i64: 2, 16>, scalar_prefetch = 0 : i64, scratch_operands = 17 : i64, tpu.core_type = #tpu.core_type<sc_vector_subcore>, window_params = [{transform_indices = #map}, {transform_indices = #map1}, {transform_indices = #map}, {transform_indices = #map1}, {transform_indices = #map1}, {transform_indices = #map1}, {transform_indices = #map}, {transform_indices = #map}]} {
    %mul3A = arith.constant 2 : i32
    %mul3A_0 = arith.muli %arg1, %mul3A : i32
    %add3A = arith.addi %mul3A_0, %arg0 : i32
    "tpu.region"() ({
      %run_scoped3A = tpu.sem_alloc : memref<!tpu.dma_semaphore, #tpu.memory_space<semaphore_mem>>
      tpu.enqueue_dma source(%arg5 : memref<1248xf32, #tpu.memory_space<hbm>>) target(%arg10 : memref<1248xf32, #tpu.memory_space<vmem>>) target_semaphore(%run_scoped3A : memref<!tpu.dma_semaphore, #tpu.memory_space<semaphore_mem>>)
      tpu.wait_dma2 semaphore(%run_scoped3A : memref<!tpu.dma_semaphore, #tpu.memory_space<semaphore_mem>>) src(%arg5 : memref<1248xf32, #tpu.memory_space<hbm>>) dst(%arg10 : memref<1248xf32, #tpu.memory_space<vmem>>)
      tpu.yield
    }) : () -> ()
    "tpu.region"() ({
      %run_scoped3A = tpu.sem_alloc : memref<!tpu.dma_semaphore, #tpu.memory_space<semaphore_mem>>
      tpu.enqueue_dma source(%arg6 : memref<128xf32, #tpu.memory_space<hbm>>) target(%arg11 : memref<128xf32, #tpu.memory_space<vmem>>) target_semaphore(%run_scoped3A : memref<!tpu.dma_semaphore, #tpu.memory_space<semaphore_mem>>)
      tpu.wait_dma2 semaphore(%run_scoped3A : memref<!tpu.dma_semaphore, #tpu.memory_space<semaphore_mem>>) src(%arg6 : memref<128xf32, #tpu.memory_space<hbm>>) dst(%arg11 : memref<128xf32, #tpu.memory_space<vmem>>)
      tpu.yield
    }) : () -> ()
    "tpu.region"() ({
      %run_scoped3A = tpu.sem_alloc : memref<!tpu.dma_semaphore, #tpu.memory_space<semaphore_mem>>
      tpu.enqueue_dma source(%arg7 : memref<96xf32, #tpu.memory_space<hbm>>) target(%arg12 : memref<96xf32, #tpu.memory_space<vmem>>) target_semaphore(%run_scoped3A : memref<!tpu.dma_semaphore, #tpu.memory_space<semaphore_mem>>)
      tpu.wait_dma2 semaphore(%run_scoped3A : memref<!tpu.dma_semaphore, #tpu.memory_space<semaphore_mem>>) src(%arg7 : memref<96xf32, #tpu.memory_space<hbm>>) dst(%arg12 : memref<96xf32, #tpu.memory_space<vmem>>)
      tpu.yield
    }) : () -> ()
    %lt3A = arith.constant 5 : i32
    %lt3A_1 = arith.cmpi slt, %add3A, %lt3A : i32
    %convert_element_type3A = arith.extui %lt3A_1 : i1 to i32
    %cond3A = arith.constant 0 : i32
    %cond3A_2 = arith.cmpi ne, %convert_element_type3A, %cond3A : i32
    scf.if %cond3A_2 {
      %sub3A = arith.constant 389 : i32
      %sub3A_7 = arith.subi %sub3A, %add3A : i32
      %jit3A = arith.constant 5 : i32
      %div3A = arith.divsi %sub3A_7, %jit3A : i32
      %sign3A = arith.constant 0 : i32
      %sign3A_8 = arith.cmpi sgt, %sub3A_7, %sign3A : i32
      %sign3A_9 = arith.extui %sign3A_8 : i1 to i32
      %sign3A_10 = arith.constant 0 : i32
      %sign3A_11 = arith.cmpi slt, %sub3A_7, %sign3A_10 : i32
      %sign3A_12 = arith.extui %sign3A_11 : i1 to i32
      %sign3A_13 = arith.subi %sign3A_9, %sign3A_12 : i32
      %sign3A_14 = arith.constant 0 : i32
      %sign3A_15 = arith.cmpi sgt, %jit3A, %sign3A_14 : i32
      %sign3A_16 = arith.extui %sign3A_15 : i1 to i32
      %sign3A_17 = arith.constant 0 : i32
      %sign3A_18 = arith.cmpi slt, %jit3A, %sign3A_17 : i32
      %sign3A_19 = arith.extui %sign3A_18 : i1 to i32
      %sign3A_20 = arith.subi %sign3A_16, %sign3A_19 : i32
      %ne3A = arith.cmpi ne, %sign3A_13, %sign3A_20 : i32
      %rem3A = arith.remsi %sub3A_7, %jit3A : i32
      %ne3A_21 = arith.constant 0 : i32
      %ne3A_22 = arith.cmpi ne, %rem3A, %ne3A_21 : i32
      %and3A = arith.andi %ne3A, %ne3A_22 : i1
      %sub3A_23 = arith.constant 1 : i32
      %sub3A_24 = arith.subi %div3A, %sub3A_23 : i32
      %select_n3A = arith.select %and3A, %sub3A_24, %div3A : i32
      %add3A_25 = arith.constant 1 : i32
      %add3A_26 = arith.addi %select_n3A, %add3A_25 : i32
      %scan3A = arith.constant 0 : i32
      %scan3A_27 = arith.constant 40 : i32
      %scan3A_28 = arith.addi %scan3A, %scan3A_27 : i32
      %scan3A_29 = arith.constant 1 : i32
      scf.for %scan3A_46 = %scan3A to %scan3A_28 step %scan3A_29  : i32 {
        %mul3A_47 = arith.constant 2 : i32
        %mul3A_48 = arith.muli %scan3A_46, %mul3A_47 : i32
        %add3A_49 = arith.constant 0 : i32
        %add3A_50 = arith.addi %add3A_49, %mul3A_48 : i32
        %add3A_51 = arith.constant 0 : i32
        %add3A_52 = arith.addi %add3A_50, %add3A_51 : i32
        %mul3A_53 = arith.constant 5 : i32
        %mul3A_54 = arith.muli %add3A_52, %mul3A_53 : i32
        %add3A_55 = arith.addi %add3A, %mul3A_54 : i32
        %lt3A_56 = arith.cmpi slt, %add3A_52, %add3A_26 : i32
        %convert_element_type3A_57 = arith.extui %lt3A_56 : i1 to i32
        %cond3A_58 = arith.constant 0 : i32
        %cond3A_59 = arith.cmpi ne, %convert_element_type3A_57, %cond3A_58 : i32
        scf.if %cond3A_59 {
          %ge3A_69 = arith.constant 2 : i32
          %ge3A_70 = arith.cmpi sge, %add3A_52, %ge3A_69 : i32
          %convert_element_type3A_71 = arith.extui %ge3A_70 : i1 to i32
          %cond3A_72 = arith.constant 0 : i32
          %cond3A_73 = arith.cmpi ne, %convert_element_type3A_71, %cond3A_72 : i32
          scf.if %cond3A_73 {
            %dma_wait3A_86 = arith.constant 0 : i32
            %dma_wait3A_87 = arith.constant 0 : i32
            %dma_wait3A_88 = tpu.memref_slice %arg8[%dma_wait3A_86, %dma_wait3A_87] : memref<62x100000xf32, #tpu.memory_space<hbm>> -> memref<64x256xf32, #tpu.memory_space<hbm>>
            %dma_wait3A_89 = arith.constant 0 : i32
            %dma_wait3A_90 = arith.constant 0 : i32
            %dma_wait3A_91 = tpu.memref_slice %arg8[%dma_wait3A_89, %dma_wait3A_90] : memref<62x100000xf32, #tpu.memory_space<hbm>> -> memref<64x256xf32, #tpu.memory_space<hbm>>
            tpu.wait_dma2 semaphore(%arg24 : memref<!tpu.dma_semaphore, #tpu.memory_space<semaphore_mem>>) src(%arg14 : memref<64x256xf32, #tpu.memory_space<vmem>>) dst(%dma_wait3A_91 : memref<64x256xf32, #tpu.memory_space<hbm>>)
          } else {
          }
          %mul3A_74 = arith.constant 256 : i32
          %mul3A_75 = arith.muli %add3A_55, %mul3A_74 : i32
          "tpu.region"() ({
            %run_scoped3A = tpu.sem_alloc : memref<!tpu.dma_semaphore, #tpu.memory_space<semaphore_mem>>
            %dma_start3A_86 = arith.constant 0 : i32
            %dma_start3A_87 = arith.constant 0 : i32
            %dma_start3A_88 = tpu.memref_slice %arg13[%dma_start3A_86, %dma_start3A_87] : memref<16x256xf32, #tpu.memory_space<vmem>> -> memref<16x256xf32, #tpu.memory_space<vmem>>
            %dma_start3A_89 = arith.constant 0 : i32
            %dma_start3A_90 = tpu.memref_slice %arg2[%dma_start3A_89, %mul3A_75] : memref<16x100000xf32, #tpu.memory_space<hbm>> -> memref<16x256xf32, #tpu.memory_space<hbm>>
            %dma_start3A_91 = arith.constant 0 : i32
            %dma_start3A_92 = arith.constant 0 : i32
            %dma_start3A_93 = tpu.memref_slice %arg13[%dma_start3A_91, %dma_start3A_92] : memref<16x256xf32, #tpu.memory_space<vmem>> -> memref<16x256xf32, #tpu.memory_space<vmem>>
            %dma_start3A_94 = arith.constant 0 : i32
            %dma_start3A_95 = tpu.memref_slice %arg2[%dma_start3A_94, %mul3A_75] : memref<16x100000xf32, #tpu.memory_space<hbm>> -> memref<16x256xf32, #tpu.memory_space<hbm>>
            tpu.enqueue_dma source(%dma_start3A_95 : memref<16x256xf32, #tpu.memory_space<hbm>>) target(%dma_start3A_93 : memref<16x256xf32, #tpu.memory_space<vmem>>) target_semaphore(%run_scoped3A : memref<!tpu.dma_semaphore, #tpu.memory_space<semaphore_mem>>)
            %dma_wait3A_96 = arith.constant 0 : i32
            %dma_wait3A_97 = arith.constant 0 : i32
            %dma_wait3A_98 = tpu.memref_slice %arg13[%dma_wait3A_96, %dma_wait3A_97] : memref<16x256xf32, #tpu.memory_space<vmem>> -> memref<16x256xf32, #tpu.memory_space<vmem>>
            %dma_wait3A_99 = arith.constant 0 : i32
            %dma_wait3A_100 = tpu.memref_slice %arg2[%dma_wait3A_99, %mul3A_75] : memref<16x100000xf32, #tpu.memory_space<hbm>> -> memref<16x256xf32, #tpu.memory_space<hbm>>
            %dma_wait3A_101 = arith.constant 0 : i32
            %dma_wait3A_102 = arith.constant 0 : i32
            %dma_wait3A_103 = tpu.memref_slice %arg13[%dma_wait3A_101, %dma_wait3A_102] : memref<16x256xf32, #tpu.memory_space<vmem>> -> memref<16x256xf32, #tpu.memory_space<vmem>>
            %dma_wait3A_104 = arith.constant 0 : i32
            %dma_wait3A_105 = tpu.memref_slice %arg2[%dma_wait3A_104, %mul3A_75] : memref<16x100000xf32, #tpu.memory_space<hbm>> -> memref<16x256xf32, #tpu.memory_space<hbm>>
            tpu.wait_dma2 semaphore(%run_scoped3A : memref<!tpu.dma_semaphore, #tpu.memory_space<semaphore_mem>>) src(%dma_wait3A_105 : memref<16x256xf32, #tpu.memory_space<hbm>>) dst(%dma_wait3A_103 : memref<16x256xf32, #tpu.memory_space<vmem>>)
            tpu.yield
          }) : () -> ()
          %scan3A_76 = arith.constant 0 : i32
          %scan3A_77 = arith.constant 16 : i32
          %scan3A_78 = arith.addi %scan3A_76, %scan3A_77 : i32
          %scan3A_79 = arith.constant 1 : i32
          scf.for %scan3A_86 = %scan3A_76 to %scan3A_78 step %scan3A_79  : i32 {
            %mul3A_87 = arith.constant 1 : i32
            %mul3A_88 = arith.muli %scan3A_86, %mul3A_87 : i32
            %add3A_89 = arith.constant 0 : i32
            %add3A_90 = arith.addi %add3A_89, %mul3A_88 : i32
            %mul3A_91 = arith.constant 16 : i32
            %mul3A_92 = arith.muli %add3A_90, %mul3A_91 : i32
            %get3A = arith.constant 0 : i32
            %get3A_93 = arith.index_cast %get3A : i32 to index
            %get3A_94 = arith.index_cast %mul3A_92 : i32 to index
            %get3A_95 = tpu.vector_load %arg13[%get3A_93, %get3A_94] {strides = array<i32>} : memref<16x256xf32, #tpu.memory_space<vmem>>, vector<16xf32>,
            %convert_element_type3A_96 = arith.fptosi %get3A_95 : vector<16xf32> to vector<16xi32>
            %max3A = arith.constant 0 : i32
            %max3A_97 = vector.broadcast %max3A : i32 to vector<16xi32>
            %max3A_98 = arith.maxsi %convert_element_type3A_96, %max3A_97 : vector<16xi32>
            %min3A = arith.constant 38 : i32
            %min3A_99 = vector.broadcast %min3A : i32 to vector<16xi32>
            %min3A_100 = arith.minsi %max3A_98, %min3A_99 : vector<16xi32>
            %get3A_101 = arith.constant 1 : i32
            %get3A_102 = arith.index_cast %get3A_101 : i32 to index
            %get3A_103 = arith.index_cast %mul3A_92 : i32 to index
            %get3A_104 = tpu.vector_load %arg13[%get3A_102, %get3A_103] {strides = array<i32>} : memref<16x256xf32, #tpu.memory_space<vmem>>, vector<16xf32>,
            %convert_element_type3A_105 = arith.fptosi %get3A_104 : vector<16xf32> to vector<16xi32>
            %max3A_106 = arith.constant 0 : i32
            %max3A_107 = vector.broadcast %max3A_106 : i32 to vector<16xi32>
            %max3A_108 = arith.maxsi %convert_element_type3A_105, %max3A_107 : vector<16xi32>
            %min3A_109 = arith.constant 7 : i32
            %min3A_110 = vector.broadcast %min3A_109 : i32 to vector<16xi32>
            %min3A_111 = arith.minsi %max3A_108, %min3A_110 : vector<16xi32>
            %add3A_112 = arith.constant 0 : i32
            %add3A_113 = vector.broadcast %add3A_112 : i32 to vector<16xi32>
            %add3A_114 = arith.addi %min3A_100, %add3A_113 : vector<16xi32>
            %gather3A = tpu.vector_load_idx %arg10[%add3A_114] : memref<1248xf32, #tpu.memory_space<vmem>>[vector<16xi32>], vector<16xf32>,
            %add3A_115 = arith.constant 39 : i32
            %add3A_116 = vector.broadcast %add3A_115 : i32 to vector<16xi32>
            %add3A_117 = arith.addi %min3A_100, %add3A_116 : vector<16xi32>
            %gather3A_118 = tpu.vector_load_idx %arg10[%add3A_117] : memref<1248xf32, #tpu.memory_space<vmem>>[vector<16xi32>], vector<16xf32>,
            %add3A_119 = arith.constant 78 : i32
            %add3A_120 = vector.broadcast %add3A_119 : i32 to vector<16xi32>
            %add3A_121 = arith.addi %min3A_100, %add3A_120 : vector<16xi32>
            %gather3A_122 = tpu.vector_load_idx %arg10[%add3A_121] : memref<1248xf32, #tpu.memory_space<vmem>>[vector<16xi32>], vector<16xf32>,
            %add3A_123 = arith.constant 117 : i32
            %add3A_124 = vector.broadcast %add3A_123 : i32 to vector<16xi32>
            %add3A_125 = arith.addi %min3A_100, %add3A_124 : vector<16xi32>
            %gather3A_126 = tpu.vector_load_idx %arg10[%add3A_125] : memref<1248xf32, #tpu.memory_space<vmem>>[vector<16xi32>], vector<16xf32>,
            %add3A_127 = arith.constant 156 : i32
            %add3A_128 = vector.broadcast %add3A_127 : i32 to vector<16xi32>
            %add3A_129 = arith.addi %min3A_100, %add3A_128 : vector<16xi32>
            %gather3A_130 = tpu.vector_load_idx %arg10[%add3A_129] : memref<1248xf32, #tpu.memory_space<vmem>>[vector<16xi32>], vector<16xf32>,
            %add3A_131 = arith.constant 195 : i32
            %add3A_132 = vector.broadcast %add3A_131 : i32 to vector<16xi32>
            %add3A_133 = arith.addi %min3A_100, %add3A_132 : vector<16xi32>
            %gather3A_134 = tpu.vector_load_idx %arg10[%add3A_133] : memref<1248xf32, #tpu.memory_space<vmem>>[vector<16xi32>], vector<16xf32>,
            %add3A_135 = arith.constant 234 : i32
            %add3A_136 = vector.broadcast %add3A_135 : i32 to vector<16xi32>
            %add3A_137 = arith.addi %min3A_100, %add3A_136 : vector<16xi32>
            %gather3A_138 = tpu.vector_load_idx %arg10[%add3A_137] : memref<1248xf32, #tpu.memory_space<vmem>>[vector<16xi32>], vector<16xf32>,
            %add3A_139 = arith.constant 273 : i32
            %add3A_140 = vector.broadcast %add3A_139 : i32 to vector<16xi32>
            %add3A_141 = arith.addi %min3A_100, %add3A_140 : vector<16xi32>
            %gather3A_142 = tpu.vector_load_idx %arg10[%add3A_141] : memref<1248xf32, #tpu.memory_space<vmem>>[vector<16xi32>], vector<16xf32>,
            %add3A_143 = arith.constant 312 : i32
            %add3A_144 = vector.broadcast %add3A_143 : i32 to vector<16xi32>
            %add3A_145 = arith.addi %min3A_100, %add3A_144 : vector<16xi32>
            %gather3A_146 = tpu.vector_load_idx %arg10[%add3A_145] : memref<1248xf32, #tpu.memory_space<vmem>>[vector<16xi32>], vector<16xf32>,
            %add3A_147 = arith.constant 351 : i32
            %add3A_148 = vector.broadcast %add3A_147 : i32 to vector<16xi32>
            %add3A_149 = arith.addi %min3A_100, %add3A_148 : vector<16xi32>
            %gather3A_150 = tpu.vector_load_idx %arg10[%add3A_149] : memref<1248xf32, #tpu.memory_space<vmem>>[vector<16xi32>], vector<16xf32>,
            %add3A_151 = arith.constant 390 : i32
            %add3A_152 = vector.broadcast %add3A_151 : i32 to vector<16xi32>
            %add3A_153 = arith.addi %min3A_100, %add3A_152 : vector<16xi32>
            %gather3A_154 = tpu.vector_load_idx %arg10[%add3A_153] : memref<1248xf32, #tpu.memory_space<vmem>>[vector<16xi32>], vector<16xf32>,
            %add3A_155 = arith.constant 429 : i32
            %add3A_156 = vector.broadcast %add3A_155 : i32 to vector<16xi32>
            %add3A_157 = arith.addi %min3A_100, %add3A_156 : vector<16xi32>
            %gather3A_158 = tpu.vector_load_idx %arg10[%add3A_157] : memref<1248xf32, #tpu.memory_space<vmem>>[vector<16xi32>], vector<16xf32>,
            %add3A_159 = arith.constant 468 : i32
            %add3A_160 = vector.broadcast %add3A_159 : i32 to vector<16xi32>
            %add3A_161 = arith.addi %min3A_100, %add3A_160 : vector<16xi32>
            %gather3A_162 = tpu.vector_load_idx %arg10[%add3A_161] : memref<1248xf32, #tpu.memory_space<vmem>>[vector<16xi32>], vector<16xf32>,
            %add3A_163 = arith.constant 507 : i32
            %add3A_164 = vector.broadcast %add3A_163 : i32 to vector<16xi32>
            %add3A_165 = arith.addi %min3A_100, %add3A_164 : vector<16xi32>
            %gather3A_166 = tpu.vector_load_idx %arg10[%add3A_165] : memref<1248xf32, #tpu.memory_space<vmem>>[vector<16xi32>], vector<16xf32>,
            %add3A_167 = arith.constant 546 : i32
            %add3A_168 = vector.broadcast %add3A_167 : i32 to vector<16xi32>
            %add3A_169 = arith.addi %min3A_100, %add3A_168 : vector<16xi32>
            %gather3A_170 = tpu.vector_load_idx %arg10[%add3A_169] : memref<1248xf32, #tpu.memory_space<vmem>>[vector<16xi32>], vector<16xf32>,
            %add3A_171 = arith.constant 585 : i32
            %add3A_172 = vector.broadcast %add3A_171 : i32 to vector<16xi32>
            %add3A_173 = arith.addi %min3A_100, %add3A_172 : vector<16xi32>
            %gather3A_174 = tpu.vector_load_idx %arg10[%add3A_173] : memref<1248xf32, #tpu.memory_space<vmem>>[vector<16xi32>], vector<16xf32>,
            %swap3A = arith.constant 0 : i32
            %swap3A_175 = arith.index_cast %swap3A : i32 to index
            %swap3A_176 = arith.index_cast %mul3A_92 : i32 to index
            %swap3A_177 = tpu.vector_load %arg14[%swap3A_175, %swap3A_176] {strides = array<i32>} : memref<64x256xf32, #tpu.memory_space<vmem>>, vector<16xf32>,
            tpu.vector_store %arg14[%swap3A_175, %swap3A_176], %gather3A {strides = array<i32>} : memref<64x256xf32, #tpu.memory_space<vmem>>, vector<16xf32>,
            %swap3A_178 = arith.constant 1 : i32
            %swap3A_179 = arith.index_cast %swap3A_178 : i32 to index
            %swap3A_180 = arith.index_cast %mul3A_92 : i32 to index
            %swap3A_181 = tpu.vector_load %arg14[%swap3A_179, %swap3A_180] {strides = array<i32>} : memref<64x256xf32, #tpu.memory_space<vmem>>, vector<16xf32>,
            tpu.vector_store %arg14[%swap3A_179, %swap3A_180], %gather3A_118 {strides = array<i32>} : memref<64x256xf32, #tpu.memory_space<vmem>>, vector<16xf32>,
            %swap3A_182 = arith.constant 2 : i32
            %swap3A_183 = arith.index_cast %swap3A_182 : i32 to index
            %swap3A_184 = arith.index_cast %mul3A_92 : i32 to index
            %swap3A_185 = tpu.vector_load %arg14[%swap3A_183, %swap3A_184] {strides = array<i32>} : memref<64x256xf32, #tpu.memory_space<vmem>>, vector<16xf32>,
            tpu.vector_store %arg14[%swap3A_183, %swap3A_184], %gather3A_122 {strides = array<i32>} : memref<64x256xf32, #tpu.memory_space<vmem>>, vector<16xf32>,
            %swap3A_186 = arith.constant 3 : i32
            %swap3A_187 = arith.index_cast %swap3A_186 : i32 to index
            %swap3A_188 = arith.index_cast %mul3A_92 : i32 to index
            %swap3A_189 = tpu.vector_load %arg14[%swap3A_187, %swap3A_188] {strides = array<i32>} : memref<64x256xf32, #tpu.memory_space<vmem>>, vector<16xf32>,
            tpu.vector_store %arg14[%swap3A_187, %swap3A_188], %gather3A_126 {strides = array<i32>} : memref<64x256xf32, #tpu.memory_space<vmem>>, vector<16xf32>,
            %swap3A_190 = arith.constant 4 : i32
            %swap3A_191 = arith.index_cast %swap3A_190 : i32 to index
            %swap3A_192 = arith.index_cast %mul3A_92 : i32 to index
            %swap3A_193 = tpu.vector_load %arg14[%swap3A_191, %swap3A_192] {strides = array<i32>} : memref<64x256xf32, #tpu.memory_space<vmem>>, vector<16xf32>,
            tpu.vector_store %arg14[%swap3A_191, %swap3A_192], %gather3A_130 {strides = array<i32>} : memref<64x256xf32, #tpu.memory_space<vmem>>, vector<16xf32>,
            %swap3A_194 = arith.constant 5 : i32
            %swap3A_195 = arith.index_cast %swap3A_194 : i32 to index
            %swap3A_196 = arith.index_cast %mul3A_92 : i32 to index
            %swap3A_197 = tpu.vector_load %arg14[%swap3A_195, %swap3A_196] {strides = array<i32>} : memref<64x256xf32, #tpu.memory_space<vmem>>, vector<16xf32>,
            tpu.vector_store %arg14[%swap3A_195, %swap3A_196], %gather3A_134 {strides = array<i32>} : memref<64x256xf32, #tpu.memory_space<vmem>>, vector<16xf32>,
            %swap3A_198 = arith.constant 6 : i32
            %swap3A_199 = arith.index_cast %swap3A_198 : i32 to index
            %swap3A_200 = arith.index_cast %mul3A_92 : i32 to index
            %swap3A_201 = tpu.vector_load %arg14[%swap3A_199, %swap3A_200] {strides = array<i32>} : memref<64x256xf32, #tpu.memory_space<vmem>>, vector<16xf32>,
            tpu.vector_store %arg14[%swap3A_199, %swap3A_200], %gather3A_138 {strides = array<i32>} : memref<64x256xf32, #tpu.memory_space<vmem>>, vector<16xf32>,
            %swap3A_202 = arith.constant 7 : i32
            %swap3A_203 = arith.index_cast %swap3A_202 : i32 to index
            %swap3A_204 = arith.index_cast %mul3A_92 : i32 to index
            %swap3A_205 = tpu.vector_load %arg14[%swap3A_203, %swap3A_204] {strides = array<i32>} : memref<64x256xf32, #tpu.memory_space<vmem>>, vector<16xf32>,
            tpu.vector_store %arg14[%swap3A_203, %swap3A_204], %gather3A_142 {strides = array<i32>} : memref<64x256xf32, #tpu.memory_space<vmem>>, vector<16xf32>,
            %swap3A_206 = arith.constant 8 : i32
            %swap3A_207 = arith.index_cast %swap3A_206 : i32 to index
            %swap3A_208 = arith.index_cast %mul3A_92 : i32 to index
            %swap3A_209 = tpu.vector_load %arg14[%swap3A_207, %swap3A_208] {strides = array<i32>} : memref<64x256xf32, #tpu.memory_space<vmem>>, vector<16xf32>,
            tpu.vector_store %arg14[%swap3A_207, %swap3A_208], %gather3A_146 {strides = array<i32>} : memref<64x256xf32, #tpu.memory_space<vmem>>, vector<16xf32>,
            %swap3A_210 = arith.constant 9 : i32
            %swap3A_211 = arith.index_cast %swap3A_210 : i32 to index
            %swap3A_212 = arith.index_cast %mul3A_92 : i32 to index
            %swap3A_213 = tpu.vector_load %arg14[%swap3A_211, %swap3A_212] {strides = array<i32>} : memref<64x256xf32, #tpu.memory_space<vmem>>, vector<16xf32>,
            tpu.vector_store %arg14[%swap3A_211, %swap3A_212], %gather3A_150 {strides = array<i32>} : memref<64x256xf32, #tpu.memory_space<vmem>>, vector<16xf32>,
            %swap3A_214 = arith.constant 10 : i32
            %swap3A_215 = arith.index_cast %swap3A_214 : i32 to index
            %swap3A_216 = arith.index_cast %mul3A_92 : i32 to index
            %swap3A_217 = tpu.vector_load %arg14[%swap3A_215, %swap3A_216] {strides = array<i32>} : memref<64x256xf32, #tpu.memory_space<vmem>>, vector<16xf32>,
            tpu.vector_store %arg14[%swap3A_215, %swap3A_216], %gather3A_154 {strides = array<i32>} : memref<64x256xf32, #tpu.memory_space<vmem>>, vector<16xf32>,
            %swap3A_218 = arith.constant 11 : i32
            %swap3A_219 = arith.index_cast %swap3A_218 : i32 to index
            %swap3A_220 = arith.index_cast %mul3A_92 : i32 to index
            %swap3A_221 = tpu.vector_load %arg14[%swap3A_219, %swap3A_220] {strides = array<i32>} : memref<64x256xf32, #tpu.memory_space<vmem>>, vector<16xf32>,
            tpu.vector_store %arg14[%swap3A_219, %swap3A_220], %gather3A_158 {strides = array<i32>} : memref<64x256xf32, #tpu.memory_space<vmem>>, vector<16xf32>,
            %swap3A_222 = arith.constant 12 : i32
            %swap3A_223 = arith.index_cast %swap3A_222 : i32 to index
            %swap3A_224 = arith.index_cast %mul3A_92 : i32 to index
            %swap3A_225 = tpu.vector_load %arg14[%swap3A_223, %swap3A_224] {strides = array<i32>} : memref<64x256xf32, #tpu.memory_space<vmem>>, vector<16xf32>,
            tpu.vector_store %arg14[%swap3A_223, %swap3A_224], %gather3A_162 {strides = array<i32>} : memref<64x256xf32, #tpu.memory_space<vmem>>, vector<16xf32>,
            %swap3A_226 = arith.constant 13 : i32
            %swap3A_227 = arith.index_cast %swap3A_226 : i32 to index
            %swap3A_228 = arith.index_cast %mul3A_92 : i32 to index
            %swap3A_229 = tpu.vector_load %arg14[%swap3A_227, %swap3A_228] {strides = array<i32>} : memref<64x256xf32, #tpu.memory_space<vmem>>, vector<16xf32>,
            tpu.vector_store %arg14[%swap3A_227, %swap3A_228], %gather3A_166 {strides = array<i32>} : memref<64x256xf32, #tpu.memory_space<vmem>>, vector<16xf32>,
            %swap3A_230 = arith.constant 14 : i32
            %swap3A_231 = arith.index_cast %swap3A_230 : i32 to index
            %swap3A_232 = arith.index_cast %mul3A_92 : i32 to index
            %swap3A_233 = tpu.vector_load %arg14[%swap3A_231, %swap3A_232] {strides = array<i32>} : memref<64x256xf32, #tpu.memory_space<vmem>>, vector<16xf32>,
            tpu.vector_store %arg14[%swap3A_231, %swap3A_232], %gather3A_170 {strides = array<i32>} : memref<64x256xf32, #tpu.memory_space<vmem>>, vector<16xf32>,
            %swap3A_234 = arith.constant 15 : i32
            %swap3A_235 = arith.index_cast %swap3A_234 : i32 to index
            %swap3A_236 = arith.index_cast %mul3A_92 : i32 to index
            %swap3A_237 = tpu.vector_load %arg14[%swap3A_235, %swap3A_236] {strides = array<i32>} : memref<64x256xf32, #tpu.memory_space<vmem>>, vector<16xf32>,
            tpu.vector_store %arg14[%swap3A_235, %swap3A_236], %gather3A_174 {strides = array<i32>} : memref<64x256xf32, #tpu.memory_space<vmem>>, vector<16xf32>,
            %add3A_238 = arith.constant 624 : i32
            %add3A_239 = vector.broadcast %add3A_238 : i32 to vector<16xi32>
            %add3A_240 = arith.addi %min3A_100, %add3A_239 : vector<16xi32>
            %gather3A_241 = tpu.vector_load_idx %arg10[%add3A_240] : memref<1248xf32, #tpu.memory_space<vmem>>[vector<16xi32>], vector<16xf32>,
            %add3A_242 = arith.constant 663 : i32
            %add3A_243 = vector.broadcast %add3A_242 : i32 to vector<16xi32>
            %add3A_244 = arith.addi %min3A_100, %add3A_243 : vector<16xi32>
            %gather3A_245 = tpu.vector_load_idx %arg10[%add3A_244] : memref<1248xf32, #tpu.memory_space<vmem>>[vector<16xi32>], vector<16xf32>,
            %add3A_246 = arith.constant 702 : i32
            %add3A_247 = vector.broadcast %add3A_246 : i32 to vector<16xi32>
            %add3A_248 = arith.addi %min3A_100, %add3A_247 : vector<16xi32>
            %gather3A_249 = tpu.vector_load_idx %arg10[%add3A_248] : memref<1248xf32, #tpu.memory_space<vmem>>[vector<16xi32>], vector<16xf32>,
            %add3A_250 = arith.constant 741 : i32
            %add3A_251 = vector.broadcast %add3A_250 : i32 to vector<16xi32>
            %add3A_252 = arith.addi %min3A_100, %add3A_251 : vector<16xi32>
            %gather3A_253 = tpu.vector_load_idx %arg10[%add3A_252] : memref<1248xf32, #tpu.memory_space<vmem>>[vector<16xi32>], vector<16xf32>,
            %add3A_254 = arith.constant 780 : i32
            %add3A_255 = vector.broadcast %add3A_254 : i32 to vector<16xi32>
            %add3A_256 = arith.addi %min3A_100, %add3A_255 : vector<16xi32>
            %gather3A_257 = tpu.vector_load_idx %arg10[%add3A_256] : memref<1248xf32, #tpu.memory_space<vmem>>[vector<16xi32>], vector<16xf32>,
            %add3A_258 = arith.constant 819 : i32
            %add3A_259 = vector.broadcast %add3A_258 : i32 to vector<16xi32>
            %add3A_260 = arith.addi %min3A_100, %add3A_259 : vector<16xi32>
            %gather3A_261 = tpu.vector_load_idx %arg10[%add3A_260] : memref<1248xf32, #tpu.memory_space<vmem>>[vector<16xi32>], vector<16xf32>,
            %add3A_262 = arith.constant 858 : i32
            %add3A_263 = vector.broadcast %add3A_262 : i32 to vector<16xi32>
            %add3A_264 = arith.addi %min3A_100, %add3A_263 : vector<16xi32>
            %gather3A_265 = tpu.vector_load_idx %arg10[%add3A_264] : memref<1248xf32, #tpu.memory_space<vmem>>[vector<16xi32>], vector<16xf32>,
            %add3A_266 = arith.constant 897 : i32
            %add3A_267 = vector.broadcast %add3A_266 : i32 to vector<16xi32>
            %add3A_268 = arith.addi %min3A_100, %add3A_267 : vector<16xi32>
            %gather3A_269 = tpu.vector_load_idx %arg10[%add3A_268] : memref<1248xf32, #tpu.memory_space<vmem>>[vector<16xi32>], vector<16xf32>,
            %add3A_270 = arith.constant 936 : i32
            %add3A_271 = vector.broadcast %add3A_270 : i32 to vector<16xi32>
            %add3A_272 = arith.addi %min3A_100, %add3A_271 : vector<16xi32>
            %gather3A_273 = tpu.vector_load_idx %arg10[%add3A_272] : memref<1248xf32, #tpu.memory_space<vmem>>[vector<16xi32>], vector<16xf32>,
            %add3A_274 = arith.constant 975 : i32
            %add3A_275 = vector.broadcast %add3A_274 : i32 to vector<16xi32>
            %add3A_276 = arith.addi %min3A_100, %add3A_275 : vector<16xi32>
            %gather3A_277 = tpu.vector_load_idx %arg10[%add3A_276] : memref<1248xf32, #tpu.memory_space<vmem>>[vector<16xi32>], vector<16xf32>,
            %add3A_278 = arith.constant 1014 : i32
            %add3A_279 = vector.broadcast %add3A_278 : i32 to vector<16xi32>
            %add3A_280 = arith.addi %min3A_100, %add3A_279 : vector<16xi32>
            %gather3A_281 = tpu.vector_load_idx %arg10[%add3A_280] : memref<1248xf32, #tpu.memory_space<vmem>>[vector<16xi32>], vector<16xf32>,
            %add3A_282 = arith.constant 1053 : i32
            %add3A_283 = vector.broadcast %add3A_282 : i32 to vector<16xi32>
            %add3A_284 = arith.addi %min3A_100, %add3A_283 : vector<16xi32>
            %gather3A_285 = tpu.vector_load_idx %arg10[%add3A_284] : memref<1248xf32, #tpu.memory_space<vmem>>[vector<16xi32>], vector<16xf32>,
            %add3A_286 = arith.constant 1092 : i32
            %add3A_287 = vector.broadcast %add3A_286 : i32 to vector<16xi32>
            %add3A_288 = arith.addi %min3A_100, %add3A_287 : vector<16xi32>
            %gather3A_289 = tpu.vector_load_idx %arg10[%add3A_288] : memref<1248xf32, #tpu.memory_space<vmem>>[vector<16xi32>], vector<16xf32>,
            %add3A_290 = arith.constant 1131 : i32
            %add3A_291 = vector.broadcast %add3A_290 : i32 to vector<16xi32>
            %add3A_292 = arith.addi %min3A_100, %add3A_291 : vector<16xi32>
            %gather3A_293 = tpu.vector_load_idx %arg10[%add3A_292] : memref<1248xf32, #tpu.memory_space<vmem>>[vector<16xi32>], vector<16xf32>,
            %add3A_294 = arith.constant 1170 : i32
            %add3A_295 = vector.broadcast %add3A_294 : i32 to vector<16xi32>
            %add3A_296 = arith.addi %min3A_100, %add3A_295 : vector<16xi32>
            %gather3A_297 = tpu.vector_load_idx %arg10[%add3A_296] : memref<1248xf32, #tpu.memory_space<vmem>>[vector<16xi32>], vector<16xf32>,
            %add3A_298 = arith.constant 1209 : i32
            %add3A_299 = vector.broadcast %add3A_298 : i32 to vector<16xi32>
            %add3A_300 = arith.addi %min3A_100, %add3A_299 : vector<16xi32>
            %gather3A_301 = tpu.vector_load_idx %arg10[%add3A_300] : memref<1248xf32, #tpu.memory_space<vmem>>[vector<16xi32>], vector<16xf32>,
            %swap3A_302 = arith.constant 16 : i32
            %swap3A_303 = arith.index_cast %swap3A_302 : i32 to index
            %swap3A_304 = arith.index_cast %mul3A_92 : i32 to index
            %swap3A_305 = tpu.vector_load %arg14[%swap3A_303, %swap3A_304] {strides = array<i32>} : memref<64x256xf32, #tpu.memory_space<vmem>>, vector<16xf32>,
            tpu.vector_store %arg14[%swap3A_303, %swap3A_304], %gather3A_241 {strides = array<i32>} : memref<64x256xf32, #tpu.memory_space<vmem>>, vector<16xf32>,
            %swap3A_306 = arith.constant 17 : i32
            %swap3A_307 = arith.index_cast %swap3A_306 : i32 to index
            %swap3A_308 = arith.index_cast %mul3A_92 : i32 to index
            %swap3A_309 = tpu.vector_load %arg14[%swap3A_307, %swap3A_308] {strides = array<i32>} : memref<64x256xf32, #tpu.memory_space<vmem>>, vector<16xf32>,
            tpu.vector_store %arg14[%swap3A_307, %swap3A_308], %gather3A_245 {strides = array<i32>} : memref<64x256xf32, #tpu.memory_space<vmem>>, vector<16xf32>,
            %swap3A_310 = arith.constant 18 : i32
            %swap3A_311 = arith.index_cast %swap3A_310 : i32 to index
            %swap3A_312 = arith.index_cast %mul3A_92 : i32 to index
            %swap3A_313 = tpu.vector_load %arg14[%swap3A_311, %swap3A_312] {strides = array<i32>} : memref<64x256xf32, #tpu.memory_space<vmem>>, vector<16xf32>,
            tpu.vector_store %arg14[%swap3A_311, %swap3A_312], %gather3A_249 {strides = array<i32>} : memref<64x256xf32, #tpu.memory_space<vmem>>, vector<16xf32>,
            %swap3A_314 = arith.constant 19 : i32
            %swap3A_315 = arith.index_cast %swap3A_314 : i32 to index
            %swap3A_316 = arith.index_cast %mul3A_92 : i32 to index
            %swap3A_317 = tpu.vector_load %arg14[%swap3A_315, %swap3A_316] {strides = array<i32>} : memref<64x256xf32, #tpu.memory_space<vmem>>, vector<16xf32>,
            tpu.vector_store %arg14[%swap3A_315, %swap3A_316], %gather3A_253 {strides = array<i32>} : memref<64x256xf32, #tpu.memory_space<vmem>>, vector<16xf32>,
            %swap3A_318 = arith.constant 20 : i32
            %swap3A_319 = arith.index_cast %swap3A_318 : i32 to index
            %swap3A_320 = arith.index_cast %mul3A_92 : i32 to index
            %swap3A_321 = tpu.vector_load %arg14[%swap3A_319, %swap3A_320] {strides = array<i32>} : memref<64x256xf32, #tpu.memory_space<vmem>>, vector<16xf32>,
            tpu.vector_store %arg14[%swap3A_319, %swap3A_320], %gather3A_257 {strides = array<i32>} : memref<64x256xf32, #tpu.memory_space<vmem>>, vector<16xf32>,
            %swap3A_322 = arith.constant 21 : i32
            %swap3A_323 = arith.index_cast %swap3A_322 : i32 to index
            %swap3A_324 = arith.index_cast %mul3A_92 : i32 to index
            %swap3A_325 = tpu.vector_load %arg14[%swap3A_323, %swap3A_324] {strides = array<i32>} : memref<64x256xf32, #tpu.memory_space<vmem>>, vector<16xf32>,
            tpu.vector_store %arg14[%swap3A_323, %swap3A_324], %gather3A_261 {strides = array<i32>} : memref<64x256xf32, #tpu.memory_space<vmem>>, vector<16xf32>,
            %swap3A_326 = arith.constant 22 : i32
            %swap3A_327 = arith.index_cast %swap3A_326 : i32 to index
            %swap3A_328 = arith.index_cast %mul3A_92 : i32 to index
            %swap3A_329 = tpu.vector_load %arg14[%swap3A_327, %swap3A_328] {strides = array<i32>} : memref<64x256xf32, #tpu.memory_space<vmem>>, vector<16xf32>,
            tpu.vector_store %arg14[%swap3A_327, %swap3A_328], %gather3A_265 {strides = array<i32>} : memref<64x256xf32, #tpu.memory_space<vmem>>, vector<16xf32>,
            %swap3A_330 = arith.constant 23 : i32
            %swap3A_331 = arith.index_cast %swap3A_330 : i32 to index
            %swap3A_332 = arith.index_cast %mul3A_92 : i32 to index
            %swap3A_333 = tpu.vector_load %arg14[%swap3A_331, %swap3A_332] {strides = array<i32>} : memref<64x256xf32, #tpu.memory_space<vmem>>, vector<16xf32>,
            tpu.vector_store %arg14[%swap3A_331, %swap3A_332], %gather3A_269 {strides = array<i32>} : memref<64x256xf32, #tpu.memory_space<vmem>>, vector<16xf32>,
            %swap3A_334 = arith.constant 24 : i32
            %swap3A_335 = arith.index_cast %swap3A_334 : i32 to index
            %swap3A_336 = arith.index_cast %mul3A_92 : i32 to index
            %swap3A_337 = tpu.vector_load %arg14[%swap3A_335, %swap3A_336] {strides = array<i32>} : memref<64x256xf32, #tpu.memory_space<vmem>>, vector<16xf32>,
            tpu.vector_store %arg14[%swap3A_335, %swap3A_336], %gather3A_273 {strides = array<i32>} : memref<64x256xf32, #tpu.memory_space<vmem>>, vector<16xf32>,
            %swap3A_338 = arith.constant 25 : i32
            %swap3A_339 = arith.index_cast %swap3A_338 : i32 to index
            %swap3A_340 = arith.index_cast %mul3A_92 : i32 to index
            %swap3A_341 = tpu.vector_load %arg14[%swap3A_339, %swap3A_340] {strides = array<i32>} : memref<64x256xf32, #tpu.memory_space<vmem>>, vector<16xf32>,
            tpu.vector_store %arg14[%swap3A_339, %swap3A_340], %gather3A_277 {strides = array<i32>} : memref<64x256xf32, #tpu.memory_space<vmem>>, vector<16xf32>,
            %swap3A_342 = arith.constant 26 : i32
            %swap3A_343 = arith.index_cast %swap3A_342 : i32 to index
            %swap3A_344 = arith.index_cast %mul3A_92 : i32 to index
            %swap3A_345 = tpu.vector_load %arg14[%swap3A_343, %swap3A_344] {strides = array<i32>} : memref<64x256xf32, #tpu.memory_space<vmem>>, vector<16xf32>,
            tpu.vector_store %arg14[%swap3A_343, %swap3A_344], %gather3A_281 {strides = array<i32>} : memref<64x256xf32, #tpu.memory_space<vmem>>, vector<16xf32>,
            %swap3A_346 = arith.constant 27 : i32
            %swap3A_347 = arith.index_cast %swap3A_346 : i32 to index
            %swap3A_348 = arith.index_cast %mul3A_92 : i32 to index
            %swap3A_349 = tpu.vector_load %arg14[%swap3A_347, %swap3A_348] {strides = array<i32>} : memref<64x256xf32, #tpu.memory_space<vmem>>, vector<16xf32>,
            tpu.vector_store %arg14[%swap3A_347, %swap3A_348], %gather3A_285 {strides = array<i32>} : memref<64x256xf32, #tpu.memory_space<vmem>>, vector<16xf32>,
            %swap3A_350 = arith.constant 28 : i32
            %swap3A_351 = arith.index_cast %swap3A_350 : i32 to index
            %swap3A_352 = arith.index_cast %mul3A_92 : i32 to index
            %swap3A_353 = tpu.vector_load %arg14[%swap3A_351, %swap3A_352] {strides = array<i32>} : memref<64x256xf32, #tpu.memory_space<vmem>>, vector<16xf32>,
            tpu.vector_store %arg14[%swap3A_351, %swap3A_352], %gather3A_289 {strides = array<i32>} : memref<64x256xf32, #tpu.memory_space<vmem>>, vector<16xf32>,
            %swap3A_354 = arith.constant 29 : i32
            %swap3A_355 = arith.index_cast %swap3A_354 : i32 to index
            %swap3A_356 = arith.index_cast %mul3A_92 : i32 to index
            %swap3A_357 = tpu.vector_load %arg14[%swap3A_355, %swap3A_356] {strides = array<i32>} : memref<64x256xf32, #tpu.memory_space<vmem>>, vector<16xf32>,
            tpu.vector_store %arg14[%swap3A_355, %swap3A_356], %gather3A_293 {strides = array<i32>} : memref<64x256xf32, #tpu.memory_space<vmem>>, vector<16xf32>,
            %swap3A_358 = arith.constant 30 : i32
            %swap3A_359 = arith.index_cast %swap3A_358 : i32 to index
            %swap3A_360 = arith.index_cast %mul3A_92 : i32 to index
            %swap3A_361 = tpu.vector_load %arg14[%swap3A_359, %swap3A_360] {strides = array<i32>} : memref<64x256xf32, #tpu.memory_space<vmem>>, vector<16xf32>,
            tpu.vector_store %arg14[%swap3A_359, %swap3A_360], %gather3A_297 {strides = array<i32>} : memref<64x256xf32, #tpu.memory_space<vmem>>, vector<16xf32>,
            %swap3A_362 = arith.constant 31 : i32
            %swap3A_363 = arith.index_cast %swap3A_362 : i32 to index
            %swap3A_364 = arith.index_cast %mul3A_92 : i32 to index
            %swap3A_365 = tpu.vector_load %arg14[%swap3A_363, %swap3A_364] {strides = array<i32>} : memref<64x256xf32, #tpu.memory_space<vmem>>, vector<16xf32>,
            tpu.vector_store %arg14[%swap3A_363, %swap3A_364], %gather3A_301 {strides = array<i32>} : memref<64x256xf32, #tpu.memory_space<vmem>>, vector<16xf32>,
            %add3A_366 = arith.constant 0 : i32
            %add3A_367 = vector.broadcast %add3A_366 : i32 to vector<16xi32>
            %add3A_368 = arith.addi %min3A_111, %add3A_367 : vector<16xi32>
            %gather3A_369 = tpu.vector_load_idx %arg11[%add3A_368] : memref<128xf32, #tpu.memory_space<vmem>>[vector<16xi32>], vector<16xf32>,
            %add3A_370 = arith.constant 8 : i32
            %add3A_371 = vector.broadcast %add3A_370 : i32 to vector<16xi32>
            %add3A_372 = arith.addi %min3A_111, %add3A_371 : vector<16xi32>
            %gather3A_373 = tpu.vector_load_idx %arg11[%add3A_372] : memref<128xf32, #tpu.memory_space<vmem>>[vector<16xi32>], vector<16xf32>,
            %add3A_374 = arith.constant 16 : i32
            %add3A_375 = vector.broadcast %add3A_374 : i32 to vector<16xi32>
            %add3A_376 = arith.addi %min3A_111, %add3A_375 : vector<16xi32>
            %gather3A_377 = tpu.vector_load_idx %arg11[%add3A_376] : memref<128xf32, #tpu.memory_space<vmem>>[vector<16xi32>], vector<16xf32>,
            %add3A_378 = arith.constant 24 : i32
            %add3A_379 = vector.broadcast %add3A_378 : i32 to vector<16xi32>
            %add3A_380 = arith.addi %min3A_111, %add3A_379 : vector<16xi32>
            %gather3A_381 = tpu.vector_load_idx %arg11[%add3A_380] : memref<128xf32, #tpu.memory_space<vmem>>[vector<16xi32>], vector<16xf32>,
            %add3A_382 = arith.constant 32 : i32
            %add3A_383 = vector.broadcast %add3A_382 : i32 to vector<16xi32>
            %add3A_384 = arith.addi %min3A_111, %add3A_383 : vector<16xi32>
            %gather3A_385 = tpu.vector_load_idx %arg11[%add3A_384] : memref<128xf32, #tpu.memory_space<vmem>>[vector<16xi32>], vector<16xf32>,
            %add3A_386 = arith.constant 40 : i32
            %add3A_387 = vector.broadcast %add3A_386 : i32 to vector<16xi32>
            %add3A_388 = arith.addi %min3A_111, %add3A_387 : vector<16xi32>
            %gather3A_389 = tpu.vector_load_idx %arg11[%add3A_388] : memref<128xf32, #tpu.memory_space<vmem>>[vector<16xi32>], vector<16xf32>,
            %add3A_390 = arith.constant 48 : i32
            %add3A_391 = vector.broadcast %add3A_390 : i32 to vector<16xi32>
            %add3A_392 = arith.addi %min3A_111, %add3A_391 : vector<16xi32>
            %gather3A_393 = tpu.vector_load_idx %arg11[%add3A_392] : memref<128xf32, #tpu.memory_space<vmem>>[vector<16xi32>], vector<16xf32>,
            %add3A_394 = arith.constant 56 : i32
            %add3A_395 = vector.broadcast %add3A_394 : i32 to vector<16xi32>
            %add3A_396 = arith.addi %min3A_111, %add3A_395 : vector<16xi32>
            %gather3A_397 = tpu.vector_load_idx %arg11[%add3A_396] : memref<128xf32, #tpu.memory_space<vmem>>[vector<16xi32>], vector<16xf32>,
            %add3A_398 = arith.constant 64 : i32
            %add3A_399 = vector.broadcast %add3A_398 : i32 to vector<16xi32>
            %add3A_400 = arith.addi %min3A_111, %add3A_399 : vector<16xi32>
            %gather3A_401 = tpu.vector_load_idx %arg11[%add3A_400] : memref<128xf32, #tpu.memory_space<vmem>>[vector<16xi32>], vector<16xf32>,
            %add3A_402 = arith.constant 72 : i32
            %add3A_403 = vector.broadcast %add3A_402 : i32 to vector<16xi32>
            %add3A_404 = arith.addi %min3A_111, %add3A_403 : vector<16xi32>
            %gather3A_405 = tpu.vector_load_idx %arg11[%add3A_404] : memref<128xf32, #tpu.memory_space<vmem>>[vector<16xi32>], vector<16xf32>,
            %add3A_406 = arith.constant 80 : i32
            %add3A_407 = vector.broadcast %add3A_406 : i32 to vector<16xi32>
            %add3A_408 = arith.addi %min3A_111, %add3A_407 : vector<16xi32>
            %gather3A_409 = tpu.vector_load_idx %arg11[%add3A_408] : memref<128xf32, #tpu.memory_space<vmem>>[vector<16xi32>], vector<16xf32>,
            %add3A_410 = arith.constant 88 : i32
            %add3A_411 = vector.broadcast %add3A_410 : i32 to vector<16xi32>
            %add3A_412 = arith.addi %min3A_111, %add3A_411 : vector<16xi32>
            %gather3A_413 = tpu.vector_load_idx %arg11[%add3A_412] : memref<128xf32, #tpu.memory_space<vmem>>[vector<16xi32>], vector<16xf32>,
            %add3A_414 = arith.constant 96 : i32
            %add3A_415 = vector.broadcast %add3A_414 : i32 to vector<16xi32>
            %add3A_416 = arith.addi %min3A_111, %add3A_415 : vector<16xi32>
            %gather3A_417 = tpu.vector_load_idx %arg11[%add3A_416] : memref<128xf32, #tpu.memory_space<vmem>>[vector<16xi32>], vector<16xf32>,
            %add3A_418 = arith.constant 104 : i32
            %add3A_419 = vector.broadcast %add3A_418 : i32 to vector<16xi32>
            %add3A_420 = arith.addi %min3A_111, %add3A_419 : vector<16xi32>
            %gather3A_421 = tpu.vector_load_idx %arg11[%add3A_420] : memref<128xf32, #tpu.memory_space<vmem>>[vector<16xi32>], vector<16xf32>,
            %add3A_422 = arith.constant 112 : i32
            %add3A_423 = vector.broadcast %add3A_422 : i32 to vector<16xi32>
            %add3A_424 = arith.addi %min3A_111, %add3A_423 : vector<16xi32>
            %gather3A_425 = tpu.vector_load_idx %arg11[%add3A_424] : memref<128xf32, #tpu.memory_space<vmem>>[vector<16xi32>], vector<16xf32>,
            %add3A_426 = arith.constant 120 : i32
            %add3A_427 = vector.broadcast %add3A_426 : i32 to vector<16xi32>
            %add3A_428 = arith.addi %min3A_111, %add3A_427 : vector<16xi32>
            %gather3A_429 = tpu.vector_load_idx %arg11[%add3A_428] : memref<128xf32, #tpu.memory_space<vmem>>[vector<16xi32>], vector<16xf32>,
            %swap3A_430 = arith.constant 32 : i32
            %swap3A_431 = arith.index_cast %swap3A_430 : i32 to index
            %swap3A_432 = arith.index_cast %mul3A_92 : i32 to index
            %swap3A_433 = tpu.vector_load %arg14[%swap3A_431, %swap3A_432] {strides = array<i32>} : memref<64x256xf32, #tpu.memory_space<vmem>>, vector<16xf32>,
            tpu.vector_store %arg14[%swap3A_431, %swap3A_432], %gather3A_369 {strides = array<i32>} : memref<64x256xf32, #tpu.memory_space<vmem>>, vector<16xf32>,
            %swap3A_434 = arith.constant 33 : i32
            %swap3A_435 = arith.index_cast %swap3A_434 : i32 to index
            %swap3A_436 = arith.index_cast %mul3A_92 : i32 to index
            %swap3A_437 = tpu.vector_load %arg14[%swap3A_435, %swap3A_436] {strides = array<i32>} : memref<64x256xf32, #tpu.memory_space<vmem>>, vector<16xf32>,
            tpu.vector_store %arg14[%swap3A_435, %swap3A_436], %gather3A_373 {strides = array<i32>} : memref<64x256xf32, #tpu.memory_space<vmem>>, vector<16xf32>,
            %swap3A_438 = arith.constant 34 : i32
            %swap3A_439 = arith.index_cast %swap3A_438 : i32 to index
            %swap3A_440 = arith.index_cast %mul3A_92 : i32 to index
            %swap3A_441 = tpu.vector_load %arg14[%swap3A_439, %swap3A_440] {strides = array<i32>} : memref<64x256xf32, #tpu.memory_space<vmem>>, vector<16xf32>,
            tpu.vector_store %arg14[%swap3A_439, %swap3A_440], %gather3A_377 {strides = array<i32>} : memref<64x256xf32, #tpu.memory_space<vmem>>, vector<16xf32>,
            %swap3A_442 = arith.constant 35 : i32
            %swap3A_443 = arith.index_cast %swap3A_442 : i32 to index
            %swap3A_444 = arith.index_cast %mul3A_92 : i32 to index
            %swap3A_445 = tpu.vector_load %arg14[%swap3A_443, %swap3A_444] {strides = array<i32>} : memref<64x256xf32, #tpu.memory_space<vmem>>, vector<16xf32>,
            tpu.vector_store %arg14[%swap3A_443, %swap3A_444], %gather3A_381 {strides = array<i32>} : memref<64x256xf32, #tpu.memory_space<vmem>>, vector<16xf32>,
            %swap3A_446 = arith.constant 36 : i32
            %swap3A_447 = arith.index_cast %swap3A_446 : i32 to index
            %swap3A_448 = arith.index_cast %mul3A_92 : i32 to index
            %swap3A_449 = tpu.vector_load %arg14[%swap3A_447, %swap3A_448] {strides = array<i32>} : memref<64x256xf32, #tpu.memory_space<vmem>>, vector<16xf32>,
            tpu.vector_store %arg14[%swap3A_447, %swap3A_448], %gather3A_385 {strides = array<i32>} : memref<64x256xf32, #tpu.memory_space<vmem>>, vector<16xf32>,
            %swap3A_450 = arith.constant 37 : i32
            %swap3A_451 = arith.index_cast %swap3A_450 : i32 to index
            %swap3A_452 = arith.index_cast %mul3A_92 : i32 to index
            %swap3A_453 = tpu.vector_load %arg14[%swap3A_451, %swap3A_452] {strides = array<i32>} : memref<64x256xf32, #tpu.memory_space<vmem>>, vector<16xf32>,
            tpu.vector_store %arg14[%swap3A_451, %swap3A_452], %gather3A_389 {strides = array<i32>} : memref<64x256xf32, #tpu.memory_space<vmem>>, vector<16xf32>,
            %swap3A_454 = arith.constant 38 : i32
            %swap3A_455 = arith.index_cast %swap3A_454 : i32 to index
            %swap3A_456 = arith.index_cast %mul3A_92 : i32 to index
            %swap3A_457 = tpu.vector_load %arg14[%swap3A_455, %swap3A_456] {strides = array<i32>} : memref<64x256xf32, #tpu.memory_space<vmem>>, vector<16xf32>,
            tpu.vector_store %arg14[%swap3A_455, %swap3A_456], %gather3A_393 {strides = array<i32>} : memref<64x256xf32, #tpu.memory_space<vmem>>, vector<16xf32>,
            %swap3A_458 = arith.constant 39 : i32
            %swap3A_459 = arith.index_cast %swap3A_458 : i32 to index
            %swap3A_460 = arith.index_cast %mul3A_92 : i32 to index
            %swap3A_461 = tpu.vector_load %arg14[%swap3A_459, %swap3A_460] {strides = array<i32>} : memref<64x256xf32, #tpu.memory_space<vmem>>, vector<16xf32>,
            tpu.vector_store %arg14[%swap3A_459, %swap3A_460], %gather3A_397 {strides = array<i32>} : memref<64x256xf32, #tpu.memory_space<vmem>>, vector<16xf32>,
            %swap3A_462 = arith.constant 40 : i32
            %swap3A_463 = arith.index_cast %swap3A_462 : i32 to index
            %swap3A_464 = arith.index_cast %mul3A_92 : i32 to index
            %swap3A_465 = tpu.vector_load %arg14[%swap3A_463, %swap3A_464] {strides = array<i32>} : memref<64x256xf32, #tpu.memory_space<vmem>>, vector<16xf32>,
            tpu.vector_store %arg14[%swap3A_463, %swap3A_464], %gather3A_401 {strides = array<i32>} : memref<64x256xf32, #tpu.memory_space<vmem>>, vector<16xf32>,
            %swap3A_466 = arith.constant 41 : i32
            %swap3A_467 = arith.index_cast %swap3A_466 : i32 to index
            %swap3A_468 = arith.index_cast %mul3A_92 : i32 to index
            %swap3A_469 = tpu.vector_load %arg14[%swap3A_467, %swap3A_468] {strides = array<i32>} : memref<64x256xf32, #tpu.memory_space<vmem>>, vector<16xf32>,
            tpu.vector_store %arg14[%swap3A_467, %swap3A_468], %gather3A_405 {strides = array<i32>} : memref<64x256xf32, #tpu.memory_space<vmem>>, vector<16xf32>,
            %swap3A_470 = arith.constant 42 : i32
            %swap3A_471 = arith.index_cast %swap3A_470 : i32 to index
            %swap3A_472 = arith.index_cast %mul3A_92 : i32 to index
            %swap3A_473 = tpu.vector_load %arg14[%swap3A_471, %swap3A_472] {strides = array<i32>} : memref<64x256xf32, #tpu.memory_space<vmem>>, vector<16xf32>,
            tpu.vector_store %arg14[%swap3A_471, %swap3A_472], %gather3A_409 {strides = array<i32>} : memref<64x256xf32, #tpu.memory_space<vmem>>, vector<16xf32>,
            %swap3A_474 = arith.constant 43 : i32
            %swap3A_475 = arith.index_cast %swap3A_474 : i32 to index
            %swap3A_476 = arith.index_cast %mul3A_92 : i32 to index
            %swap3A_477 = tpu.vector_load %arg14[%swap3A_475, %swap3A_476] {strides = array<i32>} : memref<64x256xf32, #tpu.memory_space<vmem>>, vector<16xf32>,
            tpu.vector_store %arg14[%swap3A_475, %swap3A_476], %gather3A_413 {strides = array<i32>} : memref<64x256xf32, #tpu.memory_space<vmem>>, vector<16xf32>,
            %swap3A_478 = arith.constant 44 : i32
            %swap3A_479 = arith.index_cast %swap3A_478 : i32 to index
            %swap3A_480 = arith.index_cast %mul3A_92 : i32 to index
            %swap3A_481 = tpu.vector_load %arg14[%swap3A_479, %swap3A_480] {strides = array<i32>} : memref<64x256xf32, #tpu.memory_space<vmem>>, vector<16xf32>,
            tpu.vector_store %arg14[%swap3A_479, %swap3A_480], %gather3A_417 {strides = array<i32>} : memref<64x256xf32, #tpu.memory_space<vmem>>, vector<16xf32>,
            %swap3A_482 = arith.constant 45 : i32
            %swap3A_483 = arith.index_cast %swap3A_482 : i32 to index
            %swap3A_484 = arith.index_cast %mul3A_92 : i32 to index
            %swap3A_485 = tpu.vector_load %arg14[%swap3A_483, %swap3A_484] {strides = array<i32>} : memref<64x256xf32, #tpu.memory_space<vmem>>, vector<16xf32>,
            tpu.vector_store %arg14[%swap3A_483, %swap3A_484], %gather3A_421 {strides = array<i32>} : memref<64x256xf32, #tpu.memory_space<vmem>>, vector<16xf32>,
            %swap3A_486 = arith.constant 46 : i32
            %swap3A_487 = arith.index_cast %swap3A_486 : i32 to index
            %swap3A_488 = arith.index_cast %mul3A_92 : i32 to index
            %swap3A_489 = tpu.vector_load %arg14[%swap3A_487, %swap3A_488] {strides = array<i32>} : memref<64x256xf32, #tpu.memory_space<vmem>>, vector<16xf32>,
            tpu.vector_store %arg14[%swap3A_487, %swap3A_488], %gather3A_425 {strides = array<i32>} : memref<64x256xf32, #tpu.memory_space<vmem>>, vector<16xf32>,
            %swap3A_490 = arith.constant 47 : i32
            %swap3A_491 = arith.index_cast %swap3A_490 : i32 to index
            %swap3A_492 = arith.index_cast %mul3A_92 : i32 to index
            %swap3A_493 = tpu.vector_load %arg14[%swap3A_491, %swap3A_492] {strides = array<i32>} : memref<64x256xf32, #tpu.memory_space<vmem>>, vector<16xf32>,
            tpu.vector_store %arg14[%swap3A_491, %swap3A_492], %gather3A_429 {strides = array<i32>} : memref<64x256xf32, #tpu.memory_space<vmem>>, vector<16xf32>,
            %get3A_494 = arith.constant 2 : i32
            %get3A_495 = arith.index_cast %get3A_494 : i32 to index
            %get3A_496 = arith.index_cast %mul3A_92 : i32 to index
            %get3A_497 = tpu.vector_load %arg13[%get3A_495, %get3A_496] {strides = array<i32>} : memref<16x256xf32, #tpu.memory_space<vmem>>, vector<16xf32>,
            %get3A_498 = arith.constant 3 : i32
            %get3A_499 = arith.index_cast %get3A_498 : i32 to index
            %get3A_500 = arith.index_cast %mul3A_92 : i32 to index
            %get3A_501 = tpu.vector_load %arg13[%get3A_499, %get3A_500] {strides = array<i32>} : memref<16x256xf32, #tpu.memory_space<vmem>>, vector<16xf32>,
            %get3A_502 = arith.constant 4 : i32
            %get3A_503 = arith.index_cast %get3A_502 : i32 to index
            %get3A_504 = arith.index_cast %mul3A_92 : i32 to index
            %get3A_505 = tpu.vector_load %arg13[%get3A_503, %get3A_504] {strides = array<i32>} : memref<16x256xf32, #tpu.memory_space<vmem>>, vector<16xf32>,
            %get3A_506 = arith.constant 5 : i32
            %get3A_507 = arith.index_cast %get3A_506 : i32 to index
            %get3A_508 = arith.index_cast %mul3A_92 : i32 to index
            %get3A_509 = tpu.vector_load %arg13[%get3A_507, %get3A_508] {strides = array<i32>} : memref<16x256xf32, #tpu.memory_space<vmem>>, vector<16xf32>,
            %get3A_510 = arith.constant 6 : i32
            %get3A_511 = arith.index_cast %get3A_510 : i32 to index
            %get3A_512 = arith.index_cast %mul3A_92 : i32 to index
            %get3A_513 = tpu.vector_load %arg13[%get3A_511, %get3A_512] {strides = array<i32>} : memref<16x256xf32, #tpu.memory_space<vmem>>, vector<16xf32>,
            %get3A_514 = arith.constant 7 : i32
            %get3A_515 = arith.index_cast %get3A_514 : i32 to index
            %get3A_516 = arith.index_cast %mul3A_92 : i32 to index
            %get3A_517 = tpu.vector_load %arg13[%get3A_515, %get3A_516] {strides = array<i32>} : memref<16x256xf32, #tpu.memory_space<vmem>>, vector<16xf32>,
            %get3A_518 = arith.constant 8 : i32
            %get3A_519 = arith.index_cast %get3A_518 : i32 to index
            %get3A_520 = arith.index_cast %mul3A_92 : i32 to index
            %get3A_521 = tpu.vector_load %arg13[%get3A_519, %get3A_520] {strides = array<i32>} : memref<16x256xf32, #tpu.memory_space<vmem>>, vector<16xf32>,
            %get3A_522 = arith.constant 9 : i32
            %get3A_523 = arith.index_cast %get3A_522 : i32 to index
            %get3A_524 = arith.index_cast %mul3A_92 : i32 to index
            %get3A_525 = tpu.vector_load %arg13[%get3A_523, %get3A_524] {strides = array<i32>} : memref<16x256xf32, #tpu.memory_space<vmem>>, vector<16xf32>,
            %get3A_526 = arith.constant 10 : i32
            %get3A_527 = arith.index_cast %get3A_526 : i32 to index
            %get3A_528 = arith.index_cast %mul3A_92 : i32 to index
            %get3A_529 = tpu.vector_load %arg13[%get3A_527, %get3A_528] {strides = array<i32>} : memref<16x256xf32, #tpu.memory_space<vmem>>, vector<16xf32>,
            %get3A_530 = arith.constant 11 : i32
            %get3A_531 = arith.index_cast %get3A_530 : i32 to index
            %get3A_532 = arith.index_cast %mul3A_92 : i32 to index
            %get3A_533 = tpu.vector_load %arg13[%get3A_531, %get3A_532] {strides = array<i32>} : memref<16x256xf32, #tpu.memory_space<vmem>>, vector<16xf32>,
            %get3A_534 = arith.constant 12 : i32
            %get3A_535 = arith.index_cast %get3A_534 : i32 to index
            %get3A_536 = arith.index_cast %mul3A_92 : i32 to index
            %get3A_537 = tpu.vector_load %arg13[%get3A_535, %get3A_536] {strides = array<i32>} : memref<16x256xf32, #tpu.memory_space<vmem>>, vector<16xf32>,
            %get3A_538 = arith.constant 13 : i32
            %get3A_539 = arith.index_cast %get3A_538 : i32 to index
            %get3A_540 = arith.index_cast %mul3A_92 : i32 to index
            %get3A_541 = tpu.vector_load %arg13[%get3A_539, %get3A_540] {strides = array<i32>} : memref<16x256xf32, #tpu.memory_space<vmem>>, vector<16xf32>,
            %get3A_542 = arith.constant 14 : i32
            %get3A_543 = arith.index_cast %get3A_542 : i32 to index
            %get3A_544 = arith.index_cast %mul3A_92 : i32 to index
            %get3A_545 = tpu.vector_load %arg13[%get3A_543, %get3A_544] {strides = array<i32>} : memref<16x256xf32, #tpu.memory_space<vmem>>, vector<16xf32>,
            %get3A_546 = arith.constant 15 : i32
            %get3A_547 = arith.index_cast %get3A_546 : i32 to index
            %get3A_548 = arith.index_cast %mul3A_92 : i32 to index
            %get3A_549 = tpu.vector_load %arg13[%get3A_547, %get3A_548] {strides = array<i32>} : memref<16x256xf32, #tpu.memory_space<vmem>>, vector<16xf32>,
            %swap3A_550 = arith.constant 48 : i32
            %swap3A_551 = arith.index_cast %swap3A_550 : i32 to index
            %swap3A_552 = arith.index_cast %mul3A_92 : i32 to index
            %swap3A_553 = tpu.vector_load %arg14[%swap3A_551, %swap3A_552] {strides = array<i32>} : memref<64x256xf32, #tpu.memory_space<vmem>>, vector<16xf32>,
            tpu.vector_store %arg14[%swap3A_551, %swap3A_552], %get3A_497 {strides = array<i32>} : memref<64x256xf32, #tpu.memory_space<vmem>>, vector<16xf32>,
            %swap3A_554 = arith.constant 49 : i32
            %swap3A_555 = arith.index_cast %swap3A_554 : i32 to index
            %swap3A_556 = arith.index_cast %mul3A_92 : i32 to index
            %swap3A_557 = tpu.vector_load %arg14[%swap3A_555, %swap3A_556] {strides = array<i32>} : memref<64x256xf32, #tpu.memory_space<vmem>>, vector<16xf32>,
            tpu.vector_store %arg14[%swap3A_555, %swap3A_556], %get3A_501 {strides = array<i32>} : memref<64x256xf32, #tpu.memory_space<vmem>>, vector<16xf32>,
            %swap3A_558 = arith.constant 50 : i32
            %swap3A_559 = arith.index_cast %swap3A_558 : i32 to index
            %swap3A_560 = arith.index_cast %mul3A_92 : i32 to index
            %swap3A_561 = tpu.vector_load %arg14[%swap3A_559, %swap3A_560] {strides = array<i32>} : memref<64x256xf32, #tpu.memory_space<vmem>>, vector<16xf32>,
            tpu.vector_store %arg14[%swap3A_559, %swap3A_560], %get3A_505 {strides = array<i32>} : memref<64x256xf32, #tpu.memory_space<vmem>>, vector<16xf32>,
            %swap3A_562 = arith.constant 51 : i32
            %swap3A_563 = arith.index_cast %swap3A_562 : i32 to index
            %swap3A_564 = arith.index_cast %mul3A_92 : i32 to index
            %swap3A_565 = tpu.vector_load %arg14[%swap3A_563, %swap3A_564] {strides = array<i32>} : memref<64x256xf32, #tpu.memory_space<vmem>>, vector<16xf32>,
            tpu.vector_store %arg14[%swap3A_563, %swap3A_564], %get3A_509 {strides = array<i32>} : memref<64x256xf32, #tpu.memory_space<vmem>>, vector<16xf32>,
            %swap3A_566 = arith.constant 52 : i32
            %swap3A_567 = arith.index_cast %swap3A_566 : i32 to index
            %swap3A_568 = arith.index_cast %mul3A_92 : i32 to index
            %swap3A_569 = tpu.vector_load %arg14[%swap3A_567, %swap3A_568] {strides = array<i32>} : memref<64x256xf32, #tpu.memory_space<vmem>>, vector<16xf32>,
            tpu.vector_store %arg14[%swap3A_567, %swap3A_568], %get3A_513 {strides = array<i32>} : memref<64x256xf32, #tpu.memory_space<vmem>>, vector<16xf32>,
            %swap3A_570 = arith.constant 53 : i32
            %swap3A_571 = arith.index_cast %swap3A_570 : i32 to index
            %swap3A_572 = arith.index_cast %mul3A_92 : i32 to index
            %swap3A_573 = tpu.vector_load %arg14[%swap3A_571, %swap3A_572] {strides = array<i32>} : memref<64x256xf32, #tpu.memory_space<vmem>>, vector<16xf32>,
            tpu.vector_store %arg14[%swap3A_571, %swap3A_572], %get3A_517 {strides = array<i32>} : memref<64x256xf32, #tpu.memory_space<vmem>>, vector<16xf32>,
            %swap3A_574 = arith.constant 54 : i32
            %swap3A_575 = arith.index_cast %swap3A_574 : i32 to index
            %swap3A_576 = arith.index_cast %mul3A_92 : i32 to index
            %swap3A_577 = tpu.vector_load %arg14[%swap3A_575, %swap3A_576] {strides = array<i32>} : memref<64x256xf32, #tpu.memory_space<vmem>>, vector<16xf32>,
            tpu.vector_store %arg14[%swap3A_575, %swap3A_576], %get3A_521 {strides = array<i32>} : memref<64x256xf32, #tpu.memory_space<vmem>>, vector<16xf32>,
            %swap3A_578 = arith.constant 55 : i32
            %swap3A_579 = arith.index_cast %swap3A_578 : i32 to index
            %swap3A_580 = arith.index_cast %mul3A_92 : i32 to index
            %swap3A_581 = tpu.vector_load %arg14[%swap3A_579, %swap3A_580] {strides = array<i32>} : memref<64x256xf32, #tpu.memory_space<vmem>>, vector<16xf32>,
            tpu.vector_store %arg14[%swap3A_579, %swap3A_580], %get3A_525 {strides = array<i32>} : memref<64x256xf32, #tpu.memory_space<vmem>>, vector<16xf32>,
            %swap3A_582 = arith.constant 56 : i32
            %swap3A_583 = arith.index_cast %swap3A_582 : i32 to index
            %swap3A_584 = arith.index_cast %mul3A_92 : i32 to index
            %swap3A_585 = tpu.vector_load %arg14[%swap3A_583, %swap3A_584] {strides = array<i32>} : memref<64x256xf32, #tpu.memory_space<vmem>>, vector<16xf32>,
            tpu.vector_store %arg14[%swap3A_583, %swap3A_584], %get3A_529 {strides = array<i32>} : memref<64x256xf32, #tpu.memory_space<vmem>>, vector<16xf32>,
            %swap3A_586 = arith.constant 57 : i32
            %swap3A_587 = arith.index_cast %swap3A_586 : i32 to index
            %swap3A_588 = arith.index_cast %mul3A_92 : i32 to index
            %swap3A_589 = tpu.vector_load %arg14[%swap3A_587, %swap3A_588] {strides = array<i32>} : memref<64x256xf32, #tpu.memory_space<vmem>>, vector<16xf32>,
            tpu.vector_store %arg14[%swap3A_587, %swap3A_588], %get3A_533 {strides = array<i32>} : memref<64x256xf32, #tpu.memory_space<vmem>>, vector<16xf32>,
            %swap3A_590 = arith.constant 58 : i32
            %swap3A_591 = arith.index_cast %swap3A_590 : i32 to index
            %swap3A_592 = arith.index_cast %mul3A_92 : i32 to index
            %swap3A_593 = tpu.vector_load %arg14[%swap3A_591, %swap3A_592] {strides = array<i32>} : memref<64x256xf32, #tpu.memory_space<vmem>>, vector<16xf32>,
            tpu.vector_store %arg14[%swap3A_591, %swap3A_592], %get3A_537 {strides = array<i32>} : memref<64x256xf32, #tpu.memory_space<vmem>>, vector<16xf32>,
            %swap3A_594 = arith.constant 59 : i32
            %swap3A_595 = arith.index_cast %swap3A_594 : i32 to index
            %swap3A_596 = arith.index_cast %mul3A_92 : i32 to index
            %swap3A_597 = tpu.vector_load %arg14[%swap3A_595, %swap3A_596] {strides = array<i32>} : memref<64x256xf32, #tpu.memory_space<vmem>>, vector<16xf32>,
            tpu.vector_store %arg14[%swap3A_595, %swap3A_596], %get3A_541 {strides = array<i32>} : memref<64x256xf32, #tpu.memory_space<vmem>>, vector<16xf32>,
            %swap3A_598 = arith.constant 60 : i32
            %swap3A_599 = arith.index_cast %swap3A_598 : i32 to index
            %swap3A_600 = arith.index_cast %mul3A_92 : i32 to index
            %swap3A_601 = tpu.vector_load %arg14[%swap3A_599, %swap3A_600] {strides = array<i32>} : memref<64x256xf32, #tpu.memory_space<vmem>>, vector<16xf32>,
            tpu.vector_store %arg14[%swap3A_599, %swap3A_600], %get3A_545 {strides = array<i32>} : memref<64x256xf32, #tpu.memory_space<vmem>>, vector<16xf32>,
            %swap3A_602 = arith.constant 61 : i32
            %swap3A_603 = arith.index_cast %swap3A_602 : i32 to index
            %swap3A_604 = arith.index_cast %mul3A_92 : i32 to index
            %swap3A_605 = tpu.vector_load %arg14[%swap3A_603, %swap3A_604] {strides = array<i32>} : memref<64x256xf32, #tpu.memory_space<vmem>>, vector<16xf32>,
            tpu.vector_store %arg14[%swap3A_603, %swap3A_604], %get3A_549 {strides = array<i32>} : memref<64x256xf32, #tpu.memory_space<vmem>>, vector<16xf32>,
          }
          %scan3A_80 = arith.constant 16 : i32
          %mul3A_81 = arith.constant 256 : i32
          %mul3A_82 = arith.muli %add3A_55, %mul3A_81 : i32
          %dma_start3A = arith.constant 0 : i32
          %dma_start3A_83 = tpu.memref_slice %arg8[%dma_start3A, %mul3A_82] : memref<62x100000xf32, #tpu.memory_space<hbm>> -> memref<64x256xf32, #tpu.memory_space<hbm>>
          %dma_start3A_84 = arith.constant 0 : i32
          %dma_start3A_85 = tpu.memref_slice %arg8[%dma_start3A_84, %mul3A_82] : memref<62x100000xf32, #tpu.memory_space<hbm>> -> memref<64x256xf32, #tpu.memory_space<hbm>>
          tpu.enqueue_dma source(%arg14 : memref<64x256xf32, #tpu.memory_space<vmem>>) target(%dma_start3A_85 : memref<64x256xf32, #tpu.memory_space<hbm>>) target_semaphore(%arg24 : memref<!tpu.dma_semaphore, #tpu.memory_space<semaphore_mem>>)
        } else {
        }
        %add3A_60 = arith.constant 1 : i32
        %add3A_61 = arith.addi %add3A_50, %add3A_60 : i32
        %mul3A_62 = arith.constant 5 : i32
        %mul3A_63 = arith.muli %add3A_61, %mul3A_62 : i32
        %add3A_64 = arith.addi %add3A, %mul3A_63 : i32
        %lt3A_65 = arith.cmpi slt, %add3A_61, %add3A_26 : i32
        %convert_element_type3A_66 = arith.extui %lt3A_65 : i1 to i32
        %cond3A_67 = arith.constant 0 : i32
        %cond3A_68 = arith.cmpi ne, %convert_element_type3A_66, %cond3A_67 : i32
        scf.if %cond3A_68 {
          %ge3A_69 = arith.constant 2 : i32
          %ge3A_70 = arith.cmpi sge, %add3A_61, %ge3A_69 : i32
          %convert_element_type3A_71 = arith.extui %ge3A_70 : i1 to i32
          %cond3A_72 = arith.constant 0 : i32
          %cond3A_73 = arith.cmpi ne, %convert_element_type3A_71, %cond3A_72 : i32
          scf.if %cond3A_73 {
            %dma_wait3A_86 = arith.constant 0 : i32
            %dma_wait3A_87 = arith.constant 0 : i32
            %dma_wait3A_88 = tpu.memref_slice %arg8[%dma_wait3A_86, %dma_wait3A_87] : memref<62x100000xf32, #tpu.memory_space<hbm>> -> memref<64x256xf32, #tpu.memory_space<hbm>>
            %dma_wait3A_89 = arith.constant 0 : i32
            %dma_wait3A_90 = arith.constant 0 : i32
            %dma_wait3A_91 = tpu.memref_slice %arg8[%dma_wait3A_89, %dma_wait3A_90] : memref<62x100000xf32, #tpu.memory_space<hbm>> -> memref<64x256xf32, #tpu.memory_space<hbm>>
            tpu.wait_dma2 semaphore(%arg25 : memref<!tpu.dma_semaphore, #tpu.memory_space<semaphore_mem>>) src(%arg15 : memref<64x256xf32, #tpu.memory_space<vmem>>) dst(%dma_wait3A_91 : memref<64x256xf32, #tpu.memory_space<hbm>>)
          } else {
          }
          %mul3A_74 = arith.constant 256 : i32
          %mul3A_75 = arith.muli %add3A_64, %mul3A_74 : i32
          "tpu.region"() ({
            %run_scoped3A = tpu.sem_alloc : memref<!tpu.dma_semaphore, #tpu.memory_space<semaphore_mem>>
            %dma_start3A_86 = arith.constant 0 : i32
            %dma_start3A_87 = arith.constant 0 : i32
            %dma_start3A_88 = tpu.memref_slice %arg13[%dma_start3A_86, %dma_start3A_87] : memref<16x256xf32, #tpu.memory_space<vmem>> -> memref<16x256xf32, #tpu.memory_space<vmem>>
            %dma_start3A_89 = arith.constant 0 : i32
            %dma_start3A_90 = tpu.memref_slice %arg2[%dma_start3A_89, %mul3A_75] : memref<16x100000xf32, #tpu.memory_space<hbm>> -> memref<16x256xf32, #tpu.memory_space<hbm>>
            %dma_start3A_91 = arith.constant 0 : i32
            %dma_start3A_92 = arith.constant 0 : i32
            %dma_start3A_93 = tpu.memref_slice %arg13[%dma_start3A_91, %dma_start3A_92] : memref<16x256xf32, #tpu.memory_space<vmem>> -> memref<16x256xf32, #tpu.memory_space<vmem>>
            %dma_start3A_94 = arith.constant 0 : i32
            %dma_start3A_95 = tpu.memref_slice %arg2[%dma_start3A_94, %mul3A_75] : memref<16x100000xf32, #tpu.memory_space<hbm>> -> memref<16x256xf32, #tpu.memory_space<hbm>>
            tpu.enqueue_dma source(%dma_start3A_95 : memref<16x256xf32, #tpu.memory_space<hbm>>) target(%dma_start3A_93 : memref<16x256xf32, #tpu.memory_space<vmem>>) target_semaphore(%run_scoped3A : memref<!tpu.dma_semaphore, #tpu.memory_space<semaphore_mem>>)
            %dma_wait3A_96 = arith.constant 0 : i32
            %dma_wait3A_97 = arith.constant 0 : i32
            %dma_wait3A_98 = tpu.memref_slice %arg13[%dma_wait3A_96, %dma_wait3A_97] : memref<16x256xf32, #tpu.memory_space<vmem>> -> memref<16x256xf32, #tpu.memory_space<vmem>>
            %dma_wait3A_99 = arith.constant 0 : i32
            %dma_wait3A_100 = tpu.memref_slice %arg2[%dma_wait3A_99, %mul3A_75] : memref<16x100000xf32, #tpu.memory_space<hbm>> -> memref<16x256xf32, #tpu.memory_space<hbm>>
            %dma_wait3A_101 = arith.constant 0 : i32
            %dma_wait3A_102 = arith.constant 0 : i32
            %dma_wait3A_103 = tpu.memref_slice %arg13[%dma_wait3A_101, %dma_wait3A_102] : memref<16x256xf32, #tpu.memory_space<vmem>> -> memref<16x256xf32, #tpu.memory_space<vmem>>
            %dma_wait3A_104 = arith.constant 0 : i32
            %dma_wait3A_105 = tpu.memref_slice %arg2[%dma_wait3A_104, %mul3A_75] : memref<16x100000xf32, #tpu.memory_space<hbm>> -> memref<16x256xf32, #tpu.memory_space<hbm>>
            tpu.wait_dma2 semaphore(%run_scoped3A : memref<!tpu.dma_semaphore, #tpu.memory_space<semaphore_mem>>) src(%dma_wait3A_105 : memref<16x256xf32, #tpu.memory_space<hbm>>) dst(%dma_wait3A_103 : memref<16x256xf32, #tpu.memory_space<vmem>>)
            tpu.yield
          }) : () -> ()
          %scan3A_76 = arith.constant 0 : i32
          %scan3A_77 = arith.constant 16 : i32
          %scan3A_78 = arith.addi %scan3A_76, %scan3A_77 : i32
          %scan3A_79 = arith.constant 1 : i32
          scf.for %scan3A_86 = %scan3A_76 to %scan3A_78 step %scan3A_79  : i32 {
            %mul3A_87 = arith.constant 1 : i32
            %mul3A_88 = arith.muli %scan3A_86, %mul3A_87 : i32
            %add3A_89 = arith.constant 0 : i32
            %add3A_90 = arith.addi %add3A_89, %mul3A_88 : i32
            %mul3A_91 = arith.constant 16 : i32
            %mul3A_92 = arith.muli %add3A_90, %mul3A_91 : i32
            %get3A = arith.constant 0 : i32
            %get3A_93 = arith.index_cast %get3A : i32 to index
            %get3A_94 = arith.index_cast %mul3A_92 : i32 to index
            %get3A_95 = tpu.vector_load %arg13[%get3A_93, %get3A_94] {strides = array<i32>} : memref<16x256xf32, #tpu.memory_space<vmem>>, vector<16xf32>,
            %convert_element_type3A_96 = arith.fptosi %get3A_95 : vector<16xf32> to vector<16xi32>
            %max3A = arith.constant 0 : i32
            %max3A_97 = vector.broadcast %max3A : i32 to vector<16xi32>
            %max3A_98 = arith.maxsi %convert_element_type3A_96, %max3A_97 : vector<16xi32>
            %min3A = arith.constant 38 : i32
            %min3A_99 = vector.broadcast %min3A : i32 to vector<16xi32>
            %min3A_100 = arith.minsi %max3A_98, %min3A_99 : vector<16xi32>
            %get3A_101 = arith.constant 1 : i32
            %get3A_102 = arith.index_cast %get3A_101 : i32 to index
            %get3A_103 = arith.index_cast %mul3A_92 : i32 to index
            %get3A_104 = tpu.vector_load %arg13[%get3A_102, %get3A_103] {strides = array<i32>} : memref<16x256xf32, #tpu.memory_space<vmem>>, vector<16xf32>,
            %convert_element_type3A_105 = arith.fptosi %get3A_104 : vector<16xf32> to vector<16xi32>
            %max3A_106 = arith.constant 0 : i32
            %max3A_107 = vector.broadcast %max3A_106 : i32 to vector<16xi32>
            %max3A_108 = arith.maxsi %convert_element_type3A_105, %max3A_107 : vector<16xi32>
            %min3A_109 = arith.constant 7 : i32
            %min3A_110 = vector.broadcast %min3A_109 : i32 to vector<16xi32>
            %min3A_111 = arith.minsi %max3A_108, %min3A_110 : vector<16xi32>
            %add3A_112 = arith.constant 0 : i32
            %add3A_113 = vector.broadcast %add3A_112 : i32 to vector<16xi32>
            %add3A_114 = arith.addi %min3A_100, %add3A_113 : vector<16xi32>
            %gather3A = tpu.vector_load_idx %arg10[%add3A_114] : memref<1248xf32, #tpu.memory_space<vmem>>[vector<16xi32>], vector<16xf32>,
            %add3A_115 = arith.constant 39 : i32
            %add3A_116 = vector.broadcast %add3A_115 : i32 to vector<16xi32>
            %add3A_117 = arith.addi %min3A_100, %add3A_116 : vector<16xi32>
            %gather3A_118 = tpu.vector_load_idx %arg10[%add3A_117] : memref<1248xf32, #tpu.memory_space<vmem>>[vector<16xi32>], vector<16xf32>,
            %add3A_119 = arith.constant 78 : i32
            %add3A_120 = vector.broadcast %add3A_119 : i32 to vector<16xi32>
            %add3A_121 = arith.addi %min3A_100, %add3A_120 : vector<16xi32>
            %gather3A_122 = tpu.vector_load_idx %arg10[%add3A_121] : memref<1248xf32, #tpu.memory_space<vmem>>[vector<16xi32>], vector<16xf32>,
            %add3A_123 = arith.constant 117 : i32
            %add3A_124 = vector.broadcast %add3A_123 : i32 to vector<16xi32>
            %add3A_125 = arith.addi %min3A_100, %add3A_124 : vector<16xi32>
            %gather3A_126 = tpu.vector_load_idx %arg10[%add3A_125] : memref<1248xf32, #tpu.memory_space<vmem>>[vector<16xi32>], vector<16xf32>,
            %add3A_127 = arith.constant 156 : i32
            %add3A_128 = vector.broadcast %add3A_127 : i32 to vector<16xi32>
            %add3A_129 = arith.addi %min3A_100, %add3A_128 : vector<16xi32>
            %gather3A_130 = tpu.vector_load_idx %arg10[%add3A_129] : memref<1248xf32, #tpu.memory_space<vmem>>[vector<16xi32>], vector<16xf32>,
            %add3A_131 = arith.constant 195 : i32
            %add3A_132 = vector.broadcast %add3A_131 : i32 to vector<16xi32>
            %add3A_133 = arith.addi %min3A_100, %add3A_132 : vector<16xi32>
            %gather3A_134 = tpu.vector_load_idx %arg10[%add3A_133] : memref<1248xf32, #tpu.memory_space<vmem>>[vector<16xi32>], vector<16xf32>,
            %add3A_135 = arith.constant 234 : i32
            %add3A_136 = vector.broadcast %add3A_135 : i32 to vector<16xi32>
            %add3A_137 = arith.addi %min3A_100, %add3A_136 : vector<16xi32>
            %gather3A_138 = tpu.vector_load_idx %arg10[%add3A_137] : memref<1248xf32, #tpu.memory_space<vmem>>[vector<16xi32>], vector<16xf32>,
            %add3A_139 = arith.constant 273 : i32
            %add3A_140 = vector.broadcast %add3A_139 : i32 to vector<16xi32>
            %add3A_141 = arith.addi %min3A_100, %add3A_140 : vector<16xi32>
            %gather3A_142 = tpu.vector_load_idx %arg10[%add3A_141] : memref<1248xf32, #tpu.memory_space<vmem>>[vector<16xi32>], vector<16xf32>,
            %add3A_143 = arith.constant 312 : i32
            %add3A_144 = vector.broadcast %add3A_143 : i32 to vector<16xi32>
            %add3A_145 = arith.addi %min3A_100, %add3A_144 : vector<16xi32>
            %gather3A_146 = tpu.vector_load_idx %arg10[%add3A_145] : memref<1248xf32, #tpu.memory_space<vmem>>[vector<16xi32>], vector<16xf32>,
            %add3A_147 = arith.constant 351 : i32
            %add3A_148 = vector.broadcast %add3A_147 : i32 to vector<16xi32>
            %add3A_149 = arith.addi %min3A_100, %add3A_148 : vector<16xi32>
            %gather3A_150 = tpu.vector_load_idx %arg10[%add3A_149] : memref<1248xf32, #tpu.memory_space<vmem>>[vector<16xi32>], vector<16xf32>,
            %add3A_151 = arith.constant 390 : i32
            %add3A_152 = vector.broadcast %add3A_151 : i32 to vector<16xi32>
            %add3A_153 = arith.addi %min3A_100, %add3A_152 : vector<16xi32>
            %gather3A_154 = tpu.vector_load_idx %arg10[%add3A_153] : memref<1248xf32, #tpu.memory_space<vmem>>[vector<16xi32>], vector<16xf32>,
            %add3A_155 = arith.constant 429 : i32
            %add3A_156 = vector.broadcast %add3A_155 : i32 to vector<16xi32>
            %add3A_157 = arith.addi %min3A_100, %add3A_156 : vector<16xi32>
            %gather3A_158 = tpu.vector_load_idx %arg10[%add3A_157] : memref<1248xf32, #tpu.memory_space<vmem>>[vector<16xi32>], vector<16xf32>,
            %add3A_159 = arith.constant 468 : i32
            %add3A_160 = vector.broadcast %add3A_159 : i32 to vector<16xi32>
            %add3A_161 = arith.addi %min3A_100, %add3A_160 : vector<16xi32>
            %gather3A_162 = tpu.vector_load_idx %arg10[%add3A_161] : memref<1248xf32, #tpu.memory_space<vmem>>[vector<16xi32>], vector<16xf32>,
            %add3A_163 = arith.constant 507 : i32
            %add3A_164 = vector.broadcast %add3A_163 : i32 to vector<16xi32>
            %add3A_165 = arith.addi %min3A_100, %add3A_164 : vector<16xi32>
            %gather3A_166 = tpu.vector_load_idx %arg10[%add3A_165] : memref<1248xf32, #tpu.memory_space<vmem>>[vector<16xi32>], vector<16xf32>,
            %add3A_167 = arith.constant 546 : i32
            %add3A_168 = vector.broadcast %add3A_167 : i32 to vector<16xi32>
            %add3A_169 = arith.addi %min3A_100, %add3A_168 : vector<16xi32>
            %gather3A_170 = tpu.vector_load_idx %arg10[%add3A_169] : memref<1248xf32, #tpu.memory_space<vmem>>[vector<16xi32>], vector<16xf32>,
            %add3A_171 = arith.constant 585 : i32
            %add3A_172 = vector.broadcast %add3A_171 : i32 to vector<16xi32>
            %add3A_173 = arith.addi %min3A_100, %add3A_172 : vector<16xi32>
            %gather3A_174 = tpu.vector_load_idx %arg10[%add3A_173] : memref<1248xf32, #tpu.memory_space<vmem>>[vector<16xi32>], vector<16xf32>,
            %swap3A = arith.constant 0 : i32
            %swap3A_175 = arith.index_cast %swap3A : i32 to index
            %swap3A_176 = arith.index_cast %mul3A_92 : i32 to index
            %swap3A_177 = tpu.vector_load %arg15[%swap3A_175, %swap3A_176] {strides = array<i32>} : memref<64x256xf32, #tpu.memory_space<vmem>>, vector<16xf32>,
            tpu.vector_store %arg15[%swap3A_175, %swap3A_176], %gather3A {strides = array<i32>} : memref<64x256xf32, #tpu.memory_space<vmem>>, vector<16xf32>,
            %swap3A_178 = arith.constant 1 : i32
            %swap3A_179 = arith.index_cast %swap3A_178 : i32 to index
            %swap3A_180 = arith.index_cast %mul3A_92 : i32 to index
            %swap3A_181 = tpu.vector_load %arg15[%swap3A_179, %swap3A_180] {strides = array<i32>} : memref<64x256xf32, #tpu.memory_space<vmem>>, vector<16xf32>,
            tpu.vector_store %arg15[%swap3A_179, %swap3A_180], %gather3A_118 {strides = array<i32>} : memref<64x256xf32, #tpu.memory_space<vmem>>, vector<16xf32>,
            %swap3A_182 = arith.constant 2 : i32
            %swap3A_183 = arith.index_cast %swap3A_182 : i32 to index
            %swap3A_184 = arith.index_cast %mul3A_92 : i32 to index
            %swap3A_185 = tpu.vector_load %arg15[%swap3A_183, %swap3A_184] {strides = array<i32>} : memref<64x256xf32, #tpu.memory_space<vmem>>, vector<16xf32>,
            tpu.vector_store %arg15[%swap3A_183, %swap3A_184], %gather3A_122 {strides = array<i32>} : memref<64x256xf32, #tpu.memory_space<vmem>>, vector<16xf32>,
            %swap3A_186 = arith.constant 3 : i32
            %swap3A_187 = arith.index_cast %swap3A_186 : i32 to index
            %swap3A_188 = arith.index_cast %mul3A_92 : i32 to index
            %swap3A_189 = tpu.vector_load %arg15[%swap3A_187, %swap3A_188] {strides = array<i32>} : memref<64x256xf32, #tpu.memory_space<vmem>>, vector<16xf32>,
            tpu.vector_store %arg15[%swap3A_187, %swap3A_188], %gather3A_126 {strides = array<i32>} : memref<64x256xf32, #tpu.memory_space<vmem>>, vector<16xf32>,
            %swap3A_190 = arith.constant 4 : i32
            %swap3A_191 = arith.index_cast %swap3A_190 : i32 to index
            %swap3A_192 = arith.index_cast %mul3A_92 : i32 to index
            %swap3A_193 = tpu.vector_load %arg15[%swap3A_191, %swap3A_192] {strides = array<i32>} : memref<64x256xf32, #tpu.memory_space<vmem>>, vector<16xf32>,
            tpu.vector_store %arg15[%swap3A_191, %swap3A_192], %gather3A_130 {strides = array<i32>} : memref<64x256xf32, #tpu.memory_space<vmem>>, vector<16xf32>,
            %swap3A_194 = arith.constant 5 : i32
            %swap3A_195 = arith.index_cast %swap3A_194 : i32 to index
            %swap3A_196 = arith.index_cast %mul3A_92 : i32 to index
            %swap3A_197 = tpu.vector_load %arg15[%swap3A_195, %swap3A_196] {strides = array<i32>} : memref<64x256xf32, #tpu.memory_space<vmem>>, vector<16xf32>,
            tpu.vector_store %arg15[%swap3A_195, %swap3A_196], %gather3A_134 {strides = array<i32>} : memref<64x256xf32, #tpu.memory_space<vmem>>, vector<16xf32>,
            %swap3A_198 = arith.constant 6 : i32
            %swap3A_199 = arith.index_cast %swap3A_198 : i32 to index
            %swap3A_200 = arith.index_cast %mul3A_92 : i32 to index
            %swap3A_201 = tpu.vector_load %arg15[%swap3A_199, %swap3A_200] {strides = array<i32>} : memref<64x256xf32, #tpu.memory_space<vmem>>, vector<16xf32>,
            tpu.vector_store %arg15[%swap3A_199, %swap3A_200], %gather3A_138 {strides = array<i32>} : memref<64x256xf32, #tpu.memory_space<vmem>>, vector<16xf32>,
            %swap3A_202 = arith.constant 7 : i32
            %swap3A_203 = arith.index_cast %swap3A_202 : i32 to index
            %swap3A_204 = arith.index_cast %mul3A_92 : i32 to index
            %swap3A_205 = tpu.vector_load %arg15[%swap3A_203, %swap3A_204] {strides = array<i32>} : memref<64x256xf32, #tpu.memory_space<vmem>>, vector<16xf32>,
            tpu.vector_store %arg15[%swap3A_203, %swap3A_204], %gather3A_142 {strides = array<i32>} : memref<64x256xf32, #tpu.memory_space<vmem>>, vector<16xf32>,
            %swap3A_206 = arith.constant 8 : i32
            %swap3A_207 = arith.index_cast %swap3A_206 : i32 to index
            %swap3A_208 = arith.index_cast %mul3A_92 : i32 to index
            %swap3A_209 = tpu.vector_load %arg15[%swap3A_207, %swap3A_208] {strides = array<i32>} : memref<64x256xf32, #tpu.memory_space<vmem>>, vector<16xf32>,
            tpu.vector_store %arg15[%swap3A_207, %swap3A_208], %gather3A_146 {strides = array<i32>} : memref<64x256xf32, #tpu.memory_space<vmem>>, vector<16xf32>,
            %swap3A_210 = arith.constant 9 : i32
            %swap3A_211 = arith.index_cast %swap3A_210 : i32 to index
            %swap3A_212 = arith.index_cast %mul3A_92 : i32 to index
            %swap3A_213 = tpu.vector_load %arg15[%swap3A_211, %swap3A_212] {strides = array<i32>} : memref<64x256xf32, #tpu.memory_space<vmem>>, vector<16xf32>,
            tpu.vector_store %arg15[%swap3A_211, %swap3A_212], %gather3A_150 {strides = array<i32>} : memref<64x256xf32, #tpu.memory_space<vmem>>, vector<16xf32>,
            %swap3A_214 = arith.constant 10 : i32
            %swap3A_215 = arith.index_cast %swap3A_214 : i32 to index
            %swap3A_216 = arith.index_cast %mul3A_92 : i32 to index
            %swap3A_217 = tpu.vector_load %arg15[%swap3A_215, %swap3A_216] {strides = array<i32>} : memref<64x256xf32, #tpu.memory_space<vmem>>, vector<16xf32>,
            tpu.vector_store %arg15[%swap3A_215, %swap3A_216], %gather3A_154 {strides = array<i32>} : memref<64x256xf32, #tpu.memory_space<vmem>>, vector<16xf32>,
            %swap3A_218 = arith.constant 11 : i32
            %swap3A_219 = arith.index_cast %swap3A_218 : i32 to index
            %swap3A_220 = arith.index_cast %mul3A_92 : i32 to index
            %swap3A_221 = tpu.vector_load %arg15[%swap3A_219, %swap3A_220] {strides = array<i32>} : memref<64x256xf32, #tpu.memory_space<vmem>>, vector<16xf32>,
            tpu.vector_store %arg15[%swap3A_219, %swap3A_220], %gather3A_158 {strides = array<i32>} : memref<64x256xf32, #tpu.memory_space<vmem>>, vector<16xf32>,
            %swap3A_222 = arith.constant 12 : i32
            %swap3A_223 = arith.index_cast %swap3A_222 : i32 to index
            %swap3A_224 = arith.index_cast %mul3A_92 : i32 to index
            %swap3A_225 = tpu.vector_load %arg15[%swap3A_223, %swap3A_224] {strides = array<i32>} : memref<64x256xf32, #tpu.memory_space<vmem>>, vector<16xf32>,
            tpu.vector_store %arg15[%swap3A_223, %swap3A_224], %gather3A_162 {strides = array<i32>} : memref<64x256xf32, #tpu.memory_space<vmem>>, vector<16xf32>,
            %swap3A_226 = arith.constant 13 : i32
            %swap3A_227 = arith.index_cast %swap3A_226 : i32 to index
            %swap3A_228 = arith.index_cast %mul3A_92 : i32 to index
            %swap3A_229 = tpu.vector_load %arg15[%swap3A_227, %swap3A_228] {strides = array<i32>} : memref<64x256xf32, #tpu.memory_space<vmem>>, vector<16xf32>,
            tpu.vector_store %arg15[%swap3A_227, %swap3A_228], %gather3A_166 {strides = array<i32>} : memref<64x256xf32, #tpu.memory_space<vmem>>, vector<16xf32>,
            %swap3A_230 = arith.constant 14 : i32
            %swap3A_231 = arith.index_cast %swap3A_230 : i32 to index
            %swap3A_232 = arith.index_cast %mul3A_92 : i32 to index
            %swap3A_233 = tpu.vector_load %arg15[%swap3A_231, %swap3A_232] {strides = array<i32>} : memref<64x256xf32, #tpu.memory_space<vmem>>, vector<16xf32>,
            tpu.vector_store %arg15[%swap3A_231, %swap3A_232], %gather3A_170 {strides = array<i32>} : memref<64x256xf32, #tpu.memory_space<vmem>>, vector<16xf32>,
            %swap3A_234 = arith.constant 15 : i32
            %swap3A_235 = arith.index_cast %swap3A_234 : i32 to index
            %swap3A_236 = arith.index_cast %mul3A_92 : i32 to index
            %swap3A_237 = tpu.vector_load %arg15[%swap3A_235, %swap3A_236] {strides = array<i32>} : memref<64x256xf32, #tpu.memory_space<vmem>>, vector<16xf32>,
            tpu.vector_store %arg15[%swap3A_235, %swap3A_236], %gather3A_174 {strides = array<i32>} : memref<64x256xf32, #tpu.memory_space<vmem>>, vector<16xf32>,
            %add3A_238 = arith.constant 624 : i32
            %add3A_239 = vector.broadcast %add3A_238 : i32 to vector<16xi32>
            %add3A_240 = arith.addi %min3A_100, %add3A_239 : vector<16xi32>
            %gather3A_241 = tpu.vector_load_idx %arg10[%add3A_240] : memref<1248xf32, #tpu.memory_space<vmem>>[vector<16xi32>], vector<16xf32>,
            %add3A_242 = arith.constant 663 : i32
            %add3A_243 = vector.broadcast %add3A_242 : i32 to vector<16xi32>
            %add3A_244 = arith.addi %min3A_100, %add3A_243 : vector<16xi32>
            %gather3A_245 = tpu.vector_load_idx %arg10[%add3A_244] : memref<1248xf32, #tpu.memory_space<vmem>>[vector<16xi32>], vector<16xf32>,
            %add3A_246 = arith.constant 702 : i32
            %add3A_247 = vector.broadcast %add3A_246 : i32 to vector<16xi32>
            %add3A_248 = arith.addi %min3A_100, %add3A_247 : vector<16xi32>
            %gather3A_249 = tpu.vector_load_idx %arg10[%add3A_248] : memref<1248xf32, #tpu.memory_space<vmem>>[vector<16xi32>], vector<16xf32>,
            %add3A_250 = arith.constant 741 : i32
            %add3A_251 = vector.broadcast %add3A_250 : i32 to vector<16xi32>
            %add3A_252 = arith.addi %min3A_100, %add3A_251 : vector<16xi32>
            %gather3A_253 = tpu.vector_load_idx %arg10[%add3A_252] : memref<1248xf32, #tpu.memory_space<vmem>>[vector<16xi32>], vector<16xf32>,
            %add3A_254 = arith.constant 780 : i32
            %add3A_255 = vector.broadcast %add3A_254 : i32 to vector<16xi32>
            %add3A_256 = arith.addi %min3A_100, %add3A_255 : vector<16xi32>
            %gather3A_257 = tpu.vector_load_idx %arg10[%add3A_256] : memref<1248xf32, #tpu.memory_space<vmem>>[vector<16xi32>], vector<16xf32>,
            %add3A_258 = arith.constant 819 : i32
            %add3A_259 = vector.broadcast %add3A_258 : i32 to vector<16xi32>
            %add3A_260 = arith.addi %min3A_100, %add3A_259 : vector<16xi32>
            %gather3A_261 = tpu.vector_load_idx %arg10[%add3A_260] : memref<1248xf32, #tpu.memory_space<vmem>>[vector<16xi32>], vector<16xf32>,
            %add3A_262 = arith.constant 858 : i32
            %add3A_263 = vector.broadcast %add3A_262 : i32 to vector<16xi32>
            %add3A_264 = arith.addi %min3A_100, %add3A_263 : vector<16xi32>
            %gather3A_265 = tpu.vector_load_idx %arg10[%add3A_264] : memref<1248xf32, #tpu.memory_space<vmem>>[vector<16xi32>], vector<16xf32>,
            %add3A_266 = arith.constant 897 : i32
            %add3A_267 = vector.broadcast %add3A_266 : i32 to vector<16xi32>
            %add3A_268 = arith.addi %min3A_100, %add3A_267 : vector<16xi32>
            %gather3A_269 = tpu.vector_load_idx %arg10[%add3A_268] : memref<1248xf32, #tpu.memory_space<vmem>>[vector<16xi32>], vector<16xf32>,
            %add3A_270 = arith.constant 936 : i32
            %add3A_271 = vector.broadcast %add3A_270 : i32 to vector<16xi32>
            %add3A_272 = arith.addi %min3A_100, %add3A_271 : vector<16xi32>
            %gather3A_273 = tpu.vector_load_idx %arg10[%add3A_272] : memref<1248xf32, #tpu.memory_space<vmem>>[vector<16xi32>], vector<16xf32>,
            %add3A_274 = arith.constant 975 : i32
            %add3A_275 = vector.broadcast %add3A_274 : i32 to vector<16xi32>
            %add3A_276 = arith.addi %min3A_100, %add3A_275 : vector<16xi32>
            %gather3A_277 = tpu.vector_load_idx %arg10[%add3A_276] : memref<1248xf32, #tpu.memory_space<vmem>>[vector<16xi32>], vector<16xf32>,
            %add3A_278 = arith.constant 1014 : i32
            %add3A_279 = vector.broadcast %add3A_278 : i32 to vector<16xi32>
            %add3A_280 = arith.addi %min3A_100, %add3A_279 : vector<16xi32>
            %gather3A_281 = tpu.vector_load_idx %arg10[%add3A_280] : memref<1248xf32, #tpu.memory_space<vmem>>[vector<16xi32>], vector<16xf32>,
            %add3A_282 = arith.constant 1053 : i32
            %add3A_283 = vector.broadcast %add3A_282 : i32 to vector<16xi32>
            %add3A_284 = arith.addi %min3A_100, %add3A_283 : vector<16xi32>
            %gather3A_285 = tpu.vector_load_idx %arg10[%add3A_284] : memref<1248xf32, #tpu.memory_space<vmem>>[vector<16xi32>], vector<16xf32>,
            %add3A_286 = arith.constant 1092 : i32
            %add3A_287 = vector.broadcast %add3A_286 : i32 to vector<16xi32>
            %add3A_288 = arith.addi %min3A_100, %add3A_287 : vector<16xi32>
            %gather3A_289 = tpu.vector_load_idx %arg10[%add3A_288] : memref<1248xf32, #tpu.memory_space<vmem>>[vector<16xi32>], vector<16xf32>,
            %add3A_290 = arith.constant 1131 : i32
            %add3A_291 = vector.broadcast %add3A_290 : i32 to vector<16xi32>
            %add3A_292 = arith.addi %min3A_100, %add3A_291 : vector<16xi32>
            %gather3A_293 = tpu.vector_load_idx %arg10[%add3A_292] : memref<1248xf32, #tpu.memory_space<vmem>>[vector<16xi32>], vector<16xf32>,
            %add3A_294 = arith.constant 1170 : i32
            %add3A_295 = vector.broadcast %add3A_294 : i32 to vector<16xi32>
            %add3A_296 = arith.addi %min3A_100, %add3A_295 : vector<16xi32>
            %gather3A_297 = tpu.vector_load_idx %arg10[%add3A_296] : memref<1248xf32, #tpu.memory_space<vmem>>[vector<16xi32>], vector<16xf32>,
            %add3A_298 = arith.constant 1209 : i32
            %add3A_299 = vector.broadcast %add3A_298 : i32 to vector<16xi32>
            %add3A_300 = arith.addi %min3A_100, %add3A_299 : vector<16xi32>
            %gather3A_301 = tpu.vector_load_idx %arg10[%add3A_300] : memref<1248xf32, #tpu.memory_space<vmem>>[vector<16xi32>], vector<16xf32>,
            %swap3A_302 = arith.constant 16 : i32
            %swap3A_303 = arith.index_cast %swap3A_302 : i32 to index
            %swap3A_304 = arith.index_cast %mul3A_92 : i32 to index
            %swap3A_305 = tpu.vector_load %arg15[%swap3A_303, %swap3A_304] {strides = array<i32>} : memref<64x256xf32, #tpu.memory_space<vmem>>, vector<16xf32>,
            tpu.vector_store %arg15[%swap3A_303, %swap3A_304], %gather3A_241 {strides = array<i32>} : memref<64x256xf32, #tpu.memory_space<vmem>>, vector<16xf32>,
            %swap3A_306 = arith.constant 17 : i32
            %swap3A_307 = arith.index_cast %swap3A_306 : i32 to index
            %swap3A_308 = arith.index_cast %mul3A_92 : i32 to index
            %swap3A_309 = tpu.vector_load %arg15[%swap3A_307, %swap3A_308] {strides = array<i32>} : memref<64x256xf32, #tpu.memory_space<vmem>>, vector<16xf32>,
            tpu.vector_store %arg15[%swap3A_307, %swap3A_308], %gather3A_245 {strides = array<i32>} : memref<64x256xf32, #tpu.memory_space<vmem>>, vector<16xf32>,
            %swap3A_310 = arith.constant 18 : i32
            %swap3A_311 = arith.index_cast %swap3A_310 : i32 to index
            %swap3A_312 = arith.index_cast %mul3A_92 : i32 to index
            %swap3A_313 = tpu.vector_load %arg15[%swap3A_311, %swap3A_312] {strides = array<i32>} : memref<64x256xf32, #tpu.memory_space<vmem>>, vector<16xf32>,
            tpu.vector_store %arg15[%swap3A_311, %swap3A_312], %gather3A_249 {strides = array<i32>} : memref<64x256xf32, #tpu.memory_space<vmem>>, vector<16xf32>,
            %swap3A_314 = arith.constant 19 : i32
            %swap3A_315 = arith.index_cast %swap3A_314 : i32 to index
            %swap3A_316 = arith.index_cast %mul3A_92 : i32 to index
            %swap3A_317 = tpu.vector_load %arg15[%swap3A_315, %swap3A_316] {strides = array<i32>} : memref<64x256xf32, #tpu.memory_space<vmem>>, vector<16xf32>,
            tpu.vector_store %arg15[%swap3A_315, %swap3A_316], %gather3A_253 {strides = array<i32>} : memref<64x256xf32, #tpu.memory_space<vmem>>, vector<16xf32>,
            %swap3A_318 = arith.constant 20 : i32
            %swap3A_319 = arith.index_cast %swap3A_318 : i32 to index
            %swap3A_320 = arith.index_cast %mul3A_92 : i32 to index
            %swap3A_321 = tpu.vector_load %arg15[%swap3A_319, %swap3A_320] {strides = array<i32>} : memref<64x256xf32, #tpu.memory_space<vmem>>, vector<16xf32>,
            tpu.vector_store %arg15[%swap3A_319, %swap3A_320], %gather3A_257 {strides = array<i32>} : memref<64x256xf32, #tpu.memory_space<vmem>>, vector<16xf32>,
            %swap3A_322 = arith.constant 21 : i32
            %swap3A_323 = arith.index_cast %swap3A_322 : i32 to index
            %swap3A_324 = arith.index_cast %mul3A_92 : i32 to index
            %swap3A_325 = tpu.vector_load %arg15[%swap3A_323, %swap3A_324] {strides = array<i32>} : memref<64x256xf32, #tpu.memory_space<vmem>>, vector<16xf32>,
            tpu.vector_store %arg15[%swap3A_323, %swap3A_324], %gather3A_261 {strides = array<i32>} : memref<64x256xf32, #tpu.memory_space<vmem>>, vector<16xf32>,
            %swap3A_326 = arith.constant 22 : i32
            %swap3A_327 = arith.index_cast %swap3A_326 : i32 to index
            %swap3A_328 = arith.index_cast %mul3A_92 : i32 to index
            %swap3A_329 = tpu.vector_load %arg15[%swap3A_327, %swap3A_328] {strides = array<i32>} : memref<64x256xf32, #tpu.memory_space<vmem>>, vector<16xf32>,
            tpu.vector_store %arg15[%swap3A_327, %swap3A_328], %gather3A_265 {strides = array<i32>} : memref<64x256xf32, #tpu.memory_space<vmem>>, vector<16xf32>,
            %swap3A_330 = arith.constant 23 : i32
            %swap3A_331 = arith.index_cast %swap3A_330 : i32 to index
            %swap3A_332 = arith.index_cast %mul3A_92 : i32 to index
            %swap3A_333 = tpu.vector_load %arg15[%swap3A_331, %swap3A_332] {strides = array<i32>} : memref<64x256xf32, #tpu.memory_space<vmem>>, vector<16xf32>,
            tpu.vector_store %arg15[%swap3A_331, %swap3A_332], %gather3A_269 {strides = array<i32>} : memref<64x256xf32, #tpu.memory_space<vmem>>, vector<16xf32>,
            %swap3A_334 = arith.constant 24 : i32
            %swap3A_335 = arith.index_cast %swap3A_334 : i32 to index
            %swap3A_336 = arith.index_cast %mul3A_92 : i32 to index
            %swap3A_337 = tpu.vector_load %arg15[%swap3A_335, %swap3A_336] {strides = array<i32>} : memref<64x256xf32, #tpu.memory_space<vmem>>, vector<16xf32>,
            tpu.vector_store %arg15[%swap3A_335, %swap3A_336], %gather3A_273 {strides = array<i32>} : memref<64x256xf32, #tpu.memory_space<vmem>>, vector<16xf32>,
            %swap3A_338 = arith.constant 25 : i32
            %swap3A_339 = arith.index_cast %swap3A_338 : i32 to index
            %swap3A_340 = arith.index_cast %mul3A_92 : i32 to index
            %swap3A_341 = tpu.vector_load %arg15[%swap3A_339, %swap3A_340] {strides = array<i32>} : memref<64x256xf32, #tpu.memory_space<vmem>>, vector<16xf32>,
            tpu.vector_store %arg15[%swap3A_339, %swap3A_340], %gather3A_277 {strides = array<i32>} : memref<64x256xf32, #tpu.memory_space<vmem>>, vector<16xf32>,
            %swap3A_342 = arith.constant 26 : i32
            %swap3A_343 = arith.index_cast %swap3A_342 : i32 to index
            %swap3A_344 = arith.index_cast %mul3A_92 : i32 to index
            %swap3A_345 = tpu.vector_load %arg15[%swap3A_343, %swap3A_344] {strides = array<i32>} : memref<64x256xf32, #tpu.memory_space<vmem>>, vector<16xf32>,
            tpu.vector_store %arg15[%swap3A_343, %swap3A_344], %gather3A_281 {strides = array<i32>} : memref<64x256xf32, #tpu.memory_space<vmem>>, vector<16xf32>,
            %swap3A_346 = arith.constant 27 : i32
            %swap3A_347 = arith.index_cast %swap3A_346 : i32 to index
            %swap3A_348 = arith.index_cast %mul3A_92 : i32 to index
            %swap3A_349 = tpu.vector_load %arg15[%swap3A_347, %swap3A_348] {strides = array<i32>} : memref<64x256xf32, #tpu.memory_space<vmem>>, vector<16xf32>,
            tpu.vector_store %arg15[%swap3A_347, %swap3A_348], %gather3A_285 {strides = array<i32>} : memref<64x256xf32, #tpu.memory_space<vmem>>, vector<16xf32>,
            %swap3A_350 = arith.constant 28 : i32
            %swap3A_351 = arith.index_cast %swap3A_350 : i32 to index
            %swap3A_352 = arith.index_cast %mul3A_92 : i32 to index
            %swap3A_353 = tpu.vector_load %arg15[%swap3A_351, %swap3A_352] {strides = array<i32>} : memref<64x256xf32, #tpu.memory_space<vmem>>, vector<16xf32>,
            tpu.vector_store %arg15[%swap3A_351, %swap3A_352], %gather3A_289 {strides = array<i32>} : memref<64x256xf32, #tpu.memory_space<vmem>>, vector<16xf32>,
            %swap3A_354 = arith.constant 29 : i32
            %swap3A_355 = arith.index_cast %swap3A_354 : i32 to index
            %swap3A_356 = arith.index_cast %mul3A_92 : i32 to index
            %swap3A_357 = tpu.vector_load %arg15[%swap3A_355, %swap3A_356] {strides = array<i32>} : memref<64x256xf32, #tpu.memory_space<vmem>>, vector<16xf32>,
            tpu.vector_store %arg15[%swap3A_355, %swap3A_356], %gather3A_293 {strides = array<i32>} : memref<64x256xf32, #tpu.memory_space<vmem>>, vector<16xf32>,
            %swap3A_358 = arith.constant 30 : i32
            %swap3A_359 = arith.index_cast %swap3A_358 : i32 to index
            %swap3A_360 = arith.index_cast %mul3A_92 : i32 to index
            %swap3A_361 = tpu.vector_load %arg15[%swap3A_359, %swap3A_360] {strides = array<i32>} : memref<64x256xf32, #tpu.memory_space<vmem>>, vector<16xf32>,
            tpu.vector_store %arg15[%swap3A_359, %swap3A_360], %gather3A_297 {strides = array<i32>} : memref<64x256xf32, #tpu.memory_space<vmem>>, vector<16xf32>,
            %swap3A_362 = arith.constant 31 : i32
            %swap3A_363 = arith.index_cast %swap3A_362 : i32 to index
            %swap3A_364 = arith.index_cast %mul3A_92 : i32 to index
            %swap3A_365 = tpu.vector_load %arg15[%swap3A_363, %swap3A_364] {strides = array<i32>} : memref<64x256xf32, #tpu.memory_space<vmem>>, vector<16xf32>,
            tpu.vector_store %arg15[%swap3A_363, %swap3A_364], %gather3A_301 {strides = array<i32>} : memref<64x256xf32, #tpu.memory_space<vmem>>, vector<16xf32>,
            %add3A_366 = arith.constant 0 : i32
            %add3A_367 = vector.broadcast %add3A_366 : i32 to vector<16xi32>
            %add3A_368 = arith.addi %min3A_111, %add3A_367 : vector<16xi32>
            %gather3A_369 = tpu.vector_load_idx %arg11[%add3A_368] : memref<128xf32, #tpu.memory_space<vmem>>[vector<16xi32>], vector<16xf32>,
            %add3A_370 = arith.constant 8 : i32
            %add3A_371 = vector.broadcast %add3A_370 : i32 to vector<16xi32>
            %add3A_372 = arith.addi %min3A_111, %add3A_371 : vector<16xi32>
            %gather3A_373 = tpu.vector_load_idx %arg11[%add3A_372] : memref<128xf32, #tpu.memory_space<vmem>>[vector<16xi32>], vector<16xf32>,
            %add3A_374 = arith.constant 16 : i32
            %add3A_375 = vector.broadcast %add3A_374 : i32 to vector<16xi32>
            %add3A_376 = arith.addi %min3A_111, %add3A_375 : vector<16xi32>
            %gather3A_377 = tpu.vector_load_idx %arg11[%add3A_376] : memref<128xf32, #tpu.memory_space<vmem>>[vector<16xi32>], vector<16xf32>,
            %add3A_378 = arith.constant 24 : i32
            %add3A_379 = vector.broadcast %add3A_378 : i32 to vector<16xi32>
            %add3A_380 = arith.addi %min3A_111, %add3A_379 : vector<16xi32>
            %gather3A_381 = tpu.vector_load_idx %arg11[%add3A_380] : memref<128xf32, #tpu.memory_space<vmem>>[vector<16xi32>], vector<16xf32>,
            %add3A_382 = arith.constant 32 : i32
            %add3A_383 = vector.broadcast %add3A_382 : i32 to vector<16xi32>
            %add3A_384 = arith.addi %min3A_111, %add3A_383 : vector<16xi32>
            %gather3A_385 = tpu.vector_load_idx %arg11[%add3A_384] : memref<128xf32, #tpu.memory_space<vmem>>[vector<16xi32>], vector<16xf32>,
            %add3A_386 = arith.constant 40 : i32
            %add3A_387 = vector.broadcast %add3A_386 : i32 to vector<16xi32>
            %add3A_388 = arith.addi %min3A_111, %add3A_387 : vector<16xi32>
            %gather3A_389 = tpu.vector_load_idx %arg11[%add3A_388] : memref<128xf32, #tpu.memory_space<vmem>>[vector<16xi32>], vector<16xf32>,
            %add3A_390 = arith.constant 48 : i32
            %add3A_391 = vector.broadcast %add3A_390 : i32 to vector<16xi32>
            %add3A_392 = arith.addi %min3A_111, %add3A_391 : vector<16xi32>
            %gather3A_393 = tpu.vector_load_idx %arg11[%add3A_392] : memref<128xf32, #tpu.memory_space<vmem>>[vector<16xi32>], vector<16xf32>,
            %add3A_394 = arith.constant 56 : i32
            %add3A_395 = vector.broadcast %add3A_394 : i32 to vector<16xi32>
            %add3A_396 = arith.addi %min3A_111, %add3A_395 : vector<16xi32>
            %gather3A_397 = tpu.vector_load_idx %arg11[%add3A_396] : memref<128xf32, #tpu.memory_space<vmem>>[vector<16xi32>], vector<16xf32>,
            %add3A_398 = arith.constant 64 : i32
            %add3A_399 = vector.broadcast %add3A_398 : i32 to vector<16xi32>
            %add3A_400 = arith.addi %min3A_111, %add3A_399 : vector<16xi32>
            %gather3A_401 = tpu.vector_load_idx %arg11[%add3A_400] : memref<128xf32, #tpu.memory_space<vmem>>[vector<16xi32>], vector<16xf32>,
            %add3A_402 = arith.constant 72 : i32
            %add3A_403 = vector.broadcast %add3A_402 : i32 to vector<16xi32>
            %add3A_404 = arith.addi %min3A_111, %add3A_403 : vector<16xi32>
            %gather3A_405 = tpu.vector_load_idx %arg11[%add3A_404] : memref<128xf32, #tpu.memory_space<vmem>>[vector<16xi32>], vector<16xf32>,
            %add3A_406 = arith.constant 80 : i32
            %add3A_407 = vector.broadcast %add3A_406 : i32 to vector<16xi32>
            %add3A_408 = arith.addi %min3A_111, %add3A_407 : vector<16xi32>
            %gather3A_409 = tpu.vector_load_idx %arg11[%add3A_408] : memref<128xf32, #tpu.memory_space<vmem>>[vector<16xi32>], vector<16xf32>,
            %add3A_410 = arith.constant 88 : i32
            %add3A_411 = vector.broadcast %add3A_410 : i32 to vector<16xi32>
            %add3A_412 = arith.addi %min3A_111, %add3A_411 : vector<16xi32>
            %gather3A_413 = tpu.vector_load_idx %arg11[%add3A_412] : memref<128xf32, #tpu.memory_space<vmem>>[vector<16xi32>], vector<16xf32>,
            %add3A_414 = arith.constant 96 : i32
            %add3A_415 = vector.broadcast %add3A_414 : i32 to vector<16xi32>
            %add3A_416 = arith.addi %min3A_111, %add3A_415 : vector<16xi32>
            %gather3A_417 = tpu.vector_load_idx %arg11[%add3A_416] : memref<128xf32, #tpu.memory_space<vmem>>[vector<16xi32>], vector<16xf32>,
            %add3A_418 = arith.constant 104 : i32
            %add3A_419 = vector.broadcast %add3A_418 : i32 to vector<16xi32>
            %add3A_420 = arith.addi %min3A_111, %add3A_419 : vector<16xi32>
            %gather3A_421 = tpu.vector_load_idx %arg11[%add3A_420] : memref<128xf32, #tpu.memory_space<vmem>>[vector<16xi32>], vector<16xf32>,
            %add3A_422 = arith.constant 112 : i32
            %add3A_423 = vector.broadcast %add3A_422 : i32 to vector<16xi32>
            %add3A_424 = arith.addi %min3A_111, %add3A_423 : vector<16xi32>
            %gather3A_425 = tpu.vector_load_idx %arg11[%add3A_424] : memref<128xf32, #tpu.memory_space<vmem>>[vector<16xi32>], vector<16xf32>,
            %add3A_426 = arith.constant 120 : i32
            %add3A_427 = vector.broadcast %add3A_426 : i32 to vector<16xi32>
            %add3A_428 = arith.addi %min3A_111, %add3A_427 : vector<16xi32>
            %gather3A_429 = tpu.vector_load_idx %arg11[%add3A_428] : memref<128xf32, #tpu.memory_space<vmem>>[vector<16xi32>], vector<16xf32>,
            %swap3A_430 = arith.constant 32 : i32
            %swap3A_431 = arith.index_cast %swap3A_430 : i32 to index
            %swap3A_432 = arith.index_cast %mul3A_92 : i32 to index
            %swap3A_433 = tpu.vector_load %arg15[%swap3A_431, %swap3A_432] {strides = array<i32>} : memref<64x256xf32, #tpu.memory_space<vmem>>, vector<16xf32>,
            tpu.vector_store %arg15[%swap3A_431, %swap3A_432], %gather3A_369 {strides = array<i32>} : memref<64x256xf32, #tpu.memory_space<vmem>>, vector<16xf32>,
            %swap3A_434 = arith.constant 33 : i32
            %swap3A_435 = arith.index_cast %swap3A_434 : i32 to index
            %swap3A_436 = arith.index_cast %mul3A_92 : i32 to index
            %swap3A_437 = tpu.vector_load %arg15[%swap3A_435, %swap3A_436] {strides = array<i32>} : memref<64x256xf32, #tpu.memory_space<vmem>>, vector<16xf32>,
            tpu.vector_store %arg15[%swap3A_435, %swap3A_436], %gather3A_373 {strides = array<i32>} : memref<64x256xf32, #tpu.memory_space<vmem>>, vector<16xf32>,
            %swap3A_438 = arith.constant 34 : i32
            %swap3A_439 = arith.index_cast %swap3A_438 : i32 to index
            %swap3A_440 = arith.index_cast %mul3A_92 : i32 to index
            %swap3A_441 = tpu.vector_load %arg15[%swap3A_439, %swap3A_440] {strides = array<i32>} : memref<64x256xf32, #tpu.memory_space<vmem>>, vector<16xf32>,
            tpu.vector_store %arg15[%swap3A_439, %swap3A_440], %gather3A_377 {strides = array<i32>} : memref<64x256xf32, #tpu.memory_space<vmem>>, vector<16xf32>,
            %swap3A_442 = arith.constant 35 : i32
            %swap3A_443 = arith.index_cast %swap3A_442 : i32 to index
            %swap3A_444 = arith.index_cast %mul3A_92 : i32 to index
            %swap3A_445 = tpu.vector_load %arg15[%swap3A_443, %swap3A_444] {strides = array<i32>} : memref<64x256xf32, #tpu.memory_space<vmem>>, vector<16xf32>,
            tpu.vector_store %arg15[%swap3A_443, %swap3A_444], %gather3A_381 {strides = array<i32>} : memref<64x256xf32, #tpu.memory_space<vmem>>, vector<16xf32>,
            %swap3A_446 = arith.constant 36 : i32
            %swap3A_447 = arith.index_cast %swap3A_446 : i32 to index
            %swap3A_448 = arith.index_cast %mul3A_92 : i32 to index
            %swap3A_449 = tpu.vector_load %arg15[%swap3A_447, %swap3A_448] {strides = array<i32>} : memref<64x256xf32, #tpu.memory_space<vmem>>, vector<16xf32>,
            tpu.vector_store %arg15[%swap3A_447, %swap3A_448], %gather3A_385 {strides = array<i32>} : memref<64x256xf32, #tpu.memory_space<vmem>>, vector<16xf32>,
            %swap3A_450 = arith.constant 37 : i32
            %swap3A_451 = arith.index_cast %swap3A_450 : i32 to index
            %swap3A_452 = arith.index_cast %mul3A_92 : i32 to index
            %swap3A_453 = tpu.vector_load %arg15[%swap3A_451, %swap3A_452] {strides = array<i32>} : memref<64x256xf32, #tpu.memory_space<vmem>>, vector<16xf32>,
            tpu.vector_store %arg15[%swap3A_451, %swap3A_452], %gather3A_389 {strides = array<i32>} : memref<64x256xf32, #tpu.memory_space<vmem>>, vector<16xf32>,
            %swap3A_454 = arith.constant 38 : i32
            %swap3A_455 = arith.index_cast %swap3A_454 : i32 to index
            %swap3A_456 = arith.index_cast %mul3A_92 : i32 to index
            %swap3A_457 = tpu.vector_load %arg15[%swap3A_455, %swap3A_456] {strides = array<i32>} : memref<64x256xf32, #tpu.memory_space<vmem>>, vector<16xf32>,
            tpu.vector_store %arg15[%swap3A_455, %swap3A_456], %gather3A_393 {strides = array<i32>} : memref<64x256xf32, #tpu.memory_space<vmem>>, vector<16xf32>,
            %swap3A_458 = arith.constant 39 : i32
            %swap3A_459 = arith.index_cast %swap3A_458 : i32 to index
            %swap3A_460 = arith.index_cast %mul3A_92 : i32 to index
            %swap3A_461 = tpu.vector_load %arg15[%swap3A_459, %swap3A_460] {strides = array<i32>} : memref<64x256xf32, #tpu.memory_space<vmem>>, vector<16xf32>,
            tpu.vector_store %arg15[%swap3A_459, %swap3A_460], %gather3A_397 {strides = array<i32>} : memref<64x256xf32, #tpu.memory_space<vmem>>, vector<16xf32>,
            %swap3A_462 = arith.constant 40 : i32
            %swap3A_463 = arith.index_cast %swap3A_462 : i32 to index
            %swap3A_464 = arith.index_cast %mul3A_92 : i32 to index
            %swap3A_465 = tpu.vector_load %arg15[%swap3A_463, %swap3A_464] {strides = array<i32>} : memref<64x256xf32, #tpu.memory_space<vmem>>, vector<16xf32>,
            tpu.vector_store %arg15[%swap3A_463, %swap3A_464], %gather3A_401 {strides = array<i32>} : memref<64x256xf32, #tpu.memory_space<vmem>>, vector<16xf32>,
            %swap3A_466 = arith.constant 41 : i32
            %swap3A_467 = arith.index_cast %swap3A_466 : i32 to index
            %swap3A_468 = arith.index_cast %mul3A_92 : i32 to index
            %swap3A_469 = tpu.vector_load %arg15[%swap3A_467, %swap3A_468] {strides = array<i32>} : memref<64x256xf32, #tpu.memory_space<vmem>>, vector<16xf32>,
            tpu.vector_store %arg15[%swap3A_467, %swap3A_468], %gather3A_405 {strides = array<i32>} : memref<64x256xf32, #tpu.memory_space<vmem>>, vector<16xf32>,
            %swap3A_470 = arith.constant 42 : i32
            %swap3A_471 = arith.index_cast %swap3A_470 : i32 to index
            %swap3A_472 = arith.index_cast %mul3A_92 : i32 to index
            %swap3A_473 = tpu.vector_load %arg15[%swap3A_471, %swap3A_472] {strides = array<i32>} : memref<64x256xf32, #tpu.memory_space<vmem>>, vector<16xf32>,
            tpu.vector_store %arg15[%swap3A_471, %swap3A_472], %gather3A_409 {strides = array<i32>} : memref<64x256xf32, #tpu.memory_space<vmem>>, vector<16xf32>,
            %swap3A_474 = arith.constant 43 : i32
            %swap3A_475 = arith.index_cast %swap3A_474 : i32 to index
            %swap3A_476 = arith.index_cast %mul3A_92 : i32 to index
            %swap3A_477 = tpu.vector_load %arg15[%swap3A_475, %swap3A_476] {strides = array<i32>} : memref<64x256xf32, #tpu.memory_space<vmem>>, vector<16xf32>,
            tpu.vector_store %arg15[%swap3A_475, %swap3A_476], %gather3A_413 {strides = array<i32>} : memref<64x256xf32, #tpu.memory_space<vmem>>, vector<16xf32>,
            %swap3A_478 = arith.constant 44 : i32
            %swap3A_479 = arith.index_cast %swap3A_478 : i32 to index
            %swap3A_480 = arith.index_cast %mul3A_92 : i32 to index
            %swap3A_481 = tpu.vector_load %arg15[%swap3A_479, %swap3A_480] {strides = array<i32>} : memref<64x256xf32, #tpu.memory_space<vmem>>, vector<16xf32>,
            tpu.vector_store %arg15[%swap3A_479, %swap3A_480], %gather3A_417 {strides = array<i32>} : memref<64x256xf32, #tpu.memory_space<vmem>>, vector<16xf32>,
            %swap3A_482 = arith.constant 45 : i32
            %swap3A_483 = arith.index_cast %swap3A_482 : i32 to index
            %swap3A_484 = arith.index_cast %mul3A_92 : i32 to index
            %swap3A_485 = tpu.vector_load %arg15[%swap3A_483, %swap3A_484] {strides = array<i32>} : memref<64x256xf32, #tpu.memory_space<vmem>>, vector<16xf32>,
            tpu.vector_store %arg15[%swap3A_483, %swap3A_484], %gather3A_421 {strides = array<i32>} : memref<64x256xf32, #tpu.memory_space<vmem>>, vector<16xf32>,
            %swap3A_486 = arith.constant 46 : i32
            %swap3A_487 = arith.index_cast %swap3A_486 : i32 to index
            %swap3A_488 = arith.index_cast %mul3A_92 : i32 to index
            %swap3A_489 = tpu.vector_load %arg15[%swap3A_487, %swap3A_488] {strides = array<i32>} : memref<64x256xf32, #tpu.memory_space<vmem>>, vector<16xf32>,
            tpu.vector_store %arg15[%swap3A_487, %swap3A_488], %gather3A_425 {strides = array<i32>} : memref<64x256xf32, #tpu.memory_space<vmem>>, vector<16xf32>,
            %swap3A_490 = arith.constant 47 : i32
            %swap3A_491 = arith.index_cast %swap3A_490 : i32 to index
            %swap3A_492 = arith.index_cast %mul3A_92 : i32 to index
            %swap3A_493 = tpu.vector_load %arg15[%swap3A_491, %swap3A_492] {strides = array<i32>} : memref<64x256xf32, #tpu.memory_space<vmem>>, vector<16xf32>,
            tpu.vector_store %arg15[%swap3A_491, %swap3A_492], %gather3A_429 {strides = array<i32>} : memref<64x256xf32, #tpu.memory_space<vmem>>, vector<16xf32>,
            %get3A_494 = arith.constant 2 : i32
            %get3A_495 = arith.index_cast %get3A_494 : i32 to index
            %get3A_496 = arith.index_cast %mul3A_92 : i32 to index
            %get3A_497 = tpu.vector_load %arg13[%get3A_495, %get3A_496] {strides = array<i32>} : memref<16x256xf32, #tpu.memory_space<vmem>>, vector<16xf32>,
            %get3A_498 = arith.constant 3 : i32
            %get3A_499 = arith.index_cast %get3A_498 : i32 to index
            %get3A_500 = arith.index_cast %mul3A_92 : i32 to index
            %get3A_501 = tpu.vector_load %arg13[%get3A_499, %get3A_500] {strides = array<i32>} : memref<16x256xf32, #tpu.memory_space<vmem>>, vector<16xf32>,
            %get3A_502 = arith.constant 4 : i32
            %get3A_503 = arith.index_cast %get3A_502 : i32 to index
            %get3A_504 = arith.index_cast %mul3A_92 : i32 to index
            %get3A_505 = tpu.vector_load %arg13[%get3A_503, %get3A_504] {strides = array<i32>} : memref<16x256xf32, #tpu.memory_space<vmem>>, vector<16xf32>,
            %get3A_506 = arith.constant 5 : i32
            %get3A_507 = arith.index_cast %get3A_506 : i32 to index
            %get3A_508 = arith.index_cast %mul3A_92 : i32 to index
            %get3A_509 = tpu.vector_load %arg13[%get3A_507, %get3A_508] {strides = array<i32>} : memref<16x256xf32, #tpu.memory_space<vmem>>, vector<16xf32>,
            %get3A_510 = arith.constant 6 : i32
            %get3A_511 = arith.index_cast %get3A_510 : i32 to index
            %get3A_512 = arith.index_cast %mul3A_92 : i32 to index
            %get3A_513 = tpu.vector_load %arg13[%get3A_511, %get3A_512] {strides = array<i32>} : memref<16x256xf32, #tpu.memory_space<vmem>>, vector<16xf32>,
            %get3A_514 = arith.constant 7 : i32
            %get3A_515 = arith.index_cast %get3A_514 : i32 to index
            %get3A_516 = arith.index_cast %mul3A_92 : i32 to index
            %get3A_517 = tpu.vector_load %arg13[%get3A_515, %get3A_516] {strides = array<i32>} : memref<16x256xf32, #tpu.memory_space<vmem>>, vector<16xf32>,
            %get3A_518 = arith.constant 8 : i32
            %get3A_519 = arith.index_cast %get3A_518 : i32 to index
            %get3A_520 = arith.index_cast %mul3A_92 : i32 to index
            %get3A_521 = tpu.vector_load %arg13[%get3A_519, %get3A_520] {strides = array<i32>} : memref<16x256xf32, #tpu.memory_space<vmem>>, vector<16xf32>,
            %get3A_522 = arith.constant 9 : i32
            %get3A_523 = arith.index_cast %get3A_522 : i32 to index
            %get3A_524 = arith.index_cast %mul3A_92 : i32 to index
            %get3A_525 = tpu.vector_load %arg13[%get3A_523, %get3A_524] {strides = array<i32>} : memref<16x256xf32, #tpu.memory_space<vmem>>, vector<16xf32>,
            %get3A_526 = arith.constant 10 : i32
            %get3A_527 = arith.index_cast %get3A_526 : i32 to index
            %get3A_528 = arith.index_cast %mul3A_92 : i32 to index
            %get3A_529 = tpu.vector_load %arg13[%get3A_527, %get3A_528] {strides = array<i32>} : memref<16x256xf32, #tpu.memory_space<vmem>>, vector<16xf32>,
            %get3A_530 = arith.constant 11 : i32
            %get3A_531 = arith.index_cast %get3A_530 : i32 to index
            %get3A_532 = arith.index_cast %mul3A_92 : i32 to index
            %get3A_533 = tpu.vector_load %arg13[%get3A_531, %get3A_532] {strides = array<i32>} : memref<16x256xf32, #tpu.memory_space<vmem>>, vector<16xf32>,
            %get3A_534 = arith.constant 12 : i32
            %get3A_535 = arith.index_cast %get3A_534 : i32 to index
            %get3A_536 = arith.index_cast %mul3A_92 : i32 to index
            %get3A_537 = tpu.vector_load %arg13[%get3A_535, %get3A_536] {strides = array<i32>} : memref<16x256xf32, #tpu.memory_space<vmem>>, vector<16xf32>,
            %get3A_538 = arith.constant 13 : i32
            %get3A_539 = arith.index_cast %get3A_538 : i32 to index
            %get3A_540 = arith.index_cast %mul3A_92 : i32 to index
            %get3A_541 = tpu.vector_load %arg13[%get3A_539, %get3A_540] {strides = array<i32>} : memref<16x256xf32, #tpu.memory_space<vmem>>, vector<16xf32>,
            %get3A_542 = arith.constant 14 : i32
            %get3A_543 = arith.index_cast %get3A_542 : i32 to index
            %get3A_544 = arith.index_cast %mul3A_92 : i32 to index
            %get3A_545 = tpu.vector_load %arg13[%get3A_543, %get3A_544] {strides = array<i32>} : memref<16x256xf32, #tpu.memory_space<vmem>>, vector<16xf32>,
            %get3A_546 = arith.constant 15 : i32
            %get3A_547 = arith.index_cast %get3A_546 : i32 to index
            %get3A_548 = arith.index_cast %mul3A_92 : i32 to index
            %get3A_549 = tpu.vector_load %arg13[%get3A_547, %get3A_548] {strides = array<i32>} : memref<16x256xf32, #tpu.memory_space<vmem>>, vector<16xf32>,
            %swap3A_550 = arith.constant 48 : i32
            %swap3A_551 = arith.index_cast %swap3A_550 : i32 to index
            %swap3A_552 = arith.index_cast %mul3A_92 : i32 to index
            %swap3A_553 = tpu.vector_load %arg15[%swap3A_551, %swap3A_552] {strides = array<i32>} : memref<64x256xf32, #tpu.memory_space<vmem>>, vector<16xf32>,
            tpu.vector_store %arg15[%swap3A_551, %swap3A_552], %get3A_497 {strides = array<i32>} : memref<64x256xf32, #tpu.memory_space<vmem>>, vector<16xf32>,
            %swap3A_554 = arith.constant 49 : i32
            %swap3A_555 = arith.index_cast %swap3A_554 : i32 to index
            %swap3A_556 = arith.index_cast %mul3A_92 : i32 to index
            %swap3A_557 = tpu.vector_load %arg15[%swap3A_555, %swap3A_556] {strides = array<i32>} : memref<64x256xf32, #tpu.memory_space<vmem>>, vector<16xf32>,
            tpu.vector_store %arg15[%swap3A_555, %swap3A_556], %get3A_501 {strides = array<i32>} : memref<64x256xf32, #tpu.memory_space<vmem>>, vector<16xf32>,
            %swap3A_558 = arith.constant 50 : i32
            %swap3A_559 = arith.index_cast %swap3A_558 : i32 to index
            %swap3A_560 = arith.index_cast %mul3A_92 : i32 to index
            %swap3A_561 = tpu.vector_load %arg15[%swap3A_559, %swap3A_560] {strides = array<i32>} : memref<64x256xf32, #tpu.memory_space<vmem>>, vector<16xf32>,
            tpu.vector_store %arg15[%swap3A_559, %swap3A_560], %get3A_505 {strides = array<i32>} : memref<64x256xf32, #tpu.memory_space<vmem>>, vector<16xf32>,
            %swap3A_562 = arith.constant 51 : i32
            %swap3A_563 = arith.index_cast %swap3A_562 : i32 to index
            %swap3A_564 = arith.index_cast %mul3A_92 : i32 to index
            %swap3A_565 = tpu.vector_load %arg15[%swap3A_563, %swap3A_564] {strides = array<i32>} : memref<64x256xf32, #tpu.memory_space<vmem>>, vector<16xf32>,
            tpu.vector_store %arg15[%swap3A_563, %swap3A_564], %get3A_509 {strides = array<i32>} : memref<64x256xf32, #tpu.memory_space<vmem>>, vector<16xf32>,
            %swap3A_566 = arith.constant 52 : i32
            %swap3A_567 = arith.index_cast %swap3A_566 : i32 to index
            %swap3A_568 = arith.index_cast %mul3A_92 : i32 to index
            %swap3A_569 = tpu.vector_load %arg15[%swap3A_567, %swap3A_568] {strides = array<i32>} : memref<64x256xf32, #tpu.memory_space<vmem>>, vector<16xf32>,
            tpu.vector_store %arg15[%swap3A_567, %swap3A_568], %get3A_513 {strides = array<i32>} : memref<64x256xf32, #tpu.memory_space<vmem>>, vector<16xf32>,
            %swap3A_570 = arith.constant 53 : i32
            %swap3A_571 = arith.index_cast %swap3A_570 : i32 to index
            %swap3A_572 = arith.index_cast %mul3A_92 : i32 to index
            %swap3A_573 = tpu.vector_load %arg15[%swap3A_571, %swap3A_572] {strides = array<i32>} : memref<64x256xf32, #tpu.memory_space<vmem>>, vector<16xf32>,
            tpu.vector_store %arg15[%swap3A_571, %swap3A_572], %get3A_517 {strides = array<i32>} : memref<64x256xf32, #tpu.memory_space<vmem>>, vector<16xf32>,
            %swap3A_574 = arith.constant 54 : i32
            %swap3A_575 = arith.index_cast %swap3A_574 : i32 to index
            %swap3A_576 = arith.index_cast %mul3A_92 : i32 to index
            %swap3A_577 = tpu.vector_load %arg15[%swap3A_575, %swap3A_576] {strides = array<i32>} : memref<64x256xf32, #tpu.memory_space<vmem>>, vector<16xf32>,
            tpu.vector_store %arg15[%swap3A_575, %swap3A_576], %get3A_521 {strides = array<i32>} : memref<64x256xf32, #tpu.memory_space<vmem>>, vector<16xf32>,
            %swap3A_578 = arith.constant 55 : i32
            %swap3A_579 = arith.index_cast %swap3A_578 : i32 to index
            %swap3A_580 = arith.index_cast %mul3A_92 : i32 to index
            %swap3A_581 = tpu.vector_load %arg15[%swap3A_579, %swap3A_580] {strides = array<i32>} : memref<64x256xf32, #tpu.memory_space<vmem>>, vector<16xf32>,
            tpu.vector_store %arg15[%swap3A_579, %swap3A_580], %get3A_525 {strides = array<i32>} : memref<64x256xf32, #tpu.memory_space<vmem>>, vector<16xf32>,
            %swap3A_582 = arith.constant 56 : i32
            %swap3A_583 = arith.index_cast %swap3A_582 : i32 to index
            %swap3A_584 = arith.index_cast %mul3A_92 : i32 to index
            %swap3A_585 = tpu.vector_load %arg15[%swap3A_583, %swap3A_584] {strides = array<i32>} : memref<64x256xf32, #tpu.memory_space<vmem>>, vector<16xf32>,
            tpu.vector_store %arg15[%swap3A_583, %swap3A_584], %get3A_529 {strides = array<i32>} : memref<64x256xf32, #tpu.memory_space<vmem>>, vector<16xf32>,
            %swap3A_586 = arith.constant 57 : i32
            %swap3A_587 = arith.index_cast %swap3A_586 : i32 to index
            %swap3A_588 = arith.index_cast %mul3A_92 : i32 to index
            %swap3A_589 = tpu.vector_load %arg15[%swap3A_587, %swap3A_588] {strides = array<i32>} : memref<64x256xf32, #tpu.memory_space<vmem>>, vector<16xf32>,
            tpu.vector_store %arg15[%swap3A_587, %swap3A_588], %get3A_533 {strides = array<i32>} : memref<64x256xf32, #tpu.memory_space<vmem>>, vector<16xf32>,
            %swap3A_590 = arith.constant 58 : i32
            %swap3A_591 = arith.index_cast %swap3A_590 : i32 to index
            %swap3A_592 = arith.index_cast %mul3A_92 : i32 to index
            %swap3A_593 = tpu.vector_load %arg15[%swap3A_591, %swap3A_592] {strides = array<i32>} : memref<64x256xf32, #tpu.memory_space<vmem>>, vector<16xf32>,
            tpu.vector_store %arg15[%swap3A_591, %swap3A_592], %get3A_537 {strides = array<i32>} : memref<64x256xf32, #tpu.memory_space<vmem>>, vector<16xf32>,
            %swap3A_594 = arith.constant 59 : i32
            %swap3A_595 = arith.index_cast %swap3A_594 : i32 to index
            %swap3A_596 = arith.index_cast %mul3A_92 : i32 to index
            %swap3A_597 = tpu.vector_load %arg15[%swap3A_595, %swap3A_596] {strides = array<i32>} : memref<64x256xf32, #tpu.memory_space<vmem>>, vector<16xf32>,
            tpu.vector_store %arg15[%swap3A_595, %swap3A_596], %get3A_541 {strides = array<i32>} : memref<64x256xf32, #tpu.memory_space<vmem>>, vector<16xf32>,
            %swap3A_598 = arith.constant 60 : i32
            %swap3A_599 = arith.index_cast %swap3A_598 : i32 to index
            %swap3A_600 = arith.index_cast %mul3A_92 : i32 to index
            %swap3A_601 = tpu.vector_load %arg15[%swap3A_599, %swap3A_600] {strides = array<i32>} : memref<64x256xf32, #tpu.memory_space<vmem>>, vector<16xf32>,
            tpu.vector_store %arg15[%swap3A_599, %swap3A_600], %get3A_545 {strides = array<i32>} : memref<64x256xf32, #tpu.memory_space<vmem>>, vector<16xf32>,
            %swap3A_602 = arith.constant 61 : i32
            %swap3A_603 = arith.index_cast %swap3A_602 : i32 to index
            %swap3A_604 = arith.index_cast %mul3A_92 : i32 to index
            %swap3A_605 = tpu.vector_load %arg15[%swap3A_603, %swap3A_604] {strides = array<i32>} : memref<64x256xf32, #tpu.memory_space<vmem>>, vector<16xf32>,
            tpu.vector_store %arg15[%swap3A_603, %swap3A_604], %get3A_549 {strides = array<i32>} : memref<64x256xf32, #tpu.memory_space<vmem>>, vector<16xf32>,
          }
          %scan3A_80 = arith.constant 16 : i32
          %mul3A_81 = arith.constant 256 : i32
          %mul3A_82 = arith.muli %add3A_64, %mul3A_81 : i32
          %dma_start3A = arith.constant 0 : i32
          %dma_start3A_83 = tpu.memref_slice %arg8[%dma_start3A, %mul3A_82] : memref<62x100000xf32, #tpu.memory_space<hbm>> -> memref<64x256xf32, #tpu.memory_space<hbm>>
          %dma_start3A_84 = arith.constant 0 : i32
          %dma_start3A_85 = tpu.memref_slice %arg8[%dma_start3A_84, %mul3A_82] : memref<62x100000xf32, #tpu.memory_space<hbm>> -> memref<64x256xf32, #tpu.memory_space<hbm>>
          tpu.enqueue_dma source(%arg15 : memref<64x256xf32, #tpu.memory_space<vmem>>) target(%dma_start3A_85 : memref<64x256xf32, #tpu.memory_space<hbm>>) target_semaphore(%arg25 : memref<!tpu.dma_semaphore, #tpu.memory_space<semaphore_mem>>)
        } else {
        }
      }
      %scan3A_30 = arith.constant 40 : i32
      %dma_wait3A = arith.constant 0 : i32
      %dma_wait3A_31 = arith.constant 0 : i32
      %dma_wait3A_32 = tpu.memref_slice %arg8[%dma_wait3A, %dma_wait3A_31] : memref<62x100000xf32, #tpu.memory_space<hbm>> -> memref<64x256xf32, #tpu.memory_space<hbm>>
      %dma_wait3A_33 = arith.constant 0 : i32
      %dma_wait3A_34 = arith.constant 0 : i32
      %dma_wait3A_35 = tpu.memref_slice %arg8[%dma_wait3A_33, %dma_wait3A_34] : memref<62x100000xf32, #tpu.memory_space<hbm>> -> memref<64x256xf32, #tpu.memory_space<hbm>>
      tpu.wait_dma2 semaphore(%arg24 : memref<!tpu.dma_semaphore, #tpu.memory_space<semaphore_mem>>) src(%arg14 : memref<64x256xf32, #tpu.memory_space<vmem>>) dst(%dma_wait3A_35 : memref<64x256xf32, #tpu.memory_space<hbm>>)
      %dma_wait3A_36 = arith.constant 0 : i32
      %dma_wait3A_37 = arith.constant 0 : i32
      %dma_wait3A_38 = tpu.memref_slice %arg8[%dma_wait3A_36, %dma_wait3A_37] : memref<62x100000xf32, #tpu.memory_space<hbm>> -> memref<64x256xf32, #tpu.memory_space<hbm>>
      %dma_wait3A_39 = arith.constant 0 : i32
      %dma_wait3A_40 = arith.constant 0 : i32
      %dma_wait3A_41 = tpu.memref_slice %arg8[%dma_wait3A_39, %dma_wait3A_40] : memref<62x100000xf32, #tpu.memory_space<hbm>> -> memref<64x256xf32, #tpu.memory_space<hbm>>
      tpu.wait_dma2 semaphore(%arg25 : memref<!tpu.dma_semaphore, #tpu.memory_space<semaphore_mem>>) src(%arg15 : memref<64x256xf32, #tpu.memory_space<vmem>>) dst(%dma_wait3A_41 : memref<64x256xf32, #tpu.memory_space<hbm>>)
      %eq3A = arith.constant 0 : i32
      %eq3A_42 = arith.cmpi eq, %add3A, %eq3A : i32
      %convert_element_type3A_43 = arith.extui %eq3A_42 : i1 to i32
      %cond3A_44 = arith.constant 0 : i32
      %cond3A_45 = arith.cmpi ne, %convert_element_type3A_43, %cond3A_44 : i32
      scf.if %cond3A_45 {
        %mul3A_46 = arith.constant 0 : i32
        %mul3A_47 = arith.muli %add3A, %mul3A_46 : i32
        %add3A_48 = arith.constant 99840 : i32
        %add3A_49 = arith.addi %mul3A_47, %add3A_48 : i32
        %multiple_of3A = tpu.assume_multiple %add3A_49, 128 : i32
        "tpu.region"() ({
          %run_scoped3A = tpu.sem_alloc : memref<!tpu.dma_semaphore, #tpu.memory_space<semaphore_mem>>
          %dma_start3A = arith.constant 0 : i32
          %dma_start3A_55 = arith.constant 0 : i32
          %dma_start3A_56 = tpu.memref_slice %arg13[%dma_start3A, %dma_start3A_55] : memref<16x256xf32, #tpu.memory_space<vmem>> -> memref<16x256xf32, #tpu.memory_space<vmem>>
          %dma_start3A_57 = arith.constant 0 : i32
          %dma_start3A_58 = tpu.memref_slice %arg2[%dma_start3A_57, %multiple_of3A] : memref<16x100000xf32, #tpu.memory_space<hbm>> -> memref<16x256xf32, #tpu.memory_space<hbm>>
          %dma_start3A_59 = arith.constant 0 : i32
          %dma_start3A_60 = arith.constant 0 : i32
          %dma_start3A_61 = tpu.memref_slice %arg13[%dma_start3A_59, %dma_start3A_60] : memref<16x256xf32, #tpu.memory_space<vmem>> -> memref<16x256xf32, #tpu.memory_space<vmem>>
          %dma_start3A_62 = arith.constant 0 : i32
          %dma_start3A_63 = tpu.memref_slice %arg2[%dma_start3A_62, %multiple_of3A] : memref<16x100000xf32, #tpu.memory_space<hbm>> -> memref<16x256xf32, #tpu.memory_space<hbm>>
          tpu.enqueue_dma source(%dma_start3A_63 : memref<16x256xf32, #tpu.memory_space<hbm>>) target(%dma_start3A_61 : memref<16x256xf32, #tpu.memory_space<vmem>>) target_semaphore(%run_scoped3A : memref<!tpu.dma_semaphore, #tpu.memory_space<semaphore_mem>>)
          %dma_wait3A_64 = arith.constant 0 : i32
          %dma_wait3A_65 = arith.constant 0 : i32
          %dma_wait3A_66 = tpu.memref_slice %arg13[%dma_wait3A_64, %dma_wait3A_65] : memref<16x256xf32, #tpu.memory_space<vmem>> -> memref<16x256xf32, #tpu.memory_space<vmem>>
          %dma_wait3A_67 = arith.constant 0 : i32
          %dma_wait3A_68 = tpu.memref_slice %arg2[%dma_wait3A_67, %multiple_of3A] : memref<16x100000xf32, #tpu.memory_space<hbm>> -> memref<16x256xf32, #tpu.memory_space<hbm>>
          %dma_wait3A_69 = arith.constant 0 : i32
          %dma_wait3A_70 = arith.constant 0 : i32
          %dma_wait3A_71 = tpu.memref_slice %arg13[%dma_wait3A_69, %dma_wait3A_70] : memref<16x256xf32, #tpu.memory_space<vmem>> -> memref<16x256xf32, #tpu.memory_space<vmem>>
          %dma_wait3A_72 = arith.constant 0 : i32
          %dma_wait3A_73 = tpu.memref_slice %arg2[%dma_wait3A_72, %multiple_of3A] : memref<16x100000xf32, #tpu.memory_space<hbm>> -> memref<16x256xf32, #tpu.memory_space<hbm>>
          tpu.wait_dma2 semaphore(%run_scoped3A : memref<!tpu.dma_semaphore, #tpu.memory_space<semaphore_mem>>) src(%dma_wait3A_73 : memref<16x256xf32, #tpu.memory_space<hbm>>) dst(%dma_wait3A_71 : memref<16x256xf32, #tpu.memory_space<vmem>>)
          tpu.yield
        }) : () -> ()
        %scan3A_50 = arith.constant 0 : i32
        %scan3A_51 = arith.constant 16 : i32
        %scan3A_52 = arith.addi %scan3A_50, %scan3A_51 : i32
        %scan3A_53 = arith.constant 1 : i32
        scf.for %scan3A_55 = %scan3A_50 to %scan3A_52 step %scan3A_53  : i32 {
          %mul3A_56 = arith.constant 1 : i32
          %mul3A_57 = arith.muli %scan3A_55, %mul3A_56 : i32
          %add3A_58 = arith.constant 0 : i32
          %add3A_59 = arith.addi %add3A_58, %mul3A_57 : i32
          %mul3A_60 = arith.constant 16 : i32
          %mul3A_61 = arith.muli %add3A_59, %mul3A_60 : i32
          %get3A = arith.constant 0 : i32
          %get3A_62 = arith.index_cast %get3A : i32 to index
          %get3A_63 = arith.index_cast %mul3A_61 : i32 to index
          %get3A_64 = tpu.vector_load %arg13[%get3A_62, %get3A_63] {strides = array<i32>} : memref<16x256xf32, #tpu.memory_space<vmem>>, vector<16xf32>,
          %convert_element_type3A_65 = arith.fptosi %get3A_64 : vector<16xf32> to vector<16xi32>
          %max3A = arith.constant 0 : i32
          %max3A_66 = vector.broadcast %max3A : i32 to vector<16xi32>
          %max3A_67 = arith.maxsi %convert_element_type3A_65, %max3A_66 : vector<16xi32>
          %min3A = arith.constant 38 : i32
          %min3A_68 = vector.broadcast %min3A : i32 to vector<16xi32>
          %min3A_69 = arith.minsi %max3A_67, %min3A_68 : vector<16xi32>
          %get3A_70 = arith.constant 1 : i32
          %get3A_71 = arith.index_cast %get3A_70 : i32 to index
          %get3A_72 = arith.index_cast %mul3A_61 : i32 to index
          %get3A_73 = tpu.vector_load %arg13[%get3A_71, %get3A_72] {strides = array<i32>} : memref<16x256xf32, #tpu.memory_space<vmem>>, vector<16xf32>,
          %convert_element_type3A_74 = arith.fptosi %get3A_73 : vector<16xf32> to vector<16xi32>
          %max3A_75 = arith.constant 0 : i32
          %max3A_76 = vector.broadcast %max3A_75 : i32 to vector<16xi32>
          %max3A_77 = arith.maxsi %convert_element_type3A_74, %max3A_76 : vector<16xi32>
          %min3A_78 = arith.constant 7 : i32
          %min3A_79 = vector.broadcast %min3A_78 : i32 to vector<16xi32>
          %min3A_80 = arith.minsi %max3A_77, %min3A_79 : vector<16xi32>
          %add3A_81 = arith.constant 0 : i32
          %add3A_82 = vector.broadcast %add3A_81 : i32 to vector<16xi32>
          %add3A_83 = arith.addi %min3A_69, %add3A_82 : vector<16xi32>
          %gather3A = tpu.vector_load_idx %arg10[%add3A_83] : memref<1248xf32, #tpu.memory_space<vmem>>[vector<16xi32>], vector<16xf32>,
          %add3A_84 = arith.constant 39 : i32
          %add3A_85 = vector.broadcast %add3A_84 : i32 to vector<16xi32>
          %add3A_86 = arith.addi %min3A_69, %add3A_85 : vector<16xi32>
          %gather3A_87 = tpu.vector_load_idx %arg10[%add3A_86] : memref<1248xf32, #tpu.memory_space<vmem>>[vector<16xi32>], vector<16xf32>,
          %add3A_88 = arith.constant 78 : i32
          %add3A_89 = vector.broadcast %add3A_88 : i32 to vector<16xi32>
          %add3A_90 = arith.addi %min3A_69, %add3A_89 : vector<16xi32>
          %gather3A_91 = tpu.vector_load_idx %arg10[%add3A_90] : memref<1248xf32, #tpu.memory_space<vmem>>[vector<16xi32>], vector<16xf32>,
          %add3A_92 = arith.constant 117 : i32
          %add3A_93 = vector.broadcast %add3A_92 : i32 to vector<16xi32>
          %add3A_94 = arith.addi %min3A_69, %add3A_93 : vector<16xi32>
          %gather3A_95 = tpu.vector_load_idx %arg10[%add3A_94] : memref<1248xf32, #tpu.memory_space<vmem>>[vector<16xi32>], vector<16xf32>,
          %add3A_96 = arith.constant 156 : i32
          %add3A_97 = vector.broadcast %add3A_96 : i32 to vector<16xi32>
          %add3A_98 = arith.addi %min3A_69, %add3A_97 : vector<16xi32>
          %gather3A_99 = tpu.vector_load_idx %arg10[%add3A_98] : memref<1248xf32, #tpu.memory_space<vmem>>[vector<16xi32>], vector<16xf32>,
          %add3A_100 = arith.constant 195 : i32
          %add3A_101 = vector.broadcast %add3A_100 : i32 to vector<16xi32>
          %add3A_102 = arith.addi %min3A_69, %add3A_101 : vector<16xi32>
          %gather3A_103 = tpu.vector_load_idx %arg10[%add3A_102] : memref<1248xf32, #tpu.memory_space<vmem>>[vector<16xi32>], vector<16xf32>,
          %add3A_104 = arith.constant 234 : i32
          %add3A_105 = vector.broadcast %add3A_104 : i32 to vector<16xi32>
          %add3A_106 = arith.addi %min3A_69, %add3A_105 : vector<16xi32>
          %gather3A_107 = tpu.vector_load_idx %arg10[%add3A_106] : memref<1248xf32, #tpu.memory_space<vmem>>[vector<16xi32>], vector<16xf32>,
          %add3A_108 = arith.constant 273 : i32
          %add3A_109 = vector.broadcast %add3A_108 : i32 to vector<16xi32>
          %add3A_110 = arith.addi %min3A_69, %add3A_109 : vector<16xi32>
          %gather3A_111 = tpu.vector_load_idx %arg10[%add3A_110] : memref<1248xf32, #tpu.memory_space<vmem>>[vector<16xi32>], vector<16xf32>,
          %add3A_112 = arith.constant 312 : i32
          %add3A_113 = vector.broadcast %add3A_112 : i32 to vector<16xi32>
          %add3A_114 = arith.addi %min3A_69, %add3A_113 : vector<16xi32>
          %gather3A_115 = tpu.vector_load_idx %arg10[%add3A_114] : memref<1248xf32, #tpu.memory_space<vmem>>[vector<16xi32>], vector<16xf32>,
          %add3A_116 = arith.constant 351 : i32
          %add3A_117 = vector.broadcast %add3A_116 : i32 to vector<16xi32>
          %add3A_118 = arith.addi %min3A_69, %add3A_117 : vector<16xi32>
          %gather3A_119 = tpu.vector_load_idx %arg10[%add3A_118] : memref<1248xf32, #tpu.memory_space<vmem>>[vector<16xi32>], vector<16xf32>,
          %add3A_120 = arith.constant 390 : i32
          %add3A_121 = vector.broadcast %add3A_120 : i32 to vector<16xi32>
          %add3A_122 = arith.addi %min3A_69, %add3A_121 : vector<16xi32>
          %gather3A_123 = tpu.vector_load_idx %arg10[%add3A_122] : memref<1248xf32, #tpu.memory_space<vmem>>[vector<16xi32>], vector<16xf32>,
          %add3A_124 = arith.constant 429 : i32
          %add3A_125 = vector.broadcast %add3A_124 : i32 to vector<16xi32>
          %add3A_126 = arith.addi %min3A_69, %add3A_125 : vector<16xi32>
          %gather3A_127 = tpu.vector_load_idx %arg10[%add3A_126] : memref<1248xf32, #tpu.memory_space<vmem>>[vector<16xi32>], vector<16xf32>,
          %add3A_128 = arith.constant 468 : i32
          %add3A_129 = vector.broadcast %add3A_128 : i32 to vector<16xi32>
          %add3A_130 = arith.addi %min3A_69, %add3A_129 : vector<16xi32>
          %gather3A_131 = tpu.vector_load_idx %arg10[%add3A_130] : memref<1248xf32, #tpu.memory_space<vmem>>[vector<16xi32>], vector<16xf32>,
          %add3A_132 = arith.constant 507 : i32
          %add3A_133 = vector.broadcast %add3A_132 : i32 to vector<16xi32>
          %add3A_134 = arith.addi %min3A_69, %add3A_133 : vector<16xi32>
          %gather3A_135 = tpu.vector_load_idx %arg10[%add3A_134] : memref<1248xf32, #tpu.memory_space<vmem>>[vector<16xi32>], vector<16xf32>,
          %add3A_136 = arith.constant 546 : i32
          %add3A_137 = vector.broadcast %add3A_136 : i32 to vector<16xi32>
          %add3A_138 = arith.addi %min3A_69, %add3A_137 : vector<16xi32>
          %gather3A_139 = tpu.vector_load_idx %arg10[%add3A_138] : memref<1248xf32, #tpu.memory_space<vmem>>[vector<16xi32>], vector<16xf32>,
          %add3A_140 = arith.constant 585 : i32
          %add3A_141 = vector.broadcast %add3A_140 : i32 to vector<16xi32>
          %add3A_142 = arith.addi %min3A_69, %add3A_141 : vector<16xi32>
          %gather3A_143 = tpu.vector_load_idx %arg10[%add3A_142] : memref<1248xf32, #tpu.memory_space<vmem>>[vector<16xi32>], vector<16xf32>,
          %swap3A = arith.constant 0 : i32
          %swap3A_144 = arith.index_cast %swap3A : i32 to index
          %swap3A_145 = arith.index_cast %mul3A_61 : i32 to index
          %swap3A_146 = tpu.vector_load %arg14[%swap3A_144, %swap3A_145] {strides = array<i32>} : memref<64x256xf32, #tpu.memory_space<vmem>>, vector<16xf32>,
          tpu.vector_store %arg14[%swap3A_144, %swap3A_145], %gather3A {strides = array<i32>} : memref<64x256xf32, #tpu.memory_space<vmem>>, vector<16xf32>,
          %swap3A_147 = arith.constant 1 : i32
          %swap3A_148 = arith.index_cast %swap3A_147 : i32 to index
          %swap3A_149 = arith.index_cast %mul3A_61 : i32 to index
          %swap3A_150 = tpu.vector_load %arg14[%swap3A_148, %swap3A_149] {strides = array<i32>} : memref<64x256xf32, #tpu.memory_space<vmem>>, vector<16xf32>,
          tpu.vector_store %arg14[%swap3A_148, %swap3A_149], %gather3A_87 {strides = array<i32>} : memref<64x256xf32, #tpu.memory_space<vmem>>, vector<16xf32>,
          %swap3A_151 = arith.constant 2 : i32
          %swap3A_152 = arith.index_cast %swap3A_151 : i32 to index
          %swap3A_153 = arith.index_cast %mul3A_61 : i32 to index
          %swap3A_154 = tpu.vector_load %arg14[%swap3A_152, %swap3A_153] {strides = array<i32>} : memref<64x256xf32, #tpu.memory_space<vmem>>, vector<16xf32>,
          tpu.vector_store %arg14[%swap3A_152, %swap3A_153], %gather3A_91 {strides = array<i32>} : memref<64x256xf32, #tpu.memory_space<vmem>>, vector<16xf32>,
          %swap3A_155 = arith.constant 3 : i32
          %swap3A_156 = arith.index_cast %swap3A_155 : i32 to index
          %swap3A_157 = arith.index_cast %mul3A_61 : i32 to index
          %swap3A_158 = tpu.vector_load %arg14[%swap3A_156, %swap3A_157] {strides = array<i32>} : memref<64x256xf32, #tpu.memory_space<vmem>>, vector<16xf32>,
          tpu.vector_store %arg14[%swap3A_156, %swap3A_157], %gather3A_95 {strides = array<i32>} : memref<64x256xf32, #tpu.memory_space<vmem>>, vector<16xf32>,
          %swap3A_159 = arith.constant 4 : i32
          %swap3A_160 = arith.index_cast %swap3A_159 : i32 to index
          %swap3A_161 = arith.index_cast %mul3A_61 : i32 to index
          %swap3A_162 = tpu.vector_load %arg14[%swap3A_160, %swap3A_161] {strides = array<i32>} : memref<64x256xf32, #tpu.memory_space<vmem>>, vector<16xf32>,
          tpu.vector_store %arg14[%swap3A_160, %swap3A_161], %gather3A_99 {strides = array<i32>} : memref<64x256xf32, #tpu.memory_space<vmem>>, vector<16xf32>,
          %swap3A_163 = arith.constant 5 : i32
          %swap3A_164 = arith.index_cast %swap3A_163 : i32 to index
          %swap3A_165 = arith.index_cast %mul3A_61 : i32 to index
          %swap3A_166 = tpu.vector_load %arg14[%swap3A_164, %swap3A_165] {strides = array<i32>} : memref<64x256xf32, #tpu.memory_space<vmem>>, vector<16xf32>,
          tpu.vector_store %arg14[%swap3A_164, %swap3A_165], %gather3A_103 {strides = array<i32>} : memref<64x256xf32, #tpu.memory_space<vmem>>, vector<16xf32>,
          %swap3A_167 = arith.constant 6 : i32
          %swap3A_168 = arith.index_cast %swap3A_167 : i32 to index
          %swap3A_169 = arith.index_cast %mul3A_61 : i32 to index
          %swap3A_170 = tpu.vector_load %arg14[%swap3A_168, %swap3A_169] {strides = array<i32>} : memref<64x256xf32, #tpu.memory_space<vmem>>, vector<16xf32>,
          tpu.vector_store %arg14[%swap3A_168, %swap3A_169], %gather3A_107 {strides = array<i32>} : memref<64x256xf32, #tpu.memory_space<vmem>>, vector<16xf32>,
          %swap3A_171 = arith.constant 7 : i32
          %swap3A_172 = arith.index_cast %swap3A_171 : i32 to index
          %swap3A_173 = arith.index_cast %mul3A_61 : i32 to index
          %swap3A_174 = tpu.vector_load %arg14[%swap3A_172, %swap3A_173] {strides = array<i32>} : memref<64x256xf32, #tpu.memory_space<vmem>>, vector<16xf32>,
          tpu.vector_store %arg14[%swap3A_172, %swap3A_173], %gather3A_111 {strides = array<i32>} : memref<64x256xf32, #tpu.memory_space<vmem>>, vector<16xf32>,
          %swap3A_175 = arith.constant 8 : i32
          %swap3A_176 = arith.index_cast %swap3A_175 : i32 to index
          %swap3A_177 = arith.index_cast %mul3A_61 : i32 to index
          %swap3A_178 = tpu.vector_load %arg14[%swap3A_176, %swap3A_177] {strides = array<i32>} : memref<64x256xf32, #tpu.memory_space<vmem>>, vector<16xf32>,
          tpu.vector_store %arg14[%swap3A_176, %swap3A_177], %gather3A_115 {strides = array<i32>} : memref<64x256xf32, #tpu.memory_space<vmem>>, vector<16xf32>,
          %swap3A_179 = arith.constant 9 : i32
          %swap3A_180 = arith.index_cast %swap3A_179 : i32 to index
          %swap3A_181 = arith.index_cast %mul3A_61 : i32 to index
          %swap3A_182 = tpu.vector_load %arg14[%swap3A_180, %swap3A_181] {strides = array<i32>} : memref<64x256xf32, #tpu.memory_space<vmem>>, vector<16xf32>,
          tpu.vector_store %arg14[%swap3A_180, %swap3A_181], %gather3A_119 {strides = array<i32>} : memref<64x256xf32, #tpu.memory_space<vmem>>, vector<16xf32>,
          %swap3A_183 = arith.constant 10 : i32
          %swap3A_184 = arith.index_cast %swap3A_183 : i32 to index
          %swap3A_185 = arith.index_cast %mul3A_61 : i32 to index
          %swap3A_186 = tpu.vector_load %arg14[%swap3A_184, %swap3A_185] {strides = array<i32>} : memref<64x256xf32, #tpu.memory_space<vmem>>, vector<16xf32>,
          tpu.vector_store %arg14[%swap3A_184, %swap3A_185], %gather3A_123 {strides = array<i32>} : memref<64x256xf32, #tpu.memory_space<vmem>>, vector<16xf32>,
          %swap3A_187 = arith.constant 11 : i32
          %swap3A_188 = arith.index_cast %swap3A_187 : i32 to index
          %swap3A_189 = arith.index_cast %mul3A_61 : i32 to index
          %swap3A_190 = tpu.vector_load %arg14[%swap3A_188, %swap3A_189] {strides = array<i32>} : memref<64x256xf32, #tpu.memory_space<vmem>>, vector<16xf32>,
          tpu.vector_store %arg14[%swap3A_188, %swap3A_189], %gather3A_127 {strides = array<i32>} : memref<64x256xf32, #tpu.memory_space<vmem>>, vector<16xf32>,
          %swap3A_191 = arith.constant 12 : i32
          %swap3A_192 = arith.index_cast %swap3A_191 : i32 to index
          %swap3A_193 = arith.index_cast %mul3A_61 : i32 to index
          %swap3A_194 = tpu.vector_load %arg14[%swap3A_192, %swap3A_193] {strides = array<i32>} : memref<64x256xf32, #tpu.memory_space<vmem>>, vector<16xf32>,
          tpu.vector_store %arg14[%swap3A_192, %swap3A_193], %gather3A_131 {strides = array<i32>} : memref<64x256xf32, #tpu.memory_space<vmem>>, vector<16xf32>,
          %swap3A_195 = arith.constant 13 : i32
          %swap3A_196 = arith.index_cast %swap3A_195 : i32 to index
          %swap3A_197 = arith.index_cast %mul3A_61 : i32 to index
          %swap3A_198 = tpu.vector_load %arg14[%swap3A_196, %swap3A_197] {strides = array<i32>} : memref<64x256xf32, #tpu.memory_space<vmem>>, vector<16xf32>,
          tpu.vector_store %arg14[%swap3A_196, %swap3A_197], %gather3A_135 {strides = array<i32>} : memref<64x256xf32, #tpu.memory_space<vmem>>, vector<16xf32>,
          %swap3A_199 = arith.constant 14 : i32
          %swap3A_200 = arith.index_cast %swap3A_199 : i32 to index
          %swap3A_201 = arith.index_cast %mul3A_61 : i32 to index
          %swap3A_202 = tpu.vector_load %arg14[%swap3A_200, %swap3A_201] {strides = array<i32>} : memref<64x256xf32, #tpu.memory_space<vmem>>, vector<16xf32>,
          tpu.vector_store %arg14[%swap3A_200, %swap3A_201], %gather3A_139 {strides = array<i32>} : memref<64x256xf32, #tpu.memory_space<vmem>>, vector<16xf32>,
          %swap3A_203 = arith.constant 15 : i32
          %swap3A_204 = arith.index_cast %swap3A_203 : i32 to index
          %swap3A_205 = arith.index_cast %mul3A_61 : i32 to index
          %swap3A_206 = tpu.vector_load %arg14[%swap3A_204, %swap3A_205] {strides = array<i32>} : memref<64x256xf32, #tpu.memory_space<vmem>>, vector<16xf32>,
          tpu.vector_store %arg14[%swap3A_204, %swap3A_205], %gather3A_143 {strides = array<i32>} : memref<64x256xf32, #tpu.memory_space<vmem>>, vector<16xf32>,
          %add3A_207 = arith.constant 624 : i32
          %add3A_208 = vector.broadcast %add3A_207 : i32 to vector<16xi32>
          %add3A_209 = arith.addi %min3A_69, %add3A_208 : vector<16xi32>
          %gather3A_210 = tpu.vector_load_idx %arg10[%add3A_209] : memref<1248xf32, #tpu.memory_space<vmem>>[vector<16xi32>], vector<16xf32>,
          %add3A_211 = arith.constant 663 : i32
          %add3A_212 = vector.broadcast %add3A_211 : i32 to vector<16xi32>
          %add3A_213 = arith.addi %min3A_69, %add3A_212 : vector<16xi32>
          %gather3A_214 = tpu.vector_load_idx %arg10[%add3A_213] : memref<1248xf32, #tpu.memory_space<vmem>>[vector<16xi32>], vector<16xf32>,
          %add3A_215 = arith.constant 702 : i32
          %add3A_216 = vector.broadcast %add3A_215 : i32 to vector<16xi32>
          %add3A_217 = arith.addi %min3A_69, %add3A_216 : vector<16xi32>
          %gather3A_218 = tpu.vector_load_idx %arg10[%add3A_217] : memref<1248xf32, #tpu.memory_space<vmem>>[vector<16xi32>], vector<16xf32>,
          %add3A_219 = arith.constant 741 : i32
          %add3A_220 = vector.broadcast %add3A_219 : i32 to vector<16xi32>
          %add3A_221 = arith.addi %min3A_69, %add3A_220 : vector<16xi32>
          %gather3A_222 = tpu.vector_load_idx %arg10[%add3A_221] : memref<1248xf32, #tpu.memory_space<vmem>>[vector<16xi32>], vector<16xf32>,
          %add3A_223 = arith.constant 780 : i32
          %add3A_224 = vector.broadcast %add3A_223 : i32 to vector<16xi32>
          %add3A_225 = arith.addi %min3A_69, %add3A_224 : vector<16xi32>
          %gather3A_226 = tpu.vector_load_idx %arg10[%add3A_225] : memref<1248xf32, #tpu.memory_space<vmem>>[vector<16xi32>], vector<16xf32>,
          %add3A_227 = arith.constant 819 : i32
          %add3A_228 = vector.broadcast %add3A_227 : i32 to vector<16xi32>
          %add3A_229 = arith.addi %min3A_69, %add3A_228 : vector<16xi32>
          %gather3A_230 = tpu.vector_load_idx %arg10[%add3A_229] : memref<1248xf32, #tpu.memory_space<vmem>>[vector<16xi32>], vector<16xf32>,
          %add3A_231 = arith.constant 858 : i32
          %add3A_232 = vector.broadcast %add3A_231 : i32 to vector<16xi32>
          %add3A_233 = arith.addi %min3A_69, %add3A_232 : vector<16xi32>
          %gather3A_234 = tpu.vector_load_idx %arg10[%add3A_233] : memref<1248xf32, #tpu.memory_space<vmem>>[vector<16xi32>], vector<16xf32>,
          %add3A_235 = arith.constant 897 : i32
          %add3A_236 = vector.broadcast %add3A_235 : i32 to vector<16xi32>
          %add3A_237 = arith.addi %min3A_69, %add3A_236 : vector<16xi32>
          %gather3A_238 = tpu.vector_load_idx %arg10[%add3A_237] : memref<1248xf32, #tpu.memory_space<vmem>>[vector<16xi32>], vector<16xf32>,
          %add3A_239 = arith.constant 936 : i32
          %add3A_240 = vector.broadcast %add3A_239 : i32 to vector<16xi32>
          %add3A_241 = arith.addi %min3A_69, %add3A_240 : vector<16xi32>
          %gather3A_242 = tpu.vector_load_idx %arg10[%add3A_241] : memref<1248xf32, #tpu.memory_space<vmem>>[vector<16xi32>], vector<16xf32>,
          %add3A_243 = arith.constant 975 : i32
          %add3A_244 = vector.broadcast %add3A_243 : i32 to vector<16xi32>
          %add3A_245 = arith.addi %min3A_69, %add3A_244 : vector<16xi32>
          %gather3A_246 = tpu.vector_load_idx %arg10[%add3A_245] : memref<1248xf32, #tpu.memory_space<vmem>>[vector<16xi32>], vector<16xf32>,
          %add3A_247 = arith.constant 1014 : i32
          %add3A_248 = vector.broadcast %add3A_247 : i32 to vector<16xi32>
          %add3A_249 = arith.addi %min3A_69, %add3A_248 : vector<16xi32>
          %gather3A_250 = tpu.vector_load_idx %arg10[%add3A_249] : memref<1248xf32, #tpu.memory_space<vmem>>[vector<16xi32>], vector<16xf32>,
          %add3A_251 = arith.constant 1053 : i32
          %add3A_252 = vector.broadcast %add3A_251 : i32 to vector<16xi32>
          %add3A_253 = arith.addi %min3A_69, %add3A_252 : vector<16xi32>
          %gather3A_254 = tpu.vector_load_idx %arg10[%add3A_253] : memref<1248xf32, #tpu.memory_space<vmem>>[vector<16xi32>], vector<16xf32>,
          %add3A_255 = arith.constant 1092 : i32
          %add3A_256 = vector.broadcast %add3A_255 : i32 to vector<16xi32>
          %add3A_257 = arith.addi %min3A_69, %add3A_256 : vector<16xi32>
          %gather3A_258 = tpu.vector_load_idx %arg10[%add3A_257] : memref<1248xf32, #tpu.memory_space<vmem>>[vector<16xi32>], vector<16xf32>,
          %add3A_259 = arith.constant 1131 : i32
          %add3A_260 = vector.broadcast %add3A_259 : i32 to vector<16xi32>
          %add3A_261 = arith.addi %min3A_69, %add3A_260 : vector<16xi32>
          %gather3A_262 = tpu.vector_load_idx %arg10[%add3A_261] : memref<1248xf32, #tpu.memory_space<vmem>>[vector<16xi32>], vector<16xf32>,
          %add3A_263 = arith.constant 1170 : i32
          %add3A_264 = vector.broadcast %add3A_263 : i32 to vector<16xi32>
          %add3A_265 = arith.addi %min3A_69, %add3A_264 : vector<16xi32>
          %gather3A_266 = tpu.vector_load_idx %arg10[%add3A_265] : memref<1248xf32, #tpu.memory_space<vmem>>[vector<16xi32>], vector<16xf32>,
          %add3A_267 = arith.constant 1209 : i32
          %add3A_268 = vector.broadcast %add3A_267 : i32 to vector<16xi32>
          %add3A_269 = arith.addi %min3A_69, %add3A_268 : vector<16xi32>
          %gather3A_270 = tpu.vector_load_idx %arg10[%add3A_269] : memref<1248xf32, #tpu.memory_space<vmem>>[vector<16xi32>], vector<16xf32>,
          %swap3A_271 = arith.constant 16 : i32
          %swap3A_272 = arith.index_cast %swap3A_271 : i32 to index
          %swap3A_273 = arith.index_cast %mul3A_61 : i32 to index
          %swap3A_274 = tpu.vector_load %arg14[%swap3A_272, %swap3A_273] {strides = array<i32>} : memref<64x256xf32, #tpu.memory_space<vmem>>, vector<16xf32>,
          tpu.vector_store %arg14[%swap3A_272, %swap3A_273], %gather3A_210 {strides = array<i32>} : memref<64x256xf32, #tpu.memory_space<vmem>>, vector<16xf32>,
          %swap3A_275 = arith.constant 17 : i32
          %swap3A_276 = arith.index_cast %swap3A_275 : i32 to index
          %swap3A_277 = arith.index_cast %mul3A_61 : i32 to index
          %swap3A_278 = tpu.vector_load %arg14[%swap3A_276, %swap3A_277] {strides = array<i32>} : memref<64x256xf32, #tpu.memory_space<vmem>>, vector<16xf32>,
          tpu.vector_store %arg14[%swap3A_276, %swap3A_277], %gather3A_214 {strides = array<i32>} : memref<64x256xf32, #tpu.memory_space<vmem>>, vector<16xf32>,
          %swap3A_279 = arith.constant 18 : i32
          %swap3A_280 = arith.index_cast %swap3A_279 : i32 to index
          %swap3A_281 = arith.index_cast %mul3A_61 : i32 to index
          %swap3A_282 = tpu.vector_load %arg14[%swap3A_280, %swap3A_281] {strides = array<i32>} : memref<64x256xf32, #tpu.memory_space<vmem>>, vector<16xf32>,
          tpu.vector_store %arg14[%swap3A_280, %swap3A_281], %gather3A_218 {strides = array<i32>} : memref<64x256xf32, #tpu.memory_space<vmem>>, vector<16xf32>,
          %swap3A_283 = arith.constant 19 : i32
          %swap3A_284 = arith.index_cast %swap3A_283 : i32 to index
          %swap3A_285 = arith.index_cast %mul3A_61 : i32 to index
          %swap3A_286 = tpu.vector_load %arg14[%swap3A_284, %swap3A_285] {strides = array<i32>} : memref<64x256xf32, #tpu.memory_space<vmem>>, vector<16xf32>,
          tpu.vector_store %arg14[%swap3A_284, %swap3A_285], %gather3A_222 {strides = array<i32>} : memref<64x256xf32, #tpu.memory_space<vmem>>, vector<16xf32>,
          %swap3A_287 = arith.constant 20 : i32
          %swap3A_288 = arith.index_cast %swap3A_287 : i32 to index
          %swap3A_289 = arith.index_cast %mul3A_61 : i32 to index
          %swap3A_290 = tpu.vector_load %arg14[%swap3A_288, %swap3A_289] {strides = array<i32>} : memref<64x256xf32, #tpu.memory_space<vmem>>, vector<16xf32>,
          tpu.vector_store %arg14[%swap3A_288, %swap3A_289], %gather3A_226 {strides = array<i32>} : memref<64x256xf32, #tpu.memory_space<vmem>>, vector<16xf32>,
          %swap3A_291 = arith.constant 21 : i32
          %swap3A_292 = arith.index_cast %swap3A_291 : i32 to index
          %swap3A_293 = arith.index_cast %mul3A_61 : i32 to index
          %swap3A_294 = tpu.vector_load %arg14[%swap3A_292, %swap3A_293] {strides = array<i32>} : memref<64x256xf32, #tpu.memory_space<vmem>>, vector<16xf32>,
          tpu.vector_store %arg14[%swap3A_292, %swap3A_293], %gather3A_230 {strides = array<i32>} : memref<64x256xf32, #tpu.memory_space<vmem>>, vector<16xf32>,
          %swap3A_295 = arith.constant 22 : i32
          %swap3A_296 = arith.index_cast %swap3A_295 : i32 to index
          %swap3A_297 = arith.index_cast %mul3A_61 : i32 to index
          %swap3A_298 = tpu.vector_load %arg14[%swap3A_296, %swap3A_297] {strides = array<i32>} : memref<64x256xf32, #tpu.memory_space<vmem>>, vector<16xf32>,
          tpu.vector_store %arg14[%swap3A_296, %swap3A_297], %gather3A_234 {strides = array<i32>} : memref<64x256xf32, #tpu.memory_space<vmem>>, vector<16xf32>,
          %swap3A_299 = arith.constant 23 : i32
          %swap3A_300 = arith.index_cast %swap3A_299 : i32 to index
          %swap3A_301 = arith.index_cast %mul3A_61 : i32 to index
          %swap3A_302 = tpu.vector_load %arg14[%swap3A_300, %swap3A_301] {strides = array<i32>} : memref<64x256xf32, #tpu.memory_space<vmem>>, vector<16xf32>,
          tpu.vector_store %arg14[%swap3A_300, %swap3A_301], %gather3A_238 {strides = array<i32>} : memref<64x256xf32, #tpu.memory_space<vmem>>, vector<16xf32>,
          %swap3A_303 = arith.constant 24 : i32
          %swap3A_304 = arith.index_cast %swap3A_303 : i32 to index
          %swap3A_305 = arith.index_cast %mul3A_61 : i32 to index
          %swap3A_306 = tpu.vector_load %arg14[%swap3A_304, %swap3A_305] {strides = array<i32>} : memref<64x256xf32, #tpu.memory_space<vmem>>, vector<16xf32>,
          tpu.vector_store %arg14[%swap3A_304, %swap3A_305], %gather3A_242 {strides = array<i32>} : memref<64x256xf32, #tpu.memory_space<vmem>>, vector<16xf32>,
          %swap3A_307 = arith.constant 25 : i32
          %swap3A_308 = arith.index_cast %swap3A_307 : i32 to index
          %swap3A_309 = arith.index_cast %mul3A_61 : i32 to index
          %swap3A_310 = tpu.vector_load %arg14[%swap3A_308, %swap3A_309] {strides = array<i32>} : memref<64x256xf32, #tpu.memory_space<vmem>>, vector<16xf32>,
          tpu.vector_store %arg14[%swap3A_308, %swap3A_309], %gather3A_246 {strides = array<i32>} : memref<64x256xf32, #tpu.memory_space<vmem>>, vector<16xf32>,
          %swap3A_311 = arith.constant 26 : i32
          %swap3A_312 = arith.index_cast %swap3A_311 : i32 to index
          %swap3A_313 = arith.index_cast %mul3A_61 : i32 to index
          %swap3A_314 = tpu.vector_load %arg14[%swap3A_312, %swap3A_313] {strides = array<i32>} : memref<64x256xf32, #tpu.memory_space<vmem>>, vector<16xf32>,
          tpu.vector_store %arg14[%swap3A_312, %swap3A_313], %gather3A_250 {strides = array<i32>} : memref<64x256xf32, #tpu.memory_space<vmem>>, vector<16xf32>,
          %swap3A_315 = arith.constant 27 : i32
          %swap3A_316 = arith.index_cast %swap3A_315 : i32 to index
          %swap3A_317 = arith.index_cast %mul3A_61 : i32 to index
          %swap3A_318 = tpu.vector_load %arg14[%swap3A_316, %swap3A_317] {strides = array<i32>} : memref<64x256xf32, #tpu.memory_space<vmem>>, vector<16xf32>,
          tpu.vector_store %arg14[%swap3A_316, %swap3A_317], %gather3A_254 {strides = array<i32>} : memref<64x256xf32, #tpu.memory_space<vmem>>, vector<16xf32>,
          %swap3A_319 = arith.constant 28 : i32
          %swap3A_320 = arith.index_cast %swap3A_319 : i32 to index
          %swap3A_321 = arith.index_cast %mul3A_61 : i32 to index
          %swap3A_322 = tpu.vector_load %arg14[%swap3A_320, %swap3A_321] {strides = array<i32>} : memref<64x256xf32, #tpu.memory_space<vmem>>, vector<16xf32>,
          tpu.vector_store %arg14[%swap3A_320, %swap3A_321], %gather3A_258 {strides = array<i32>} : memref<64x256xf32, #tpu.memory_space<vmem>>, vector<16xf32>,
          %swap3A_323 = arith.constant 29 : i32
          %swap3A_324 = arith.index_cast %swap3A_323 : i32 to index
          %swap3A_325 = arith.index_cast %mul3A_61 : i32 to index
          %swap3A_326 = tpu.vector_load %arg14[%swap3A_324, %swap3A_325] {strides = array<i32>} : memref<64x256xf32, #tpu.memory_space<vmem>>, vector<16xf32>,
          tpu.vector_store %arg14[%swap3A_324, %swap3A_325], %gather3A_262 {strides = array<i32>} : memref<64x256xf32, #tpu.memory_space<vmem>>, vector<16xf32>,
          %swap3A_327 = arith.constant 30 : i32
          %swap3A_328 = arith.index_cast %swap3A_327 : i32 to index
          %swap3A_329 = arith.index_cast %mul3A_61 : i32 to index
          %swap3A_330 = tpu.vector_load %arg14[%swap3A_328, %swap3A_329] {strides = array<i32>} : memref<64x256xf32, #tpu.memory_space<vmem>>, vector<16xf32>,
          tpu.vector_store %arg14[%swap3A_328, %swap3A_329], %gather3A_266 {strides = array<i32>} : memref<64x256xf32, #tpu.memory_space<vmem>>, vector<16xf32>,
          %swap3A_331 = arith.constant 31 : i32
          %swap3A_332 = arith.index_cast %swap3A_331 : i32 to index
          %swap3A_333 = arith.index_cast %mul3A_61 : i32 to index
          %swap3A_334 = tpu.vector_load %arg14[%swap3A_332, %swap3A_333] {strides = array<i32>} : memref<64x256xf32, #tpu.memory_space<vmem>>, vector<16xf32>,
          tpu.vector_store %arg14[%swap3A_332, %swap3A_333], %gather3A_270 {strides = array<i32>} : memref<64x256xf32, #tpu.memory_space<vmem>>, vector<16xf32>,
          %add3A_335 = arith.constant 0 : i32
          %add3A_336 = vector.broadcast %add3A_335 : i32 to vector<16xi32>
          %add3A_337 = arith.addi %min3A_80, %add3A_336 : vector<16xi32>
          %gather3A_338 = tpu.vector_load_idx %arg11[%add3A_337] : memref<128xf32, #tpu.memory_space<vmem>>[vector<16xi32>], vector<16xf32>,
          %add3A_339 = arith.constant 8 : i32
          %add3A_340 = vector.broadcast %add3A_339 : i32 to vector<16xi32>
          %add3A_341 = arith.addi %min3A_80, %add3A_340 : vector<16xi32>
          %gather3A_342 = tpu.vector_load_idx %arg11[%add3A_341] : memref<128xf32, #tpu.memory_space<vmem>>[vector<16xi32>], vector<16xf32>,
          %add3A_343 = arith.constant 16 : i32
          %add3A_344 = vector.broadcast %add3A_343 : i32 to vector<16xi32>
          %add3A_345 = arith.addi %min3A_80, %add3A_344 : vector<16xi32>
          %gather3A_346 = tpu.vector_load_idx %arg11[%add3A_345] : memref<128xf32, #tpu.memory_space<vmem>>[vector<16xi32>], vector<16xf32>,
          %add3A_347 = arith.constant 24 : i32
          %add3A_348 = vector.broadcast %add3A_347 : i32 to vector<16xi32>
          %add3A_349 = arith.addi %min3A_80, %add3A_348 : vector<16xi32>
          %gather3A_350 = tpu.vector_load_idx %arg11[%add3A_349] : memref<128xf32, #tpu.memory_space<vmem>>[vector<16xi32>], vector<16xf32>,
          %add3A_351 = arith.constant 32 : i32
          %add3A_352 = vector.broadcast %add3A_351 : i32 to vector<16xi32>
          %add3A_353 = arith.addi %min3A_80, %add3A_352 : vector<16xi32>
          %gather3A_354 = tpu.vector_load_idx %arg11[%add3A_353] : memref<128xf32, #tpu.memory_space<vmem>>[vector<16xi32>], vector<16xf32>,
          %add3A_355 = arith.constant 40 : i32
          %add3A_356 = vector.broadcast %add3A_355 : i32 to vector<16xi32>
          %add3A_357 = arith.addi %min3A_80, %add3A_356 : vector<16xi32>
          %gather3A_358 = tpu.vector_load_idx %arg11[%add3A_357] : memref<128xf32, #tpu.memory_space<vmem>>[vector<16xi32>], vector<16xf32>,
          %add3A_359 = arith.constant 48 : i32
          %add3A_360 = vector.broadcast %add3A_359 : i32 to vector<16xi32>
          %add3A_361 = arith.addi %min3A_80, %add3A_360 : vector<16xi32>
          %gather3A_362 = tpu.vector_load_idx %arg11[%add3A_361] : memref<128xf32, #tpu.memory_space<vmem>>[vector<16xi32>], vector<16xf32>,
          %add3A_363 = arith.constant 56 : i32
          %add3A_364 = vector.broadcast %add3A_363 : i32 to vector<16xi32>
          %add3A_365 = arith.addi %min3A_80, %add3A_364 : vector<16xi32>
          %gather3A_366 = tpu.vector_load_idx %arg11[%add3A_365] : memref<128xf32, #tpu.memory_space<vmem>>[vector<16xi32>], vector<16xf32>,
          %add3A_367 = arith.constant 64 : i32
          %add3A_368 = vector.broadcast %add3A_367 : i32 to vector<16xi32>
          %add3A_369 = arith.addi %min3A_80, %add3A_368 : vector<16xi32>
          %gather3A_370 = tpu.vector_load_idx %arg11[%add3A_369] : memref<128xf32, #tpu.memory_space<vmem>>[vector<16xi32>], vector<16xf32>,
          %add3A_371 = arith.constant 72 : i32
          %add3A_372 = vector.broadcast %add3A_371 : i32 to vector<16xi32>
          %add3A_373 = arith.addi %min3A_80, %add3A_372 : vector<16xi32>
          %gather3A_374 = tpu.vector_load_idx %arg11[%add3A_373] : memref<128xf32, #tpu.memory_space<vmem>>[vector<16xi32>], vector<16xf32>,
          %add3A_375 = arith.constant 80 : i32
          %add3A_376 = vector.broadcast %add3A_375 : i32 to vector<16xi32>
          %add3A_377 = arith.addi %min3A_80, %add3A_376 : vector<16xi32>
          %gather3A_378 = tpu.vector_load_idx %arg11[%add3A_377] : memref<128xf32, #tpu.memory_space<vmem>>[vector<16xi32>], vector<16xf32>,
          %add3A_379 = arith.constant 88 : i32
          %add3A_380 = vector.broadcast %add3A_379 : i32 to vector<16xi32>
          %add3A_381 = arith.addi %min3A_80, %add3A_380 : vector<16xi32>
          %gather3A_382 = tpu.vector_load_idx %arg11[%add3A_381] : memref<128xf32, #tpu.memory_space<vmem>>[vector<16xi32>], vector<16xf32>,
          %add3A_383 = arith.constant 96 : i32
          %add3A_384 = vector.broadcast %add3A_383 : i32 to vector<16xi32>
          %add3A_385 = arith.addi %min3A_80, %add3A_384 : vector<16xi32>
          %gather3A_386 = tpu.vector_load_idx %arg11[%add3A_385] : memref<128xf32, #tpu.memory_space<vmem>>[vector<16xi32>], vector<16xf32>,
          %add3A_387 = arith.constant 104 : i32
          %add3A_388 = vector.broadcast %add3A_387 : i32 to vector<16xi32>
          %add3A_389 = arith.addi %min3A_80, %add3A_388 : vector<16xi32>
          %gather3A_390 = tpu.vector_load_idx %arg11[%add3A_389] : memref<128xf32, #tpu.memory_space<vmem>>[vector<16xi32>], vector<16xf32>,
          %add3A_391 = arith.constant 112 : i32
          %add3A_392 = vector.broadcast %add3A_391 : i32 to vector<16xi32>
          %add3A_393 = arith.addi %min3A_80, %add3A_392 : vector<16xi32>
          %gather3A_394 = tpu.vector_load_idx %arg11[%add3A_393] : memref<128xf32, #tpu.memory_space<vmem>>[vector<16xi32>], vector<16xf32>,
          %add3A_395 = arith.constant 120 : i32
          %add3A_396 = vector.broadcast %add3A_395 : i32 to vector<16xi32>
          %add3A_397 = arith.addi %min3A_80, %add3A_396 : vector<16xi32>
          %gather3A_398 = tpu.vector_load_idx %arg11[%add3A_397] : memref<128xf32, #tpu.memory_space<vmem>>[vector<16xi32>], vector<16xf32>,
          %swap3A_399 = arith.constant 32 : i32
          %swap3A_400 = arith.index_cast %swap3A_399 : i32 to index
          %swap3A_401 = arith.index_cast %mul3A_61 : i32 to index
          %swap3A_402 = tpu.vector_load %arg14[%swap3A_400, %swap3A_401] {strides = array<i32>} : memref<64x256xf32, #tpu.memory_space<vmem>>, vector<16xf32>,
          tpu.vector_store %arg14[%swap3A_400, %swap3A_401], %gather3A_338 {strides = array<i32>} : memref<64x256xf32, #tpu.memory_space<vmem>>, vector<16xf32>,
          %swap3A_403 = arith.constant 33 : i32
          %swap3A_404 = arith.index_cast %swap3A_403 : i32 to index
          %swap3A_405 = arith.index_cast %mul3A_61 : i32 to index
          %swap3A_406 = tpu.vector_load %arg14[%swap3A_404, %swap3A_405] {strides = array<i32>} : memref<64x256xf32, #tpu.memory_space<vmem>>, vector<16xf32>,
          tpu.vector_store %arg14[%swap3A_404, %swap3A_405], %gather3A_342 {strides = array<i32>} : memref<64x256xf32, #tpu.memory_space<vmem>>, vector<16xf32>,
          %swap3A_407 = arith.constant 34 : i32
          %swap3A_408 = arith.index_cast %swap3A_407 : i32 to index
          %swap3A_409 = arith.index_cast %mul3A_61 : i32 to index
          %swap3A_410 = tpu.vector_load %arg14[%swap3A_408, %swap3A_409] {strides = array<i32>} : memref<64x256xf32, #tpu.memory_space<vmem>>, vector<16xf32>,
          tpu.vector_store %arg14[%swap3A_408, %swap3A_409], %gather3A_346 {strides = array<i32>} : memref<64x256xf32, #tpu.memory_space<vmem>>, vector<16xf32>,
          %swap3A_411 = arith.constant 35 : i32
          %swap3A_412 = arith.index_cast %swap3A_411 : i32 to index
          %swap3A_413 = arith.index_cast %mul3A_61 : i32 to index
          %swap3A_414 = tpu.vector_load %arg14[%swap3A_412, %swap3A_413] {strides = array<i32>} : memref<64x256xf32, #tpu.memory_space<vmem>>, vector<16xf32>,
          tpu.vector_store %arg14[%swap3A_412, %swap3A_413], %gather3A_350 {strides = array<i32>} : memref<64x256xf32, #tpu.memory_space<vmem>>, vector<16xf32>,
          %swap3A_415 = arith.constant 36 : i32
          %swap3A_416 = arith.index_cast %swap3A_415 : i32 to index
          %swap3A_417 = arith.index_cast %mul3A_61 : i32 to index
          %swap3A_418 = tpu.vector_load %arg14[%swap3A_416, %swap3A_417] {strides = array<i32>} : memref<64x256xf32, #tpu.memory_space<vmem>>, vector<16xf32>,
          tpu.vector_store %arg14[%swap3A_416, %swap3A_417], %gather3A_354 {strides = array<i32>} : memref<64x256xf32, #tpu.memory_space<vmem>>, vector<16xf32>,
          %swap3A_419 = arith.constant 37 : i32
          %swap3A_420 = arith.index_cast %swap3A_419 : i32 to index
          %swap3A_421 = arith.index_cast %mul3A_61 : i32 to index
          %swap3A_422 = tpu.vector_load %arg14[%swap3A_420, %swap3A_421] {strides = array<i32>} : memref<64x256xf32, #tpu.memory_space<vmem>>, vector<16xf32>,
          tpu.vector_store %arg14[%swap3A_420, %swap3A_421], %gather3A_358 {strides = array<i32>} : memref<64x256xf32, #tpu.memory_space<vmem>>, vector<16xf32>,
          %swap3A_423 = arith.constant 38 : i32
          %swap3A_424 = arith.index_cast %swap3A_423 : i32 to index
          %swap3A_425 = arith.index_cast %mul3A_61 : i32 to index
          %swap3A_426 = tpu.vector_load %arg14[%swap3A_424, %swap3A_425] {strides = array<i32>} : memref<64x256xf32, #tpu.memory_space<vmem>>, vector<16xf32>,
          tpu.vector_store %arg14[%swap3A_424, %swap3A_425], %gather3A_362 {strides = array<i32>} : memref<64x256xf32, #tpu.memory_space<vmem>>, vector<16xf32>,
          %swap3A_427 = arith.constant 39 : i32
          %swap3A_428 = arith.index_cast %swap3A_427 : i32 to index
          %swap3A_429 = arith.index_cast %mul3A_61 : i32 to index
          %swap3A_430 = tpu.vector_load %arg14[%swap3A_428, %swap3A_429] {strides = array<i32>} : memref<64x256xf32, #tpu.memory_space<vmem>>, vector<16xf32>,
          tpu.vector_store %arg14[%swap3A_428, %swap3A_429], %gather3A_366 {strides = array<i32>} : memref<64x256xf32, #tpu.memory_space<vmem>>, vector<16xf32>,
          %swap3A_431 = arith.constant 40 : i32
          %swap3A_432 = arith.index_cast %swap3A_431 : i32 to index
          %swap3A_433 = arith.index_cast %mul3A_61 : i32 to index
          %swap3A_434 = tpu.vector_load %arg14[%swap3A_432, %swap3A_433] {strides = array<i32>} : memref<64x256xf32, #tpu.memory_space<vmem>>, vector<16xf32>,
          tpu.vector_store %arg14[%swap3A_432, %swap3A_433], %gather3A_370 {strides = array<i32>} : memref<64x256xf32, #tpu.memory_space<vmem>>, vector<16xf32>,
          %swap3A_435 = arith.constant 41 : i32
          %swap3A_436 = arith.index_cast %swap3A_435 : i32 to index
          %swap3A_437 = arith.index_cast %mul3A_61 : i32 to index
          %swap3A_438 = tpu.vector_load %arg14[%swap3A_436, %swap3A_437] {strides = array<i32>} : memref<64x256xf32, #tpu.memory_space<vmem>>, vector<16xf32>,
          tpu.vector_store %arg14[%swap3A_436, %swap3A_437], %gather3A_374 {strides = array<i32>} : memref<64x256xf32, #tpu.memory_space<vmem>>, vector<16xf32>,
          %swap3A_439 = arith.constant 42 : i32
          %swap3A_440 = arith.index_cast %swap3A_439 : i32 to index
          %swap3A_441 = arith.index_cast %mul3A_61 : i32 to index
          %swap3A_442 = tpu.vector_load %arg14[%swap3A_440, %swap3A_441] {strides = array<i32>} : memref<64x256xf32, #tpu.memory_space<vmem>>, vector<16xf32>,
          tpu.vector_store %arg14[%swap3A_440, %swap3A_441], %gather3A_378 {strides = array<i32>} : memref<64x256xf32, #tpu.memory_space<vmem>>, vector<16xf32>,
          %swap3A_443 = arith.constant 43 : i32
          %swap3A_444 = arith.index_cast %swap3A_443 : i32 to index
          %swap3A_445 = arith.index_cast %mul3A_61 : i32 to index
          %swap3A_446 = tpu.vector_load %arg14[%swap3A_444, %swap3A_445] {strides = array<i32>} : memref<64x256xf32, #tpu.memory_space<vmem>>, vector<16xf32>,
          tpu.vector_store %arg14[%swap3A_444, %swap3A_445], %gather3A_382 {strides = array<i32>} : memref<64x256xf32, #tpu.memory_space<vmem>>, vector<16xf32>,
          %swap3A_447 = arith.constant 44 : i32
          %swap3A_448 = arith.index_cast %swap3A_447 : i32 to index
          %swap3A_449 = arith.index_cast %mul3A_61 : i32 to index
          %swap3A_450 = tpu.vector_load %arg14[%swap3A_448, %swap3A_449] {strides = array<i32>} : memref<64x256xf32, #tpu.memory_space<vmem>>, vector<16xf32>,
          tpu.vector_store %arg14[%swap3A_448, %swap3A_449], %gather3A_386 {strides = array<i32>} : memref<64x256xf32, #tpu.memory_space<vmem>>, vector<16xf32>,
          %swap3A_451 = arith.constant 45 : i32
          %swap3A_452 = arith.index_cast %swap3A_451 : i32 to index
          %swap3A_453 = arith.index_cast %mul3A_61 : i32 to index
          %swap3A_454 = tpu.vector_load %arg14[%swap3A_452, %swap3A_453] {strides = array<i32>} : memref<64x256xf32, #tpu.memory_space<vmem>>, vector<16xf32>,
          tpu.vector_store %arg14[%swap3A_452, %swap3A_453], %gather3A_390 {strides = array<i32>} : memref<64x256xf32, #tpu.memory_space<vmem>>, vector<16xf32>,
          %swap3A_455 = arith.constant 46 : i32
          %swap3A_456 = arith.index_cast %swap3A_455 : i32 to index
          %swap3A_457 = arith.index_cast %mul3A_61 : i32 to index
          %swap3A_458 = tpu.vector_load %arg14[%swap3A_456, %swap3A_457] {strides = array<i32>} : memref<64x256xf32, #tpu.memory_space<vmem>>, vector<16xf32>,
          tpu.vector_store %arg14[%swap3A_456, %swap3A_457], %gather3A_394 {strides = array<i32>} : memref<64x256xf32, #tpu.memory_space<vmem>>, vector<16xf32>,
          %swap3A_459 = arith.constant 47 : i32
          %swap3A_460 = arith.index_cast %swap3A_459 : i32 to index
          %swap3A_461 = arith.index_cast %mul3A_61 : i32 to index
          %swap3A_462 = tpu.vector_load %arg14[%swap3A_460, %swap3A_461] {strides = array<i32>} : memref<64x256xf32, #tpu.memory_space<vmem>>, vector<16xf32>,
          tpu.vector_store %arg14[%swap3A_460, %swap3A_461], %gather3A_398 {strides = array<i32>} : memref<64x256xf32, #tpu.memory_space<vmem>>, vector<16xf32>,
          %get3A_463 = arith.constant 2 : i32
          %get3A_464 = arith.index_cast %get3A_463 : i32 to index
          %get3A_465 = arith.index_cast %mul3A_61 : i32 to index
          %get3A_466 = tpu.vector_load %arg13[%get3A_464, %get3A_465] {strides = array<i32>} : memref<16x256xf32, #tpu.memory_space<vmem>>, vector<16xf32>,
          %get3A_467 = arith.constant 3 : i32
          %get3A_468 = arith.index_cast %get3A_467 : i32 to index
          %get3A_469 = arith.index_cast %mul3A_61 : i32 to index
          %get3A_470 = tpu.vector_load %arg13[%get3A_468, %get3A_469] {strides = array<i32>} : memref<16x256xf32, #tpu.memory_space<vmem>>, vector<16xf32>,
          %get3A_471 = arith.constant 4 : i32
          %get3A_472 = arith.index_cast %get3A_471 : i32 to index
          %get3A_473 = arith.index_cast %mul3A_61 : i32 to index
          %get3A_474 = tpu.vector_load %arg13[%get3A_472, %get3A_473] {strides = array<i32>} : memref<16x256xf32, #tpu.memory_space<vmem>>, vector<16xf32>,
          %get3A_475 = arith.constant 5 : i32
          %get3A_476 = arith.index_cast %get3A_475 : i32 to index
          %get3A_477 = arith.index_cast %mul3A_61 : i32 to index
          %get3A_478 = tpu.vector_load %arg13[%get3A_476, %get3A_477] {strides = array<i32>} : memref<16x256xf32, #tpu.memory_space<vmem>>, vector<16xf32>,
          %get3A_479 = arith.constant 6 : i32
          %get3A_480 = arith.index_cast %get3A_479 : i32 to index
          %get3A_481 = arith.index_cast %mul3A_61 : i32 to index
          %get3A_482 = tpu.vector_load %arg13[%get3A_480, %get3A_481] {strides = array<i32>} : memref<16x256xf32, #tpu.memory_space<vmem>>, vector<16xf32>,
          %get3A_483 = arith.constant 7 : i32
          %get3A_484 = arith.index_cast %get3A_483 : i32 to index
          %get3A_485 = arith.index_cast %mul3A_61 : i32 to index
          %get3A_486 = tpu.vector_load %arg13[%get3A_484, %get3A_485] {strides = array<i32>} : memref<16x256xf32, #tpu.memory_space<vmem>>, vector<16xf32>,
          %get3A_487 = arith.constant 8 : i32
          %get3A_488 = arith.index_cast %get3A_487 : i32 to index
          %get3A_489 = arith.index_cast %mul3A_61 : i32 to index
          %get3A_490 = tpu.vector_load %arg13[%get3A_488, %get3A_489] {strides = array<i32>} : memref<16x256xf32, #tpu.memory_space<vmem>>, vector<16xf32>,
          %get3A_491 = arith.constant 9 : i32
          %get3A_492 = arith.index_cast %get3A_491 : i32 to index
          %get3A_493 = arith.index_cast %mul3A_61 : i32 to index
          %get3A_494 = tpu.vector_load %arg13[%get3A_492, %get3A_493] {strides = array<i32>} : memref<16x256xf32, #tpu.memory_space<vmem>>, vector<16xf32>,
          %get3A_495 = arith.constant 10 : i32
          %get3A_496 = arith.index_cast %get3A_495 : i32 to index
          %get3A_497 = arith.index_cast %mul3A_61 : i32 to index
          %get3A_498 = tpu.vector_load %arg13[%get3A_496, %get3A_497] {strides = array<i32>} : memref<16x256xf32, #tpu.memory_space<vmem>>, vector<16xf32>,
          %get3A_499 = arith.constant 11 : i32
          %get3A_500 = arith.index_cast %get3A_499 : i32 to index
          %get3A_501 = arith.index_cast %mul3A_61 : i32 to index
          %get3A_502 = tpu.vector_load %arg13[%get3A_500, %get3A_501] {strides = array<i32>} : memref<16x256xf32, #tpu.memory_space<vmem>>, vector<16xf32>,
          %get3A_503 = arith.constant 12 : i32
          %get3A_504 = arith.index_cast %get3A_503 : i32 to index
          %get3A_505 = arith.index_cast %mul3A_61 : i32 to index
          %get3A_506 = tpu.vector_load %arg13[%get3A_504, %get3A_505] {strides = array<i32>} : memref<16x256xf32, #tpu.memory_space<vmem>>, vector<16xf32>,
          %get3A_507 = arith.constant 13 : i32
          %get3A_508 = arith.index_cast %get3A_507 : i32 to index
          %get3A_509 = arith.index_cast %mul3A_61 : i32 to index
          %get3A_510 = tpu.vector_load %arg13[%get3A_508, %get3A_509] {strides = array<i32>} : memref<16x256xf32, #tpu.memory_space<vmem>>, vector<16xf32>,
          %get3A_511 = arith.constant 14 : i32
          %get3A_512 = arith.index_cast %get3A_511 : i32 to index
          %get3A_513 = arith.index_cast %mul3A_61 : i32 to index
          %get3A_514 = tpu.vector_load %arg13[%get3A_512, %get3A_513] {strides = array<i32>} : memref<16x256xf32, #tpu.memory_space<vmem>>, vector<16xf32>,
          %get3A_515 = arith.constant 15 : i32
          %get3A_516 = arith.index_cast %get3A_515 : i32 to index
          %get3A_517 = arith.index_cast %mul3A_61 : i32 to index
          %get3A_518 = tpu.vector_load %arg13[%get3A_516, %get3A_517] {strides = array<i32>} : memref<16x256xf32, #tpu.memory_space<vmem>>, vector<16xf32>,
          %swap3A_519 = arith.constant 48 : i32
          %swap3A_520 = arith.index_cast %swap3A_519 : i32 to index
          %swap3A_521 = arith.index_cast %mul3A_61 : i32 to index
          %swap3A_522 = tpu.vector_load %arg14[%swap3A_520, %swap3A_521] {strides = array<i32>} : memref<64x256xf32, #tpu.memory_space<vmem>>, vector<16xf32>,
          tpu.vector_store %arg14[%swap3A_520, %swap3A_521], %get3A_466 {strides = array<i32>} : memref<64x256xf32, #tpu.memory_space<vmem>>, vector<16xf32>,
          %swap3A_523 = arith.constant 49 : i32
          %swap3A_524 = arith.index_cast %swap3A_523 : i32 to index
          %swap3A_525 = arith.index_cast %mul3A_61 : i32 to index
          %swap3A_526 = tpu.vector_load %arg14[%swap3A_524, %swap3A_525] {strides = array<i32>} : memref<64x256xf32, #tpu.memory_space<vmem>>, vector<16xf32>,
          tpu.vector_store %arg14[%swap3A_524, %swap3A_525], %get3A_470 {strides = array<i32>} : memref<64x256xf32, #tpu.memory_space<vmem>>, vector<16xf32>,
          %swap3A_527 = arith.constant 50 : i32
          %swap3A_528 = arith.index_cast %swap3A_527 : i32 to index
          %swap3A_529 = arith.index_cast %mul3A_61 : i32 to index
          %swap3A_530 = tpu.vector_load %arg14[%swap3A_528, %swap3A_529] {strides = array<i32>} : memref<64x256xf32, #tpu.memory_space<vmem>>, vector<16xf32>,
          tpu.vector_store %arg14[%swap3A_528, %swap3A_529], %get3A_474 {strides = array<i32>} : memref<64x256xf32, #tpu.memory_space<vmem>>, vector<16xf32>,
          %swap3A_531 = arith.constant 51 : i32
          %swap3A_532 = arith.index_cast %swap3A_531 : i32 to index
          %swap3A_533 = arith.index_cast %mul3A_61 : i32 to index
          %swap3A_534 = tpu.vector_load %arg14[%swap3A_532, %swap3A_533] {strides = array<i32>} : memref<64x256xf32, #tpu.memory_space<vmem>>, vector<16xf32>,
          tpu.vector_store %arg14[%swap3A_532, %swap3A_533], %get3A_478 {strides = array<i32>} : memref<64x256xf32, #tpu.memory_space<vmem>>, vector<16xf32>,
          %swap3A_535 = arith.constant 52 : i32
          %swap3A_536 = arith.index_cast %swap3A_535 : i32 to index
          %swap3A_537 = arith.index_cast %mul3A_61 : i32 to index
          %swap3A_538 = tpu.vector_load %arg14[%swap3A_536, %swap3A_537] {strides = array<i32>} : memref<64x256xf32, #tpu.memory_space<vmem>>, vector<16xf32>,
          tpu.vector_store %arg14[%swap3A_536, %swap3A_537], %get3A_482 {strides = array<i32>} : memref<64x256xf32, #tpu.memory_space<vmem>>, vector<16xf32>,
          %swap3A_539 = arith.constant 53 : i32
          %swap3A_540 = arith.index_cast %swap3A_539 : i32 to index
          %swap3A_541 = arith.index_cast %mul3A_61 : i32 to index
          %swap3A_542 = tpu.vector_load %arg14[%swap3A_540, %swap3A_541] {strides = array<i32>} : memref<64x256xf32, #tpu.memory_space<vmem>>, vector<16xf32>,
          tpu.vector_store %arg14[%swap3A_540, %swap3A_541], %get3A_486 {strides = array<i32>} : memref<64x256xf32, #tpu.memory_space<vmem>>, vector<16xf32>,
          %swap3A_543 = arith.constant 54 : i32
          %swap3A_544 = arith.index_cast %swap3A_543 : i32 to index
          %swap3A_545 = arith.index_cast %mul3A_61 : i32 to index
          %swap3A_546 = tpu.vector_load %arg14[%swap3A_544, %swap3A_545] {strides = array<i32>} : memref<64x256xf32, #tpu.memory_space<vmem>>, vector<16xf32>,
          tpu.vector_store %arg14[%swap3A_544, %swap3A_545], %get3A_490 {strides = array<i32>} : memref<64x256xf32, #tpu.memory_space<vmem>>, vector<16xf32>,
          %swap3A_547 = arith.constant 55 : i32
          %swap3A_548 = arith.index_cast %swap3A_547 : i32 to index
          %swap3A_549 = arith.index_cast %mul3A_61 : i32 to index
          %swap3A_550 = tpu.vector_load %arg14[%swap3A_548, %swap3A_549] {strides = array<i32>} : memref<64x256xf32, #tpu.memory_space<vmem>>, vector<16xf32>,
          tpu.vector_store %arg14[%swap3A_548, %swap3A_549], %get3A_494 {strides = array<i32>} : memref<64x256xf32, #tpu.memory_space<vmem>>, vector<16xf32>,
          %swap3A_551 = arith.constant 56 : i32
          %swap3A_552 = arith.index_cast %swap3A_551 : i32 to index
          %swap3A_553 = arith.index_cast %mul3A_61 : i32 to index
          %swap3A_554 = tpu.vector_load %arg14[%swap3A_552, %swap3A_553] {strides = array<i32>} : memref<64x256xf32, #tpu.memory_space<vmem>>, vector<16xf32>,
          tpu.vector_store %arg14[%swap3A_552, %swap3A_553], %get3A_498 {strides = array<i32>} : memref<64x256xf32, #tpu.memory_space<vmem>>, vector<16xf32>,
          %swap3A_555 = arith.constant 57 : i32
          %swap3A_556 = arith.index_cast %swap3A_555 : i32 to index
          %swap3A_557 = arith.index_cast %mul3A_61 : i32 to index
          %swap3A_558 = tpu.vector_load %arg14[%swap3A_556, %swap3A_557] {strides = array<i32>} : memref<64x256xf32, #tpu.memory_space<vmem>>, vector<16xf32>,
          tpu.vector_store %arg14[%swap3A_556, %swap3A_557], %get3A_502 {strides = array<i32>} : memref<64x256xf32, #tpu.memory_space<vmem>>, vector<16xf32>,
          %swap3A_559 = arith.constant 58 : i32
          %swap3A_560 = arith.index_cast %swap3A_559 : i32 to index
          %swap3A_561 = arith.index_cast %mul3A_61 : i32 to index
          %swap3A_562 = tpu.vector_load %arg14[%swap3A_560, %swap3A_561] {strides = array<i32>} : memref<64x256xf32, #tpu.memory_space<vmem>>, vector<16xf32>,
          tpu.vector_store %arg14[%swap3A_560, %swap3A_561], %get3A_506 {strides = array<i32>} : memref<64x256xf32, #tpu.memory_space<vmem>>, vector<16xf32>,
          %swap3A_563 = arith.constant 59 : i32
          %swap3A_564 = arith.index_cast %swap3A_563 : i32 to index
          %swap3A_565 = arith.index_cast %mul3A_61 : i32 to index
          %swap3A_566 = tpu.vector_load %arg14[%swap3A_564, %swap3A_565] {strides = array<i32>} : memref<64x256xf32, #tpu.memory_space<vmem>>, vector<16xf32>,
          tpu.vector_store %arg14[%swap3A_564, %swap3A_565], %get3A_510 {strides = array<i32>} : memref<64x256xf32, #tpu.memory_space<vmem>>, vector<16xf32>,
          %swap3A_567 = arith.constant 60 : i32
          %swap3A_568 = arith.index_cast %swap3A_567 : i32 to index
          %swap3A_569 = arith.index_cast %mul3A_61 : i32 to index
          %swap3A_570 = tpu.vector_load %arg14[%swap3A_568, %swap3A_569] {strides = array<i32>} : memref<64x256xf32, #tpu.memory_space<vmem>>, vector<16xf32>,
          tpu.vector_store %arg14[%swap3A_568, %swap3A_569], %get3A_514 {strides = array<i32>} : memref<64x256xf32, #tpu.memory_space<vmem>>, vector<16xf32>,
          %swap3A_571 = arith.constant 61 : i32
          %swap3A_572 = arith.index_cast %swap3A_571 : i32 to index
          %swap3A_573 = arith.index_cast %mul3A_61 : i32 to index
          %swap3A_574 = tpu.vector_load %arg14[%swap3A_572, %swap3A_573] {strides = array<i32>} : memref<64x256xf32, #tpu.memory_space<vmem>>, vector<16xf32>,
          tpu.vector_store %arg14[%swap3A_572, %swap3A_573], %get3A_518 {strides = array<i32>} : memref<64x256xf32, #tpu.memory_space<vmem>>, vector<16xf32>,
        }
        %scan3A_54 = arith.constant 16 : i32
        "tpu.region"() ({
          %run_scoped3A = tpu.sem_alloc : memref<!tpu.dma_semaphore, #tpu.memory_space<semaphore_mem>>
          %dma_start3A = arith.constant 0 : i32
          %dma_start3A_55 = arith.constant 0 : i32
          %dma_start3A_56 = tpu.memref_slice %arg14[%dma_start3A, %dma_start3A_55] : memref<64x256xf32, #tpu.memory_space<vmem>> -> memref<64x256xf32, #tpu.memory_space<vmem>>
          %dma_start3A_57 = arith.constant 0 : i32
          %dma_start3A_58 = tpu.memref_slice %arg8[%dma_start3A_57, %multiple_of3A] : memref<62x100000xf32, #tpu.memory_space<hbm>> -> memref<64x256xf32, #tpu.memory_space<hbm>>
          %dma_start3A_59 = arith.constant 0 : i32
          %dma_start3A_60 = tpu.memref_slice %arg8[%dma_start3A_59, %multiple_of3A] : memref<62x100000xf32, #tpu.memory_space<hbm>> -> memref<64x256xf32, #tpu.memory_space<hbm>>
          %dma_start3A_61 = arith.constant 0 : i32
          %dma_start3A_62 = arith.constant 0 : i32
          %dma_start3A_63 = tpu.memref_slice %arg14[%dma_start3A_61, %dma_start3A_62] : memref<64x256xf32, #tpu.memory_space<vmem>> -> memref<64x256xf32, #tpu.memory_space<vmem>>
          tpu.enqueue_dma source(%dma_start3A_63 : memref<64x256xf32, #tpu.memory_space<vmem>>) target(%dma_start3A_60 : memref<64x256xf32, #tpu.memory_space<hbm>>) target_semaphore(%run_scoped3A : memref<!tpu.dma_semaphore, #tpu.memory_space<semaphore_mem>>)
          %dma_wait3A_64 = arith.constant 0 : i32
          %dma_wait3A_65 = arith.constant 0 : i32
          %dma_wait3A_66 = tpu.memref_slice %arg14[%dma_wait3A_64, %dma_wait3A_65] : memref<64x256xf32, #tpu.memory_space<vmem>> -> memref<64x256xf32, #tpu.memory_space<vmem>>
          %dma_wait3A_67 = arith.constant 0 : i32
          %dma_wait3A_68 = tpu.memref_slice %arg8[%dma_wait3A_67, %multiple_of3A] : memref<62x100000xf32, #tpu.memory_space<hbm>> -> memref<64x256xf32, #tpu.memory_space<hbm>>
          %dma_wait3A_69 = arith.constant 0 : i32
          %dma_wait3A_70 = tpu.memref_slice %arg8[%dma_wait3A_69, %multiple_of3A] : memref<62x100000xf32, #tpu.memory_space<hbm>> -> memref<64x256xf32, #tpu.memory_space<hbm>>
          %dma_wait3A_71 = arith.constant 0 : i32
          %dma_wait3A_72 = arith.constant 0 : i32
          %dma_wait3A_73 = tpu.memref_slice %arg14[%dma_wait3A_71, %dma_wait3A_72] : memref<64x256xf32, #tpu.memory_space<vmem>> -> memref<64x256xf32, #tpu.memory_space<vmem>>
          tpu.wait_dma2 semaphore(%run_scoped3A : memref<!tpu.dma_semaphore, #tpu.memory_space<semaphore_mem>>) src(%dma_wait3A_73 : memref<64x256xf32, #tpu.memory_space<vmem>>) dst(%dma_wait3A_70 : memref<64x256xf32, #tpu.memory_space<hbm>>)
          tpu.yield
        }) : () -> ()
      } else {
      }
    } else {
    }
    %ge3A = arith.constant 5 : i32
    %ge3A_3 = arith.cmpi sge, %add3A, %ge3A : i32
    %convert_element_type3A_4 = arith.extui %ge3A_3 : i1 to i32
    %cond3A_5 = arith.constant 0 : i32
    %cond3A_6 = arith.cmpi ne, %convert_element_type3A_4, %cond3A_5 : i32
    scf.if %cond3A_6 {
      %sub3A = arith.constant 5 : i32
      %sub3A_7 = arith.subi %add3A, %sub3A : i32
      %sub3A_8 = arith.constant 1249 : i32
      %sub3A_9 = arith.subi %sub3A_8, %sub3A_7 : i32
      %jit3A = arith.constant 27 : i32
      %div3A = arith.divsi %sub3A_9, %jit3A : i32
      %sign3A = arith.constant 0 : i32
      %sign3A_10 = arith.cmpi sgt, %sub3A_9, %sign3A : i32
      %sign3A_11 = arith.extui %sign3A_10 : i1 to i32
      %sign3A_12 = arith.constant 0 : i32
      %sign3A_13 = arith.cmpi slt, %sub3A_9, %sign3A_12 : i32
      %sign3A_14 = arith.extui %sign3A_13 : i1 to i32
      %sign3A_15 = arith.subi %sign3A_11, %sign3A_14 : i32
      %sign3A_16 = arith.constant 0 : i32
      %sign3A_17 = arith.cmpi sgt, %jit3A, %sign3A_16 : i32
      %sign3A_18 = arith.extui %sign3A_17 : i1 to i32
      %sign3A_19 = arith.constant 0 : i32
      %sign3A_20 = arith.cmpi slt, %jit3A, %sign3A_19 : i32
      %sign3A_21 = arith.extui %sign3A_20 : i1 to i32
      %sign3A_22 = arith.subi %sign3A_18, %sign3A_21 : i32
      %ne3A = arith.cmpi ne, %sign3A_15, %sign3A_22 : i32
      %rem3A = arith.remsi %sub3A_9, %jit3A : i32
      %ne3A_23 = arith.constant 0 : i32
      %ne3A_24 = arith.cmpi ne, %rem3A, %ne3A_23 : i32
      %and3A = arith.andi %ne3A, %ne3A_24 : i1
      %sub3A_25 = arith.constant 1 : i32
      %sub3A_26 = arith.subi %div3A, %sub3A_25 : i32
      %select_n3A = arith.select %and3A, %sub3A_26, %div3A : i32
      %add3A_27 = arith.constant 1 : i32
      %add3A_28 = arith.addi %select_n3A, %add3A_27 : i32
      %eq3A = arith.constant 0 : i32
      %eq3A_29 = arith.cmpi eq, %sub3A_7, %eq3A : i32
      %convert_element_type3A_30 = arith.extui %eq3A_29 : i1 to i32
      %cond3A_31 = arith.constant 0 : i32
      %cond3A_32 = arith.cmpi ne, %convert_element_type3A_30, %cond3A_31 : i32
      scf.if %cond3A_32 {
        %dma_start3A_56 = arith.constant 16 : i32
        %dma_start3A_57 = arith.constant 0 : i32
        %dma_start3A_58 = tpu.memref_slice %arg9[%dma_start3A_56, %dma_start3A_57] : memref<17x3200000xf32, #tpu.memory_space<hbm>> -> memref<1x3200000xf32, #tpu.memory_space<hbm>>
        tpu.enqueue_dma source(%arg4 : memref<1x3200000xf32, #tpu.memory_space<hbm>>) target(%dma_start3A_58 : memref<1x3200000xf32, #tpu.memory_space<hbm>>) target_semaphore(%arg26 : memref<!tpu.dma_semaphore, #tpu.memory_space<semaphore_mem>>)
      } else {
      }
      %mul3A_33 = arith.constant 2560 : i32
      %mul3A_34 = arith.muli %sub3A_7, %mul3A_33 : i32
      %dma_start3A = tpu.memref_slice %arg3[%mul3A_34] : memref<3200000xf32, #tpu.memory_space<hbm>> -> memref<2560xf32, #tpu.memory_space<hbm>>
      %dma_start3A_35 = tpu.memref_slice %arg3[%mul3A_34] : memref<3200000xf32, #tpu.memory_space<hbm>> -> memref<2560xf32, #tpu.memory_space<hbm>>
      tpu.enqueue_dma source(%dma_start3A_35 : memref<2560xf32, #tpu.memory_space<hbm>>) target(%arg16 : memref<2560xf32, #tpu.memory_space<vmem>>) target_semaphore(%arg22 : memref<!tpu.dma_semaphore, #tpu.memory_space<semaphore_mem>>)
      %scan3A = arith.constant 0 : i32
      %scan3A_36 = arith.constant 24 : i32
      %scan3A_37 = arith.addi %scan3A, %scan3A_36 : i32
      %scan3A_38 = arith.constant 1 : i32
      scf.for %scan3A_56 = %scan3A to %scan3A_37 step %scan3A_38  : i32 {
        %mul3A_57 = arith.constant 2 : i32
        %mul3A_58 = arith.muli %scan3A_56, %mul3A_57 : i32
        %add3A_59 = arith.constant 0 : i32
        %add3A_60 = arith.addi %add3A_59, %mul3A_58 : i32
        %add3A_61 = arith.constant 0 : i32
        %add3A_62 = arith.addi %add3A_60, %add3A_61 : i32
        %mul3A_63 = arith.constant 27 : i32
        %mul3A_64 = arith.muli %add3A_62, %mul3A_63 : i32
        %add3A_65 = arith.addi %sub3A_7, %mul3A_64 : i32
        %lt3A_66 = arith.cmpi slt, %add3A_62, %add3A_28 : i32
        %convert_element_type3A_67 = arith.extui %lt3A_66 : i1 to i32
        %cond3A_68 = arith.constant 0 : i32
        %cond3A_69 = arith.cmpi ne, %convert_element_type3A_67, %cond3A_68 : i32
        scf.if %cond3A_69 {
          %dma_wait3A_79 = arith.constant 0 : i32
          %dma_wait3A_80 = tpu.memref_slice %arg3[%dma_wait3A_79] : memref<3200000xf32, #tpu.memory_space<hbm>> -> memref<2560xf32, #tpu.memory_space<hbm>>
          %dma_wait3A_81 = arith.constant 0 : i32
          %dma_wait3A_82 = tpu.memref_slice %arg3[%dma_wait3A_81] : memref<3200000xf32, #tpu.memory_space<hbm>> -> memref<2560xf32, #tpu.memory_space<hbm>>
          tpu.wait_dma2 semaphore(%arg22 : memref<!tpu.dma_semaphore, #tpu.memory_space<semaphore_mem>>) src(%dma_wait3A_82 : memref<2560xf32, #tpu.memory_space<hbm>>) dst(%arg16 : memref<2560xf32, #tpu.memory_space<vmem>>)
          %add3A_83 = arith.constant 1 : i32
          %add3A_84 = arith.addi %add3A_62, %add3A_83 : i32
          %lt3A_85 = arith.cmpi slt, %add3A_84, %add3A_28 : i32
          %convert_element_type3A_86 = arith.extui %lt3A_85 : i1 to i32
          %cond3A_87 = arith.constant 0 : i32
          %cond3A_88 = arith.cmpi ne, %convert_element_type3A_86, %cond3A_87 : i32
          scf.if %cond3A_88 {
            %add3A_105 = arith.constant 27 : i32
            %add3A_106 = arith.addi %add3A_65, %add3A_105 : i32
            %mul3A_107 = arith.constant 2560 : i32
            %mul3A_108 = arith.muli %add3A_106, %mul3A_107 : i32
            %dma_start3A_109 = tpu.memref_slice %arg3[%mul3A_108] : memref<3200000xf32, #tpu.memory_space<hbm>> -> memref<2560xf32, #tpu.memory_space<hbm>>
            %dma_start3A_110 = tpu.memref_slice %arg3[%mul3A_108] : memref<3200000xf32, #tpu.memory_space<hbm>> -> memref<2560xf32, #tpu.memory_space<hbm>>
            tpu.enqueue_dma source(%dma_start3A_110 : memref<2560xf32, #tpu.memory_space<hbm>>) target(%arg17 : memref<2560xf32, #tpu.memory_space<vmem>>) target_semaphore(%arg23 : memref<!tpu.dma_semaphore, #tpu.memory_space<semaphore_mem>>)
          } else {
          }
          %ge3A_89 = arith.constant 2 : i32
          %ge3A_90 = arith.cmpi sge, %add3A_62, %ge3A_89 : i32
          %convert_element_type3A_91 = arith.extui %ge3A_90 : i1 to i32
          %cond3A_92 = arith.constant 0 : i32
          %cond3A_93 = arith.cmpi ne, %convert_element_type3A_91, %cond3A_92 : i32
          scf.if %cond3A_93 {
            %dma_wait3A_105 = arith.constant 0 : i32
            %dma_wait3A_106 = arith.constant 0 : i32
            %dma_wait3A_107 = tpu.memref_slice %arg9[%dma_wait3A_105, %dma_wait3A_106] : memref<17x3200000xf32, #tpu.memory_space<hbm>> -> memref<16x2560xf32, #tpu.memory_space<hbm>>
            %dma_wait3A_108 = arith.constant 0 : i32
            %dma_wait3A_109 = arith.constant 0 : i32
            %dma_wait3A_110 = tpu.memref_slice %arg9[%dma_wait3A_108, %dma_wait3A_109] : memref<17x3200000xf32, #tpu.memory_space<hbm>> -> memref<16x2560xf32, #tpu.memory_space<hbm>>
            tpu.wait_dma2 semaphore(%arg20 : memref<!tpu.dma_semaphore, #tpu.memory_space<semaphore_mem>>) src(%arg18 : memref<16x2560xf32, #tpu.memory_space<vmem>>) dst(%dma_wait3A_110 : memref<16x2560xf32, #tpu.memory_space<hbm>>)
          } else {
          }
          %scan3A_94 = arith.constant 0 : i32
          %scan3A_95 = arith.constant 160 : i32
          %scan3A_96 = arith.addi %scan3A_94, %scan3A_95 : i32
          %scan3A_97 = arith.constant 2 : i32
          scf.for %scan3A_105 = %scan3A_94 to %scan3A_96 step %scan3A_97  : i32 {
            %mul3A_106 = arith.constant 1 : i32
            %mul3A_107 = arith.muli %scan3A_105, %mul3A_106 : i32
            %add3A_108 = arith.constant 0 : i32
            %add3A_109 = arith.addi %add3A_108, %mul3A_107 : i32
            %mul3A_110 = arith.constant 16 : i32
            %mul3A_111 = arith.muli %add3A_109, %mul3A_110 : i32
            %get3A = arith.index_cast %mul3A_111 : i32 to index
            %get3A_112 = tpu.vector_load %arg16[%get3A] {strides = array<i32>} : memref<2560xf32, #tpu.memory_space<vmem>>, vector<16xf32>,
            %convert_element_type3A_113 = arith.fptosi %get3A_112 : vector<16xf32> to vector<16xi32>
            %min3A = arith.constant 5 : i32
            %min3A_114 = vector.broadcast %min3A : i32 to vector<16xi32>
            %min3A_115 = arith.minui %convert_element_type3A_113, %min3A_114 : vector<16xi32>
            %add3A_116 = arith.constant 0 : i32
            %add3A_117 = vector.broadcast %add3A_116 : i32 to vector<16xi32>
            %add3A_118 = arith.addi %min3A_115, %add3A_117 : vector<16xi32>
            %gather3A = tpu.vector_load_idx %arg12[%add3A_118] : memref<96xf32, #tpu.memory_space<vmem>>[vector<16xi32>], vector<16xf32>,
            %add3A_119 = arith.constant 6 : i32
            %add3A_120 = vector.broadcast %add3A_119 : i32 to vector<16xi32>
            %add3A_121 = arith.addi %min3A_115, %add3A_120 : vector<16xi32>
            %gather3A_122 = tpu.vector_load_idx %arg12[%add3A_121] : memref<96xf32, #tpu.memory_space<vmem>>[vector<16xi32>], vector<16xf32>,
            %add3A_123 = arith.constant 12 : i32
            %add3A_124 = vector.broadcast %add3A_123 : i32 to vector<16xi32>
            %add3A_125 = arith.addi %min3A_115, %add3A_124 : vector<16xi32>
            %gather3A_126 = tpu.vector_load_idx %arg12[%add3A_125] : memref<96xf32, #tpu.memory_space<vmem>>[vector<16xi32>], vector<16xf32>,
            %add3A_127 = arith.constant 18 : i32
            %add3A_128 = vector.broadcast %add3A_127 : i32 to vector<16xi32>
            %add3A_129 = arith.addi %min3A_115, %add3A_128 : vector<16xi32>
            %gather3A_130 = tpu.vector_load_idx %arg12[%add3A_129] : memref<96xf32, #tpu.memory_space<vmem>>[vector<16xi32>], vector<16xf32>,
            %add3A_131 = arith.constant 24 : i32
            %add3A_132 = vector.broadcast %add3A_131 : i32 to vector<16xi32>
            %add3A_133 = arith.addi %min3A_115, %add3A_132 : vector<16xi32>
            %gather3A_134 = tpu.vector_load_idx %arg12[%add3A_133] : memref<96xf32, #tpu.memory_space<vmem>>[vector<16xi32>], vector<16xf32>,
            %add3A_135 = arith.constant 30 : i32
            %add3A_136 = vector.broadcast %add3A_135 : i32 to vector<16xi32>
            %add3A_137 = arith.addi %min3A_115, %add3A_136 : vector<16xi32>
            %gather3A_138 = tpu.vector_load_idx %arg12[%add3A_137] : memref<96xf32, #tpu.memory_space<vmem>>[vector<16xi32>], vector<16xf32>,
            %add3A_139 = arith.constant 36 : i32
            %add3A_140 = vector.broadcast %add3A_139 : i32 to vector<16xi32>
            %add3A_141 = arith.addi %min3A_115, %add3A_140 : vector<16xi32>
            %gather3A_142 = tpu.vector_load_idx %arg12[%add3A_141] : memref<96xf32, #tpu.memory_space<vmem>>[vector<16xi32>], vector<16xf32>,
            %add3A_143 = arith.constant 42 : i32
            %add3A_144 = vector.broadcast %add3A_143 : i32 to vector<16xi32>
            %add3A_145 = arith.addi %min3A_115, %add3A_144 : vector<16xi32>
            %gather3A_146 = tpu.vector_load_idx %arg12[%add3A_145] : memref<96xf32, #tpu.memory_space<vmem>>[vector<16xi32>], vector<16xf32>,
            %add3A_147 = arith.constant 48 : i32
            %add3A_148 = vector.broadcast %add3A_147 : i32 to vector<16xi32>
            %add3A_149 = arith.addi %min3A_115, %add3A_148 : vector<16xi32>
            %gather3A_150 = tpu.vector_load_idx %arg12[%add3A_149] : memref<96xf32, #tpu.memory_space<vmem>>[vector<16xi32>], vector<16xf32>,
            %add3A_151 = arith.constant 54 : i32
            %add3A_152 = vector.broadcast %add3A_151 : i32 to vector<16xi32>
            %add3A_153 = arith.addi %min3A_115, %add3A_152 : vector<16xi32>
            %gather3A_154 = tpu.vector_load_idx %arg12[%add3A_153] : memref<96xf32, #tpu.memory_space<vmem>>[vector<16xi32>], vector<16xf32>,
            %add3A_155 = arith.constant 60 : i32
            %add3A_156 = vector.broadcast %add3A_155 : i32 to vector<16xi32>
            %add3A_157 = arith.addi %min3A_115, %add3A_156 : vector<16xi32>
            %gather3A_158 = tpu.vector_load_idx %arg12[%add3A_157] : memref<96xf32, #tpu.memory_space<vmem>>[vector<16xi32>], vector<16xf32>,
            %add3A_159 = arith.constant 66 : i32
            %add3A_160 = vector.broadcast %add3A_159 : i32 to vector<16xi32>
            %add3A_161 = arith.addi %min3A_115, %add3A_160 : vector<16xi32>
            %gather3A_162 = tpu.vector_load_idx %arg12[%add3A_161] : memref<96xf32, #tpu.memory_space<vmem>>[vector<16xi32>], vector<16xf32>,
            %add3A_163 = arith.constant 72 : i32
            %add3A_164 = vector.broadcast %add3A_163 : i32 to vector<16xi32>
            %add3A_165 = arith.addi %min3A_115, %add3A_164 : vector<16xi32>
            %gather3A_166 = tpu.vector_load_idx %arg12[%add3A_165] : memref<96xf32, #tpu.memory_space<vmem>>[vector<16xi32>], vector<16xf32>,
            %add3A_167 = arith.constant 78 : i32
            %add3A_168 = vector.broadcast %add3A_167 : i32 to vector<16xi32>
            %add3A_169 = arith.addi %min3A_115, %add3A_168 : vector<16xi32>
            %gather3A_170 = tpu.vector_load_idx %arg12[%add3A_169] : memref<96xf32, #tpu.memory_space<vmem>>[vector<16xi32>], vector<16xf32>,
            %add3A_171 = arith.constant 84 : i32
            %add3A_172 = vector.broadcast %add3A_171 : i32 to vector<16xi32>
            %add3A_173 = arith.addi %min3A_115, %add3A_172 : vector<16xi32>
            %gather3A_174 = tpu.vector_load_idx %arg12[%add3A_173] : memref<96xf32, #tpu.memory_space<vmem>>[vector<16xi32>], vector<16xf32>,
            %add3A_175 = arith.constant 90 : i32
            %add3A_176 = vector.broadcast %add3A_175 : i32 to vector<16xi32>
            %add3A_177 = arith.addi %min3A_115, %add3A_176 : vector<16xi32>
            %gather3A_178 = tpu.vector_load_idx %arg12[%add3A_177] : memref<96xf32, #tpu.memory_space<vmem>>[vector<16xi32>], vector<16xf32>,
            %swap3A = arith.constant 0 : i32
            %swap3A_179 = arith.index_cast %swap3A : i32 to index
            %swap3A_180 = arith.index_cast %mul3A_111 : i32 to index
            %swap3A_181 = tpu.vector_load %arg18[%swap3A_179, %swap3A_180] {strides = array<i32>} : memref<16x2560xf32, #tpu.memory_space<vmem>>, vector<16xf32>,
            tpu.vector_store %arg18[%swap3A_179, %swap3A_180], %gather3A {strides = array<i32>} : memref<16x2560xf32, #tpu.memory_space<vmem>>, vector<16xf32>,
            %swap3A_182 = arith.constant 1 : i32
            %swap3A_183 = arith.index_cast %swap3A_182 : i32 to index
            %swap3A_184 = arith.index_cast %mul3A_111 : i32 to index
            %swap3A_185 = tpu.vector_load %arg18[%swap3A_183, %swap3A_184] {strides = array<i32>} : memref<16x2560xf32, #tpu.memory_space<vmem>>, vector<16xf32>,
            tpu.vector_store %arg18[%swap3A_183, %swap3A_184], %gather3A_122 {strides = array<i32>} : memref<16x2560xf32, #tpu.memory_space<vmem>>, vector<16xf32>,
            %swap3A_186 = arith.constant 2 : i32
            %swap3A_187 = arith.index_cast %swap3A_186 : i32 to index
            %swap3A_188 = arith.index_cast %mul3A_111 : i32 to index
            %swap3A_189 = tpu.vector_load %arg18[%swap3A_187, %swap3A_188] {strides = array<i32>} : memref<16x2560xf32, #tpu.memory_space<vmem>>, vector<16xf32>,
            tpu.vector_store %arg18[%swap3A_187, %swap3A_188], %gather3A_126 {strides = array<i32>} : memref<16x2560xf32, #tpu.memory_space<vmem>>, vector<16xf32>,
            %swap3A_190 = arith.constant 3 : i32
            %swap3A_191 = arith.index_cast %swap3A_190 : i32 to index
            %swap3A_192 = arith.index_cast %mul3A_111 : i32 to index
            %swap3A_193 = tpu.vector_load %arg18[%swap3A_191, %swap3A_192] {strides = array<i32>} : memref<16x2560xf32, #tpu.memory_space<vmem>>, vector<16xf32>,
            tpu.vector_store %arg18[%swap3A_191, %swap3A_192], %gather3A_130 {strides = array<i32>} : memref<16x2560xf32, #tpu.memory_space<vmem>>, vector<16xf32>,
            %swap3A_194 = arith.constant 4 : i32
            %swap3A_195 = arith.index_cast %swap3A_194 : i32 to index
            %swap3A_196 = arith.index_cast %mul3A_111 : i32 to index
            %swap3A_197 = tpu.vector_load %arg18[%swap3A_195, %swap3A_196] {strides = array<i32>} : memref<16x2560xf32, #tpu.memory_space<vmem>>, vector<16xf32>,
            tpu.vector_store %arg18[%swap3A_195, %swap3A_196], %gather3A_134 {strides = array<i32>} : memref<16x2560xf32, #tpu.memory_space<vmem>>, vector<16xf32>,
            %swap3A_198 = arith.constant 5 : i32
            %swap3A_199 = arith.index_cast %swap3A_198 : i32 to index
            %swap3A_200 = arith.index_cast %mul3A_111 : i32 to index
            %swap3A_201 = tpu.vector_load %arg18[%swap3A_199, %swap3A_200] {strides = array<i32>} : memref<16x2560xf32, #tpu.memory_space<vmem>>, vector<16xf32>,
            tpu.vector_store %arg18[%swap3A_199, %swap3A_200], %gather3A_138 {strides = array<i32>} : memref<16x2560xf32, #tpu.memory_space<vmem>>, vector<16xf32>,
            %swap3A_202 = arith.constant 6 : i32
            %swap3A_203 = arith.index_cast %swap3A_202 : i32 to index
            %swap3A_204 = arith.index_cast %mul3A_111 : i32 to index
            %swap3A_205 = tpu.vector_load %arg18[%swap3A_203, %swap3A_204] {strides = array<i32>} : memref<16x2560xf32, #tpu.memory_space<vmem>>, vector<16xf32>,
            tpu.vector_store %arg18[%swap3A_203, %swap3A_204], %gather3A_142 {strides = array<i32>} : memref<16x2560xf32, #tpu.memory_space<vmem>>, vector<16xf32>,
            %swap3A_206 = arith.constant 7 : i32
            %swap3A_207 = arith.index_cast %swap3A_206 : i32 to index
            %swap3A_208 = arith.index_cast %mul3A_111 : i32 to index
            %swap3A_209 = tpu.vector_load %arg18[%swap3A_207, %swap3A_208] {strides = array<i32>} : memref<16x2560xf32, #tpu.memory_space<vmem>>, vector<16xf32>,
            tpu.vector_store %arg18[%swap3A_207, %swap3A_208], %gather3A_146 {strides = array<i32>} : memref<16x2560xf32, #tpu.memory_space<vmem>>, vector<16xf32>,
            %swap3A_210 = arith.constant 8 : i32
            %swap3A_211 = arith.index_cast %swap3A_210 : i32 to index
            %swap3A_212 = arith.index_cast %mul3A_111 : i32 to index
            %swap3A_213 = tpu.vector_load %arg18[%swap3A_211, %swap3A_212] {strides = array<i32>} : memref<16x2560xf32, #tpu.memory_space<vmem>>, vector<16xf32>,
            tpu.vector_store %arg18[%swap3A_211, %swap3A_212], %gather3A_150 {strides = array<i32>} : memref<16x2560xf32, #tpu.memory_space<vmem>>, vector<16xf32>,
            %swap3A_214 = arith.constant 9 : i32
            %swap3A_215 = arith.index_cast %swap3A_214 : i32 to index
            %swap3A_216 = arith.index_cast %mul3A_111 : i32 to index
            %swap3A_217 = tpu.vector_load %arg18[%swap3A_215, %swap3A_216] {strides = array<i32>} : memref<16x2560xf32, #tpu.memory_space<vmem>>, vector<16xf32>,
            tpu.vector_store %arg18[%swap3A_215, %swap3A_216], %gather3A_154 {strides = array<i32>} : memref<16x2560xf32, #tpu.memory_space<vmem>>, vector<16xf32>,
            %swap3A_218 = arith.constant 10 : i32
            %swap3A_219 = arith.index_cast %swap3A_218 : i32 to index
            %swap3A_220 = arith.index_cast %mul3A_111 : i32 to index
            %swap3A_221 = tpu.vector_load %arg18[%swap3A_219, %swap3A_220] {strides = array<i32>} : memref<16x2560xf32, #tpu.memory_space<vmem>>, vector<16xf32>,
            tpu.vector_store %arg18[%swap3A_219, %swap3A_220], %gather3A_158 {strides = array<i32>} : memref<16x2560xf32, #tpu.memory_space<vmem>>, vector<16xf32>,
            %swap3A_222 = arith.constant 11 : i32
            %swap3A_223 = arith.index_cast %swap3A_222 : i32 to index
            %swap3A_224 = arith.index_cast %mul3A_111 : i32 to index
            %swap3A_225 = tpu.vector_load %arg18[%swap3A_223, %swap3A_224] {strides = array<i32>} : memref<16x2560xf32, #tpu.memory_space<vmem>>, vector<16xf32>,
            tpu.vector_store %arg18[%swap3A_223, %swap3A_224], %gather3A_162 {strides = array<i32>} : memref<16x2560xf32, #tpu.memory_space<vmem>>, vector<16xf32>,
            %swap3A_226 = arith.constant 12 : i32
            %swap3A_227 = arith.index_cast %swap3A_226 : i32 to index
            %swap3A_228 = arith.index_cast %mul3A_111 : i32 to index
            %swap3A_229 = tpu.vector_load %arg18[%swap3A_227, %swap3A_228] {strides = array<i32>} : memref<16x2560xf32, #tpu.memory_space<vmem>>, vector<16xf32>,
            tpu.vector_store %arg18[%swap3A_227, %swap3A_228], %gather3A_166 {strides = array<i32>} : memref<16x2560xf32, #tpu.memory_space<vmem>>, vector<16xf32>,
            %swap3A_230 = arith.constant 13 : i32
            %swap3A_231 = arith.index_cast %swap3A_230 : i32 to index
            %swap3A_232 = arith.index_cast %mul3A_111 : i32 to index
            %swap3A_233 = tpu.vector_load %arg18[%swap3A_231, %swap3A_232] {strides = array<i32>} : memref<16x2560xf32, #tpu.memory_space<vmem>>, vector<16xf32>,
            tpu.vector_store %arg18[%swap3A_231, %swap3A_232], %gather3A_170 {strides = array<i32>} : memref<16x2560xf32, #tpu.memory_space<vmem>>, vector<16xf32>,
            %swap3A_234 = arith.constant 14 : i32
            %swap3A_235 = arith.index_cast %swap3A_234 : i32 to index
            %swap3A_236 = arith.index_cast %mul3A_111 : i32 to index
            %swap3A_237 = tpu.vector_load %arg18[%swap3A_235, %swap3A_236] {strides = array<i32>} : memref<16x2560xf32, #tpu.memory_space<vmem>>, vector<16xf32>,
            tpu.vector_store %arg18[%swap3A_235, %swap3A_236], %gather3A_174 {strides = array<i32>} : memref<16x2560xf32, #tpu.memory_space<vmem>>, vector<16xf32>,
            %swap3A_238 = arith.constant 15 : i32
            %swap3A_239 = arith.index_cast %swap3A_238 : i32 to index
            %swap3A_240 = arith.index_cast %mul3A_111 : i32 to index
            %swap3A_241 = tpu.vector_load %arg18[%swap3A_239, %swap3A_240] {strides = array<i32>} : memref<16x2560xf32, #tpu.memory_space<vmem>>, vector<16xf32>,
            tpu.vector_store %arg18[%swap3A_239, %swap3A_240], %gather3A_178 {strides = array<i32>} : memref<16x2560xf32, #tpu.memory_space<vmem>>, vector<16xf32>,
            %scan3A_242 = arith.constant 1 : i32
            %scan3A_243 = arith.addi %scan3A_105, %scan3A_242 : i32
            %mul3A_244 = arith.constant 1 : i32
            %mul3A_245 = arith.muli %scan3A_243, %mul3A_244 : i32
            %add3A_246 = arith.constant 0 : i32
            %add3A_247 = arith.addi %add3A_246, %mul3A_245 : i32
            %mul3A_248 = arith.constant 16 : i32
            %mul3A_249 = arith.muli %add3A_247, %mul3A_248 : i32
            %get3A_250 = arith.index_cast %mul3A_249 : i32 to index
            %get3A_251 = tpu.vector_load %arg16[%get3A_250] {strides = array<i32>} : memref<2560xf32, #tpu.memory_space<vmem>>, vector<16xf32>,
            %convert_element_type3A_252 = arith.fptosi %get3A_251 : vector<16xf32> to vector<16xi32>
            %min3A_253 = arith.constant 5 : i32
            %min3A_254 = vector.broadcast %min3A_253 : i32 to vector<16xi32>
            %min3A_255 = arith.minui %convert_element_type3A_252, %min3A_254 : vector<16xi32>
            %add3A_256 = arith.constant 0 : i32
            %add3A_257 = vector.broadcast %add3A_256 : i32 to vector<16xi32>
            %add3A_258 = arith.addi %min3A_255, %add3A_257 : vector<16xi32>
            %gather3A_259 = tpu.vector_load_idx %arg12[%add3A_258] : memref<96xf32, #tpu.memory_space<vmem>>[vector<16xi32>], vector<16xf32>,
            %add3A_260 = arith.constant 6 : i32
            %add3A_261 = vector.broadcast %add3A_260 : i32 to vector<16xi32>
            %add3A_262 = arith.addi %min3A_255, %add3A_261 : vector<16xi32>
            %gather3A_263 = tpu.vector_load_idx %arg12[%add3A_262] : memref<96xf32, #tpu.memory_space<vmem>>[vector<16xi32>], vector<16xf32>,
            %add3A_264 = arith.constant 12 : i32
            %add3A_265 = vector.broadcast %add3A_264 : i32 to vector<16xi32>
            %add3A_266 = arith.addi %min3A_255, %add3A_265 : vector<16xi32>
            %gather3A_267 = tpu.vector_load_idx %arg12[%add3A_266] : memref<96xf32, #tpu.memory_space<vmem>>[vector<16xi32>], vector<16xf32>,
            %add3A_268 = arith.constant 18 : i32
            %add3A_269 = vector.broadcast %add3A_268 : i32 to vector<16xi32>
            %add3A_270 = arith.addi %min3A_255, %add3A_269 : vector<16xi32>
            %gather3A_271 = tpu.vector_load_idx %arg12[%add3A_270] : memref<96xf32, #tpu.memory_space<vmem>>[vector<16xi32>], vector<16xf32>,
            %add3A_272 = arith.constant 24 : i32
            %add3A_273 = vector.broadcast %add3A_272 : i32 to vector<16xi32>
            %add3A_274 = arith.addi %min3A_255, %add3A_273 : vector<16xi32>
            %gather3A_275 = tpu.vector_load_idx %arg12[%add3A_274] : memref<96xf32, #tpu.memory_space<vmem>>[vector<16xi32>], vector<16xf32>,
            %add3A_276 = arith.constant 30 : i32
            %add3A_277 = vector.broadcast %add3A_276 : i32 to vector<16xi32>
            %add3A_278 = arith.addi %min3A_255, %add3A_277 : vector<16xi32>
            %gather3A_279 = tpu.vector_load_idx %arg12[%add3A_278] : memref<96xf32, #tpu.memory_space<vmem>>[vector<16xi32>], vector<16xf32>,
            %add3A_280 = arith.constant 36 : i32
            %add3A_281 = vector.broadcast %add3A_280 : i32 to vector<16xi32>
            %add3A_282 = arith.addi %min3A_255, %add3A_281 : vector<16xi32>
            %gather3A_283 = tpu.vector_load_idx %arg12[%add3A_282] : memref<96xf32, #tpu.memory_space<vmem>>[vector<16xi32>], vector<16xf32>,
            %add3A_284 = arith.constant 42 : i32
            %add3A_285 = vector.broadcast %add3A_284 : i32 to vector<16xi32>
            %add3A_286 = arith.addi %min3A_255, %add3A_285 : vector<16xi32>
            %gather3A_287 = tpu.vector_load_idx %arg12[%add3A_286] : memref<96xf32, #tpu.memory_space<vmem>>[vector<16xi32>], vector<16xf32>,
            %add3A_288 = arith.constant 48 : i32
            %add3A_289 = vector.broadcast %add3A_288 : i32 to vector<16xi32>
            %add3A_290 = arith.addi %min3A_255, %add3A_289 : vector<16xi32>
            %gather3A_291 = tpu.vector_load_idx %arg12[%add3A_290] : memref<96xf32, #tpu.memory_space<vmem>>[vector<16xi32>], vector<16xf32>,
            %add3A_292 = arith.constant 54 : i32
            %add3A_293 = vector.broadcast %add3A_292 : i32 to vector<16xi32>
            %add3A_294 = arith.addi %min3A_255, %add3A_293 : vector<16xi32>
            %gather3A_295 = tpu.vector_load_idx %arg12[%add3A_294] : memref<96xf32, #tpu.memory_space<vmem>>[vector<16xi32>], vector<16xf32>,
            %add3A_296 = arith.constant 60 : i32
            %add3A_297 = vector.broadcast %add3A_296 : i32 to vector<16xi32>
            %add3A_298 = arith.addi %min3A_255, %add3A_297 : vector<16xi32>
            %gather3A_299 = tpu.vector_load_idx %arg12[%add3A_298] : memref<96xf32, #tpu.memory_space<vmem>>[vector<16xi32>], vector<16xf32>,
            %add3A_300 = arith.constant 66 : i32
            %add3A_301 = vector.broadcast %add3A_300 : i32 to vector<16xi32>
            %add3A_302 = arith.addi %min3A_255, %add3A_301 : vector<16xi32>
            %gather3A_303 = tpu.vector_load_idx %arg12[%add3A_302] : memref<96xf32, #tpu.memory_space<vmem>>[vector<16xi32>], vector<16xf32>,
            %add3A_304 = arith.constant 72 : i32
            %add3A_305 = vector.broadcast %add3A_304 : i32 to vector<16xi32>
            %add3A_306 = arith.addi %min3A_255, %add3A_305 : vector<16xi32>
            %gather3A_307 = tpu.vector_load_idx %arg12[%add3A_306] : memref<96xf32, #tpu.memory_space<vmem>>[vector<16xi32>], vector<16xf32>,
            %add3A_308 = arith.constant 78 : i32
            %add3A_309 = vector.broadcast %add3A_308 : i32 to vector<16xi32>
            %add3A_310 = arith.addi %min3A_255, %add3A_309 : vector<16xi32>
            %gather3A_311 = tpu.vector_load_idx %arg12[%add3A_310] : memref<96xf32, #tpu.memory_space<vmem>>[vector<16xi32>], vector<16xf32>,
            %add3A_312 = arith.constant 84 : i32
            %add3A_313 = vector.broadcast %add3A_312 : i32 to vector<16xi32>
            %add3A_314 = arith.addi %min3A_255, %add3A_313 : vector<16xi32>
            %gather3A_315 = tpu.vector_load_idx %arg12[%add3A_314] : memref<96xf32, #tpu.memory_space<vmem>>[vector<16xi32>], vector<16xf32>,
            %add3A_316 = arith.constant 90 : i32
            %add3A_317 = vector.broadcast %add3A_316 : i32 to vector<16xi32>
            %add3A_318 = arith.addi %min3A_255, %add3A_317 : vector<16xi32>
            %gather3A_319 = tpu.vector_load_idx %arg12[%add3A_318] : memref<96xf32, #tpu.memory_space<vmem>>[vector<16xi32>], vector<16xf32>,
            %swap3A_320 = arith.constant 0 : i32
            %swap3A_321 = arith.index_cast %swap3A_320 : i32 to index
            %swap3A_322 = arith.index_cast %mul3A_249 : i32 to index
            %swap3A_323 = tpu.vector_load %arg18[%swap3A_321, %swap3A_322] {strides = array<i32>} : memref<16x2560xf32, #tpu.memory_space<vmem>>, vector<16xf32>,
            tpu.vector_store %arg18[%swap3A_321, %swap3A_322], %gather3A_259 {strides = array<i32>} : memref<16x2560xf32, #tpu.memory_space<vmem>>, vector<16xf32>,
            %swap3A_324 = arith.constant 1 : i32
            %swap3A_325 = arith.index_cast %swap3A_324 : i32 to index
            %swap3A_326 = arith.index_cast %mul3A_249 : i32 to index
            %swap3A_327 = tpu.vector_load %arg18[%swap3A_325, %swap3A_326] {strides = array<i32>} : memref<16x2560xf32, #tpu.memory_space<vmem>>, vector<16xf32>,
            tpu.vector_store %arg18[%swap3A_325, %swap3A_326], %gather3A_263 {strides = array<i32>} : memref<16x2560xf32, #tpu.memory_space<vmem>>, vector<16xf32>,
            %swap3A_328 = arith.constant 2 : i32
            %swap3A_329 = arith.index_cast %swap3A_328 : i32 to index
            %swap3A_330 = arith.index_cast %mul3A_249 : i32 to index
            %swap3A_331 = tpu.vector_load %arg18[%swap3A_329, %swap3A_330] {strides = array<i32>} : memref<16x2560xf32, #tpu.memory_space<vmem>>, vector<16xf32>,
            tpu.vector_store %arg18[%swap3A_329, %swap3A_330], %gather3A_267 {strides = array<i32>} : memref<16x2560xf32, #tpu.memory_space<vmem>>, vector<16xf32>,
            %swap3A_332 = arith.constant 3 : i32
            %swap3A_333 = arith.index_cast %swap3A_332 : i32 to index
            %swap3A_334 = arith.index_cast %mul3A_249 : i32 to index
            %swap3A_335 = tpu.vector_load %arg18[%swap3A_333, %swap3A_334] {strides = array<i32>} : memref<16x2560xf32, #tpu.memory_space<vmem>>, vector<16xf32>,
            tpu.vector_store %arg18[%swap3A_333, %swap3A_334], %gather3A_271 {strides = array<i32>} : memref<16x2560xf32, #tpu.memory_space<vmem>>, vector<16xf32>,
            %swap3A_336 = arith.constant 4 : i32
            %swap3A_337 = arith.index_cast %swap3A_336 : i32 to index
            %swap3A_338 = arith.index_cast %mul3A_249 : i32 to index
            %swap3A_339 = tpu.vector_load %arg18[%swap3A_337, %swap3A_338] {strides = array<i32>} : memref<16x2560xf32, #tpu.memory_space<vmem>>, vector<16xf32>,
            tpu.vector_store %arg18[%swap3A_337, %swap3A_338], %gather3A_275 {strides = array<i32>} : memref<16x2560xf32, #tpu.memory_space<vmem>>, vector<16xf32>,
            %swap3A_340 = arith.constant 5 : i32
            %swap3A_341 = arith.index_cast %swap3A_340 : i32 to index
            %swap3A_342 = arith.index_cast %mul3A_249 : i32 to index
            %swap3A_343 = tpu.vector_load %arg18[%swap3A_341, %swap3A_342] {strides = array<i32>} : memref<16x2560xf32, #tpu.memory_space<vmem>>, vector<16xf32>,
            tpu.vector_store %arg18[%swap3A_341, %swap3A_342], %gather3A_279 {strides = array<i32>} : memref<16x2560xf32, #tpu.memory_space<vmem>>, vector<16xf32>,
            %swap3A_344 = arith.constant 6 : i32
            %swap3A_345 = arith.index_cast %swap3A_344 : i32 to index
            %swap3A_346 = arith.index_cast %mul3A_249 : i32 to index
            %swap3A_347 = tpu.vector_load %arg18[%swap3A_345, %swap3A_346] {strides = array<i32>} : memref<16x2560xf32, #tpu.memory_space<vmem>>, vector<16xf32>,
            tpu.vector_store %arg18[%swap3A_345, %swap3A_346], %gather3A_283 {strides = array<i32>} : memref<16x2560xf32, #tpu.memory_space<vmem>>, vector<16xf32>,
            %swap3A_348 = arith.constant 7 : i32
            %swap3A_349 = arith.index_cast %swap3A_348 : i32 to index
            %swap3A_350 = arith.index_cast %mul3A_249 : i32 to index
            %swap3A_351 = tpu.vector_load %arg18[%swap3A_349, %swap3A_350] {strides = array<i32>} : memref<16x2560xf32, #tpu.memory_space<vmem>>, vector<16xf32>,
            tpu.vector_store %arg18[%swap3A_349, %swap3A_350], %gather3A_287 {strides = array<i32>} : memref<16x2560xf32, #tpu.memory_space<vmem>>, vector<16xf32>,
            %swap3A_352 = arith.constant 8 : i32
            %swap3A_353 = arith.index_cast %swap3A_352 : i32 to index
            %swap3A_354 = arith.index_cast %mul3A_249 : i32 to index
            %swap3A_355 = tpu.vector_load %arg18[%swap3A_353, %swap3A_354] {strides = array<i32>} : memref<16x2560xf32, #tpu.memory_space<vmem>>, vector<16xf32>,
            tpu.vector_store %arg18[%swap3A_353, %swap3A_354], %gather3A_291 {strides = array<i32>} : memref<16x2560xf32, #tpu.memory_space<vmem>>, vector<16xf32>,
            %swap3A_356 = arith.constant 9 : i32
            %swap3A_357 = arith.index_cast %swap3A_356 : i32 to index
            %swap3A_358 = arith.index_cast %mul3A_249 : i32 to index
            %swap3A_359 = tpu.vector_load %arg18[%swap3A_357, %swap3A_358] {strides = array<i32>} : memref<16x2560xf32, #tpu.memory_space<vmem>>, vector<16xf32>,
            tpu.vector_store %arg18[%swap3A_357, %swap3A_358], %gather3A_295 {strides = array<i32>} : memref<16x2560xf32, #tpu.memory_space<vmem>>, vector<16xf32>,
            %swap3A_360 = arith.constant 10 : i32
            %swap3A_361 = arith.index_cast %swap3A_360 : i32 to index
            %swap3A_362 = arith.index_cast %mul3A_249 : i32 to index
            %swap3A_363 = tpu.vector_load %arg18[%swap3A_361, %swap3A_362] {strides = array<i32>} : memref<16x2560xf32, #tpu.memory_space<vmem>>, vector<16xf32>,
            tpu.vector_store %arg18[%swap3A_361, %swap3A_362], %gather3A_299 {strides = array<i32>} : memref<16x2560xf32, #tpu.memory_space<vmem>>, vector<16xf32>,
            %swap3A_364 = arith.constant 11 : i32
            %swap3A_365 = arith.index_cast %swap3A_364 : i32 to index
            %swap3A_366 = arith.index_cast %mul3A_249 : i32 to index
            %swap3A_367 = tpu.vector_load %arg18[%swap3A_365, %swap3A_366] {strides = array<i32>} : memref<16x2560xf32, #tpu.memory_space<vmem>>, vector<16xf32>,
            tpu.vector_store %arg18[%swap3A_365, %swap3A_366], %gather3A_303 {strides = array<i32>} : memref<16x2560xf32, #tpu.memory_space<vmem>>, vector<16xf32>,
            %swap3A_368 = arith.constant 12 : i32
            %swap3A_369 = arith.index_cast %swap3A_368 : i32 to index
            %swap3A_370 = arith.index_cast %mul3A_249 : i32 to index
            %swap3A_371 = tpu.vector_load %arg18[%swap3A_369, %swap3A_370] {strides = array<i32>} : memref<16x2560xf32, #tpu.memory_space<vmem>>, vector<16xf32>,
            tpu.vector_store %arg18[%swap3A_369, %swap3A_370], %gather3A_307 {strides = array<i32>} : memref<16x2560xf32, #tpu.memory_space<vmem>>, vector<16xf32>,
            %swap3A_372 = arith.constant 13 : i32
            %swap3A_373 = arith.index_cast %swap3A_372 : i32 to index
            %swap3A_374 = arith.index_cast %mul3A_249 : i32 to index
            %swap3A_375 = tpu.vector_load %arg18[%swap3A_373, %swap3A_374] {strides = array<i32>} : memref<16x2560xf32, #tpu.memory_space<vmem>>, vector<16xf32>,
            tpu.vector_store %arg18[%swap3A_373, %swap3A_374], %gather3A_311 {strides = array<i32>} : memref<16x2560xf32, #tpu.memory_space<vmem>>, vector<16xf32>,
            %swap3A_376 = arith.constant 14 : i32
            %swap3A_377 = arith.index_cast %swap3A_376 : i32 to index
            %swap3A_378 = arith.index_cast %mul3A_249 : i32 to index
            %swap3A_379 = tpu.vector_load %arg18[%swap3A_377, %swap3A_378] {strides = array<i32>} : memref<16x2560xf32, #tpu.memory_space<vmem>>, vector<16xf32>,
            tpu.vector_store %arg18[%swap3A_377, %swap3A_378], %gather3A_315 {strides = array<i32>} : memref<16x2560xf32, #tpu.memory_space<vmem>>, vector<16xf32>,
            %swap3A_380 = arith.constant 15 : i32
            %swap3A_381 = arith.index_cast %swap3A_380 : i32 to index
            %swap3A_382 = arith.index_cast %mul3A_249 : i32 to index
            %swap3A_383 = tpu.vector_load %arg18[%swap3A_381, %swap3A_382] {strides = array<i32>} : memref<16x2560xf32, #tpu.memory_space<vmem>>, vector<16xf32>,
            tpu.vector_store %arg18[%swap3A_381, %swap3A_382], %gather3A_319 {strides = array<i32>} : memref<16x2560xf32, #tpu.memory_space<vmem>>, vector<16xf32>,
          }
          %scan3A_98 = arith.constant 160 : i32
          %mul3A_99 = arith.constant 2560 : i32
          %mul3A_100 = arith.muli %add3A_65, %mul3A_99 : i32
          %dma_start3A_101 = arith.constant 0 : i32
          %dma_start3A_102 = tpu.memref_slice %arg9[%dma_start3A_101, %mul3A_100] : memref<17x3200000xf32, #tpu.memory_space<hbm>> -> memref<16x2560xf32, #tpu.memory_space<hbm>>
          %dma_start3A_103 = arith.constant 0 : i32
          %dma_start3A_104 = tpu.memref_slice %arg9[%dma_start3A_103, %mul3A_100] : memref<17x3200000xf32, #tpu.memory_space<hbm>> -> memref<16x2560xf32, #tpu.memory_space<hbm>>
          tpu.enqueue_dma source(%arg18 : memref<16x2560xf32, #tpu.memory_space<vmem>>) target(%dma_start3A_104 : memref<16x2560xf32, #tpu.memory_space<hbm>>) target_semaphore(%arg20 : memref<!tpu.dma_semaphore, #tpu.memory_space<semaphore_mem>>)
        } else {
        }
        %add3A_70 = arith.constant 1 : i32
        %add3A_71 = arith.addi %add3A_60, %add3A_70 : i32
        %mul3A_72 = arith.constant 27 : i32
        %mul3A_73 = arith.muli %add3A_71, %mul3A_72 : i32
        %add3A_74 = arith.addi %sub3A_7, %mul3A_73 : i32
        %lt3A_75 = arith.cmpi slt, %add3A_71, %add3A_28 : i32
        %convert_element_type3A_76 = arith.extui %lt3A_75 : i1 to i32
        %cond3A_77 = arith.constant 0 : i32
        %cond3A_78 = arith.cmpi ne, %convert_element_type3A_76, %cond3A_77 : i32
        scf.if %cond3A_78 {
          %dma_wait3A_79 = arith.constant 0 : i32
          %dma_wait3A_80 = tpu.memref_slice %arg3[%dma_wait3A_79] : memref<3200000xf32, #tpu.memory_space<hbm>> -> memref<2560xf32, #tpu.memory_space<hbm>>
          %dma_wait3A_81 = arith.constant 0 : i32
          %dma_wait3A_82 = tpu.memref_slice %arg3[%dma_wait3A_81] : memref<3200000xf32, #tpu.memory_space<hbm>> -> memref<2560xf32, #tpu.memory_space<hbm>>
          tpu.wait_dma2 semaphore(%arg23 : memref<!tpu.dma_semaphore, #tpu.memory_space<semaphore_mem>>) src(%dma_wait3A_82 : memref<2560xf32, #tpu.memory_space<hbm>>) dst(%arg17 : memref<2560xf32, #tpu.memory_space<vmem>>)
          %add3A_83 = arith.constant 1 : i32
          %add3A_84 = arith.addi %add3A_71, %add3A_83 : i32
          %lt3A_85 = arith.cmpi slt, %add3A_84, %add3A_28 : i32
          %convert_element_type3A_86 = arith.extui %lt3A_85 : i1 to i32
          %cond3A_87 = arith.constant 0 : i32
          %cond3A_88 = arith.cmpi ne, %convert_element_type3A_86, %cond3A_87 : i32
          scf.if %cond3A_88 {
            %add3A_105 = arith.constant 27 : i32
            %add3A_106 = arith.addi %add3A_74, %add3A_105 : i32
            %mul3A_107 = arith.constant 2560 : i32
            %mul3A_108 = arith.muli %add3A_106, %mul3A_107 : i32
            %dma_start3A_109 = tpu.memref_slice %arg3[%mul3A_108] : memref<3200000xf32, #tpu.memory_space<hbm>> -> memref<2560xf32, #tpu.memory_space<hbm>>
            %dma_start3A_110 = tpu.memref_slice %arg3[%mul3A_108] : memref<3200000xf32, #tpu.memory_space<hbm>> -> memref<2560xf32, #tpu.memory_space<hbm>>
            tpu.enqueue_dma source(%dma_start3A_110 : memref<2560xf32, #tpu.memory_space<hbm>>) target(%arg16 : memref<2560xf32, #tpu.memory_space<vmem>>) target_semaphore(%arg22 : memref<!tpu.dma_semaphore, #tpu.memory_space<semaphore_mem>>)
          } else {
          }
          %ge3A_89 = arith.constant 2 : i32
          %ge3A_90 = arith.cmpi sge, %add3A_71, %ge3A_89 : i32
          %convert_element_type3A_91 = arith.extui %ge3A_90 : i1 to i32
          %cond3A_92 = arith.constant 0 : i32
          %cond3A_93 = arith.cmpi ne, %convert_element_type3A_91, %cond3A_92 : i32
          scf.if %cond3A_93 {
            %dma_wait3A_105 = arith.constant 0 : i32
            %dma_wait3A_106 = arith.constant 0 : i32
            %dma_wait3A_107 = tpu.memref_slice %arg9[%dma_wait3A_105, %dma_wait3A_106] : memref<17x3200000xf32, #tpu.memory_space<hbm>> -> memref<16x2560xf32, #tpu.memory_space<hbm>>
            %dma_wait3A_108 = arith.constant 0 : i32
            %dma_wait3A_109 = arith.constant 0 : i32
            %dma_wait3A_110 = tpu.memref_slice %arg9[%dma_wait3A_108, %dma_wait3A_109] : memref<17x3200000xf32, #tpu.memory_space<hbm>> -> memref<16x2560xf32, #tpu.memory_space<hbm>>
            tpu.wait_dma2 semaphore(%arg21 : memref<!tpu.dma_semaphore, #tpu.memory_space<semaphore_mem>>) src(%arg19 : memref<16x2560xf32, #tpu.memory_space<vmem>>) dst(%dma_wait3A_110 : memref<16x2560xf32, #tpu.memory_space<hbm>>)
          } else {
          }
          %scan3A_94 = arith.constant 0 : i32
          %scan3A_95 = arith.constant 160 : i32
          %scan3A_96 = arith.addi %scan3A_94, %scan3A_95 : i32
          %scan3A_97 = arith.constant 2 : i32
          scf.for %scan3A_105 = %scan3A_94 to %scan3A_96 step %scan3A_97  : i32 {
            %mul3A_106 = arith.constant 1 : i32
            %mul3A_107 = arith.muli %scan3A_105, %mul3A_106 : i32
            %add3A_108 = arith.constant 0 : i32
            %add3A_109 = arith.addi %add3A_108, %mul3A_107 : i32
            %mul3A_110 = arith.constant 16 : i32
            %mul3A_111 = arith.muli %add3A_109, %mul3A_110 : i32
            %get3A = arith.index_cast %mul3A_111 : i32 to index
            %get3A_112 = tpu.vector_load %arg17[%get3A] {strides = array<i32>} : memref<2560xf32, #tpu.memory_space<vmem>>, vector<16xf32>,
            %convert_element_type3A_113 = arith.fptosi %get3A_112 : vector<16xf32> to vector<16xi32>
            %min3A = arith.constant 5 : i32
            %min3A_114 = vector.broadcast %min3A : i32 to vector<16xi32>
            %min3A_115 = arith.minui %convert_element_type3A_113, %min3A_114 : vector<16xi32>
            %add3A_116 = arith.constant 0 : i32
            %add3A_117 = vector.broadcast %add3A_116 : i32 to vector<16xi32>
            %add3A_118 = arith.addi %min3A_115, %add3A_117 : vector<16xi32>
            %gather3A = tpu.vector_load_idx %arg12[%add3A_118] : memref<96xf32, #tpu.memory_space<vmem>>[vector<16xi32>], vector<16xf32>,
            %add3A_119 = arith.constant 6 : i32
            %add3A_120 = vector.broadcast %add3A_119 : i32 to vector<16xi32>
            %add3A_121 = arith.addi %min3A_115, %add3A_120 : vector<16xi32>
            %gather3A_122 = tpu.vector_load_idx %arg12[%add3A_121] : memref<96xf32, #tpu.memory_space<vmem>>[vector<16xi32>], vector<16xf32>,
            %add3A_123 = arith.constant 12 : i32
            %add3A_124 = vector.broadcast %add3A_123 : i32 to vector<16xi32>
            %add3A_125 = arith.addi %min3A_115, %add3A_124 : vector<16xi32>
            %gather3A_126 = tpu.vector_load_idx %arg12[%add3A_125] : memref<96xf32, #tpu.memory_space<vmem>>[vector<16xi32>], vector<16xf32>,
            %add3A_127 = arith.constant 18 : i32
            %add3A_128 = vector.broadcast %add3A_127 : i32 to vector<16xi32>
            %add3A_129 = arith.addi %min3A_115, %add3A_128 : vector<16xi32>
            %gather3A_130 = tpu.vector_load_idx %arg12[%add3A_129] : memref<96xf32, #tpu.memory_space<vmem>>[vector<16xi32>], vector<16xf32>,
            %add3A_131 = arith.constant 24 : i32
            %add3A_132 = vector.broadcast %add3A_131 : i32 to vector<16xi32>
            %add3A_133 = arith.addi %min3A_115, %add3A_132 : vector<16xi32>
            %gather3A_134 = tpu.vector_load_idx %arg12[%add3A_133] : memref<96xf32, #tpu.memory_space<vmem>>[vector<16xi32>], vector<16xf32>,
            %add3A_135 = arith.constant 30 : i32
            %add3A_136 = vector.broadcast %add3A_135 : i32 to vector<16xi32>
            %add3A_137 = arith.addi %min3A_115, %add3A_136 : vector<16xi32>
            %gather3A_138 = tpu.vector_load_idx %arg12[%add3A_137] : memref<96xf32, #tpu.memory_space<vmem>>[vector<16xi32>], vector<16xf32>,
            %add3A_139 = arith.constant 36 : i32
            %add3A_140 = vector.broadcast %add3A_139 : i32 to vector<16xi32>
            %add3A_141 = arith.addi %min3A_115, %add3A_140 : vector<16xi32>
            %gather3A_142 = tpu.vector_load_idx %arg12[%add3A_141] : memref<96xf32, #tpu.memory_space<vmem>>[vector<16xi32>], vector<16xf32>,
            %add3A_143 = arith.constant 42 : i32
            %add3A_144 = vector.broadcast %add3A_143 : i32 to vector<16xi32>
            %add3A_145 = arith.addi %min3A_115, %add3A_144 : vector<16xi32>
            %gather3A_146 = tpu.vector_load_idx %arg12[%add3A_145] : memref<96xf32, #tpu.memory_space<vmem>>[vector<16xi32>], vector<16xf32>,
            %add3A_147 = arith.constant 48 : i32
            %add3A_148 = vector.broadcast %add3A_147 : i32 to vector<16xi32>
            %add3A_149 = arith.addi %min3A_115, %add3A_148 : vector<16xi32>
            %gather3A_150 = tpu.vector_load_idx %arg12[%add3A_149] : memref<96xf32, #tpu.memory_space<vmem>>[vector<16xi32>], vector<16xf32>,
            %add3A_151 = arith.constant 54 : i32
            %add3A_152 = vector.broadcast %add3A_151 : i32 to vector<16xi32>
            %add3A_153 = arith.addi %min3A_115, %add3A_152 : vector<16xi32>
            %gather3A_154 = tpu.vector_load_idx %arg12[%add3A_153] : memref<96xf32, #tpu.memory_space<vmem>>[vector<16xi32>], vector<16xf32>,
            %add3A_155 = arith.constant 60 : i32
            %add3A_156 = vector.broadcast %add3A_155 : i32 to vector<16xi32>
            %add3A_157 = arith.addi %min3A_115, %add3A_156 : vector<16xi32>
            %gather3A_158 = tpu.vector_load_idx %arg12[%add3A_157] : memref<96xf32, #tpu.memory_space<vmem>>[vector<16xi32>], vector<16xf32>,
            %add3A_159 = arith.constant 66 : i32
            %add3A_160 = vector.broadcast %add3A_159 : i32 to vector<16xi32>
            %add3A_161 = arith.addi %min3A_115, %add3A_160 : vector<16xi32>
            %gather3A_162 = tpu.vector_load_idx %arg12[%add3A_161] : memref<96xf32, #tpu.memory_space<vmem>>[vector<16xi32>], vector<16xf32>,
            %add3A_163 = arith.constant 72 : i32
            %add3A_164 = vector.broadcast %add3A_163 : i32 to vector<16xi32>
            %add3A_165 = arith.addi %min3A_115, %add3A_164 : vector<16xi32>
            %gather3A_166 = tpu.vector_load_idx %arg12[%add3A_165] : memref<96xf32, #tpu.memory_space<vmem>>[vector<16xi32>], vector<16xf32>,
            %add3A_167 = arith.constant 78 : i32
            %add3A_168 = vector.broadcast %add3A_167 : i32 to vector<16xi32>
            %add3A_169 = arith.addi %min3A_115, %add3A_168 : vector<16xi32>
            %gather3A_170 = tpu.vector_load_idx %arg12[%add3A_169] : memref<96xf32, #tpu.memory_space<vmem>>[vector<16xi32>], vector<16xf32>,
            %add3A_171 = arith.constant 84 : i32
            %add3A_172 = vector.broadcast %add3A_171 : i32 to vector<16xi32>
            %add3A_173 = arith.addi %min3A_115, %add3A_172 : vector<16xi32>
            %gather3A_174 = tpu.vector_load_idx %arg12[%add3A_173] : memref<96xf32, #tpu.memory_space<vmem>>[vector<16xi32>], vector<16xf32>,
            %add3A_175 = arith.constant 90 : i32
            %add3A_176 = vector.broadcast %add3A_175 : i32 to vector<16xi32>
            %add3A_177 = arith.addi %min3A_115, %add3A_176 : vector<16xi32>
            %gather3A_178 = tpu.vector_load_idx %arg12[%add3A_177] : memref<96xf32, #tpu.memory_space<vmem>>[vector<16xi32>], vector<16xf32>,
            %swap3A = arith.constant 0 : i32
            %swap3A_179 = arith.index_cast %swap3A : i32 to index
            %swap3A_180 = arith.index_cast %mul3A_111 : i32 to index
            %swap3A_181 = tpu.vector_load %arg19[%swap3A_179, %swap3A_180] {strides = array<i32>} : memref<16x2560xf32, #tpu.memory_space<vmem>>, vector<16xf32>,
            tpu.vector_store %arg19[%swap3A_179, %swap3A_180], %gather3A {strides = array<i32>} : memref<16x2560xf32, #tpu.memory_space<vmem>>, vector<16xf32>,
            %swap3A_182 = arith.constant 1 : i32
            %swap3A_183 = arith.index_cast %swap3A_182 : i32 to index
            %swap3A_184 = arith.index_cast %mul3A_111 : i32 to index
            %swap3A_185 = tpu.vector_load %arg19[%swap3A_183, %swap3A_184] {strides = array<i32>} : memref<16x2560xf32, #tpu.memory_space<vmem>>, vector<16xf32>,
            tpu.vector_store %arg19[%swap3A_183, %swap3A_184], %gather3A_122 {strides = array<i32>} : memref<16x2560xf32, #tpu.memory_space<vmem>>, vector<16xf32>,
            %swap3A_186 = arith.constant 2 : i32
            %swap3A_187 = arith.index_cast %swap3A_186 : i32 to index
            %swap3A_188 = arith.index_cast %mul3A_111 : i32 to index
            %swap3A_189 = tpu.vector_load %arg19[%swap3A_187, %swap3A_188] {strides = array<i32>} : memref<16x2560xf32, #tpu.memory_space<vmem>>, vector<16xf32>,
            tpu.vector_store %arg19[%swap3A_187, %swap3A_188], %gather3A_126 {strides = array<i32>} : memref<16x2560xf32, #tpu.memory_space<vmem>>, vector<16xf32>,
            %swap3A_190 = arith.constant 3 : i32
            %swap3A_191 = arith.index_cast %swap3A_190 : i32 to index
            %swap3A_192 = arith.index_cast %mul3A_111 : i32 to index
            %swap3A_193 = tpu.vector_load %arg19[%swap3A_191, %swap3A_192] {strides = array<i32>} : memref<16x2560xf32, #tpu.memory_space<vmem>>, vector<16xf32>,
            tpu.vector_store %arg19[%swap3A_191, %swap3A_192], %gather3A_130 {strides = array<i32>} : memref<16x2560xf32, #tpu.memory_space<vmem>>, vector<16xf32>,
            %swap3A_194 = arith.constant 4 : i32
            %swap3A_195 = arith.index_cast %swap3A_194 : i32 to index
            %swap3A_196 = arith.index_cast %mul3A_111 : i32 to index
            %swap3A_197 = tpu.vector_load %arg19[%swap3A_195, %swap3A_196] {strides = array<i32>} : memref<16x2560xf32, #tpu.memory_space<vmem>>, vector<16xf32>,
            tpu.vector_store %arg19[%swap3A_195, %swap3A_196], %gather3A_134 {strides = array<i32>} : memref<16x2560xf32, #tpu.memory_space<vmem>>, vector<16xf32>,
            %swap3A_198 = arith.constant 5 : i32
            %swap3A_199 = arith.index_cast %swap3A_198 : i32 to index
            %swap3A_200 = arith.index_cast %mul3A_111 : i32 to index
            %swap3A_201 = tpu.vector_load %arg19[%swap3A_199, %swap3A_200] {strides = array<i32>} : memref<16x2560xf32, #tpu.memory_space<vmem>>, vector<16xf32>,
            tpu.vector_store %arg19[%swap3A_199, %swap3A_200], %gather3A_138 {strides = array<i32>} : memref<16x2560xf32, #tpu.memory_space<vmem>>, vector<16xf32>,
            %swap3A_202 = arith.constant 6 : i32
            %swap3A_203 = arith.index_cast %swap3A_202 : i32 to index
            %swap3A_204 = arith.index_cast %mul3A_111 : i32 to index
            %swap3A_205 = tpu.vector_load %arg19[%swap3A_203, %swap3A_204] {strides = array<i32>} : memref<16x2560xf32, #tpu.memory_space<vmem>>, vector<16xf32>,
            tpu.vector_store %arg19[%swap3A_203, %swap3A_204], %gather3A_142 {strides = array<i32>} : memref<16x2560xf32, #tpu.memory_space<vmem>>, vector<16xf32>,
            %swap3A_206 = arith.constant 7 : i32
            %swap3A_207 = arith.index_cast %swap3A_206 : i32 to index
            %swap3A_208 = arith.index_cast %mul3A_111 : i32 to index
            %swap3A_209 = tpu.vector_load %arg19[%swap3A_207, %swap3A_208] {strides = array<i32>} : memref<16x2560xf32, #tpu.memory_space<vmem>>, vector<16xf32>,
            tpu.vector_store %arg19[%swap3A_207, %swap3A_208], %gather3A_146 {strides = array<i32>} : memref<16x2560xf32, #tpu.memory_space<vmem>>, vector<16xf32>,
            %swap3A_210 = arith.constant 8 : i32
            %swap3A_211 = arith.index_cast %swap3A_210 : i32 to index
            %swap3A_212 = arith.index_cast %mul3A_111 : i32 to index
            %swap3A_213 = tpu.vector_load %arg19[%swap3A_211, %swap3A_212] {strides = array<i32>} : memref<16x2560xf32, #tpu.memory_space<vmem>>, vector<16xf32>,
            tpu.vector_store %arg19[%swap3A_211, %swap3A_212], %gather3A_150 {strides = array<i32>} : memref<16x2560xf32, #tpu.memory_space<vmem>>, vector<16xf32>,
            %swap3A_214 = arith.constant 9 : i32
            %swap3A_215 = arith.index_cast %swap3A_214 : i32 to index
            %swap3A_216 = arith.index_cast %mul3A_111 : i32 to index
            %swap3A_217 = tpu.vector_load %arg19[%swap3A_215, %swap3A_216] {strides = array<i32>} : memref<16x2560xf32, #tpu.memory_space<vmem>>, vector<16xf32>,
            tpu.vector_store %arg19[%swap3A_215, %swap3A_216], %gather3A_154 {strides = array<i32>} : memref<16x2560xf32, #tpu.memory_space<vmem>>, vector<16xf32>,
            %swap3A_218 = arith.constant 10 : i32
            %swap3A_219 = arith.index_cast %swap3A_218 : i32 to index
            %swap3A_220 = arith.index_cast %mul3A_111 : i32 to index
            %swap3A_221 = tpu.vector_load %arg19[%swap3A_219, %swap3A_220] {strides = array<i32>} : memref<16x2560xf32, #tpu.memory_space<vmem>>, vector<16xf32>,
            tpu.vector_store %arg19[%swap3A_219, %swap3A_220], %gather3A_158 {strides = array<i32>} : memref<16x2560xf32, #tpu.memory_space<vmem>>, vector<16xf32>,
            %swap3A_222 = arith.constant 11 : i32
            %swap3A_223 = arith.index_cast %swap3A_222 : i32 to index
            %swap3A_224 = arith.index_cast %mul3A_111 : i32 to index
            %swap3A_225 = tpu.vector_load %arg19[%swap3A_223, %swap3A_224] {strides = array<i32>} : memref<16x2560xf32, #tpu.memory_space<vmem>>, vector<16xf32>,
            tpu.vector_store %arg19[%swap3A_223, %swap3A_224], %gather3A_162 {strides = array<i32>} : memref<16x2560xf32, #tpu.memory_space<vmem>>, vector<16xf32>,
            %swap3A_226 = arith.constant 12 : i32
            %swap3A_227 = arith.index_cast %swap3A_226 : i32 to index
            %swap3A_228 = arith.index_cast %mul3A_111 : i32 to index
            %swap3A_229 = tpu.vector_load %arg19[%swap3A_227, %swap3A_228] {strides = array<i32>} : memref<16x2560xf32, #tpu.memory_space<vmem>>, vector<16xf32>,
            tpu.vector_store %arg19[%swap3A_227, %swap3A_228], %gather3A_166 {strides = array<i32>} : memref<16x2560xf32, #tpu.memory_space<vmem>>, vector<16xf32>,
            %swap3A_230 = arith.constant 13 : i32
            %swap3A_231 = arith.index_cast %swap3A_230 : i32 to index
            %swap3A_232 = arith.index_cast %mul3A_111 : i32 to index
            %swap3A_233 = tpu.vector_load %arg19[%swap3A_231, %swap3A_232] {strides = array<i32>} : memref<16x2560xf32, #tpu.memory_space<vmem>>, vector<16xf32>,
            tpu.vector_store %arg19[%swap3A_231, %swap3A_232], %gather3A_170 {strides = array<i32>} : memref<16x2560xf32, #tpu.memory_space<vmem>>, vector<16xf32>,
            %swap3A_234 = arith.constant 14 : i32
            %swap3A_235 = arith.index_cast %swap3A_234 : i32 to index
            %swap3A_236 = arith.index_cast %mul3A_111 : i32 to index
            %swap3A_237 = tpu.vector_load %arg19[%swap3A_235, %swap3A_236] {strides = array<i32>} : memref<16x2560xf32, #tpu.memory_space<vmem>>, vector<16xf32>,
            tpu.vector_store %arg19[%swap3A_235, %swap3A_236], %gather3A_174 {strides = array<i32>} : memref<16x2560xf32, #tpu.memory_space<vmem>>, vector<16xf32>,
            %swap3A_238 = arith.constant 15 : i32
            %swap3A_239 = arith.index_cast %swap3A_238 : i32 to index
            %swap3A_240 = arith.index_cast %mul3A_111 : i32 to index
            %swap3A_241 = tpu.vector_load %arg19[%swap3A_239, %swap3A_240] {strides = array<i32>} : memref<16x2560xf32, #tpu.memory_space<vmem>>, vector<16xf32>,
            tpu.vector_store %arg19[%swap3A_239, %swap3A_240], %gather3A_178 {strides = array<i32>} : memref<16x2560xf32, #tpu.memory_space<vmem>>, vector<16xf32>,
            %scan3A_242 = arith.constant 1 : i32
            %scan3A_243 = arith.addi %scan3A_105, %scan3A_242 : i32
            %mul3A_244 = arith.constant 1 : i32
            %mul3A_245 = arith.muli %scan3A_243, %mul3A_244 : i32
            %add3A_246 = arith.constant 0 : i32
            %add3A_247 = arith.addi %add3A_246, %mul3A_245 : i32
            %mul3A_248 = arith.constant 16 : i32
            %mul3A_249 = arith.muli %add3A_247, %mul3A_248 : i32
            %get3A_250 = arith.index_cast %mul3A_249 : i32 to index
            %get3A_251 = tpu.vector_load %arg17[%get3A_250] {strides = array<i32>} : memref<2560xf32, #tpu.memory_space<vmem>>, vector<16xf32>,
            %convert_element_type3A_252 = arith.fptosi %get3A_251 : vector<16xf32> to vector<16xi32>
            %min3A_253 = arith.constant 5 : i32
            %min3A_254 = vector.broadcast %min3A_253 : i32 to vector<16xi32>
            %min3A_255 = arith.minui %convert_element_type3A_252, %min3A_254 : vector<16xi32>
            %add3A_256 = arith.constant 0 : i32
            %add3A_257 = vector.broadcast %add3A_256 : i32 to vector<16xi32>
            %add3A_258 = arith.addi %min3A_255, %add3A_257 : vector<16xi32>
            %gather3A_259 = tpu.vector_load_idx %arg12[%add3A_258] : memref<96xf32, #tpu.memory_space<vmem>>[vector<16xi32>], vector<16xf32>,
            %add3A_260 = arith.constant 6 : i32
            %add3A_261 = vector.broadcast %add3A_260 : i32 to vector<16xi32>
            %add3A_262 = arith.addi %min3A_255, %add3A_261 : vector<16xi32>
            %gather3A_263 = tpu.vector_load_idx %arg12[%add3A_262] : memref<96xf32, #tpu.memory_space<vmem>>[vector<16xi32>], vector<16xf32>,
            %add3A_264 = arith.constant 12 : i32
            %add3A_265 = vector.broadcast %add3A_264 : i32 to vector<16xi32>
            %add3A_266 = arith.addi %min3A_255, %add3A_265 : vector<16xi32>
            %gather3A_267 = tpu.vector_load_idx %arg12[%add3A_266] : memref<96xf32, #tpu.memory_space<vmem>>[vector<16xi32>], vector<16xf32>,
            %add3A_268 = arith.constant 18 : i32
            %add3A_269 = vector.broadcast %add3A_268 : i32 to vector<16xi32>
            %add3A_270 = arith.addi %min3A_255, %add3A_269 : vector<16xi32>
            %gather3A_271 = tpu.vector_load_idx %arg12[%add3A_270] : memref<96xf32, #tpu.memory_space<vmem>>[vector<16xi32>], vector<16xf32>,
            %add3A_272 = arith.constant 24 : i32
            %add3A_273 = vector.broadcast %add3A_272 : i32 to vector<16xi32>
            %add3A_274 = arith.addi %min3A_255, %add3A_273 : vector<16xi32>
            %gather3A_275 = tpu.vector_load_idx %arg12[%add3A_274] : memref<96xf32, #tpu.memory_space<vmem>>[vector<16xi32>], vector<16xf32>,
            %add3A_276 = arith.constant 30 : i32
            %add3A_277 = vector.broadcast %add3A_276 : i32 to vector<16xi32>
            %add3A_278 = arith.addi %min3A_255, %add3A_277 : vector<16xi32>
            %gather3A_279 = tpu.vector_load_idx %arg12[%add3A_278] : memref<96xf32, #tpu.memory_space<vmem>>[vector<16xi32>], vector<16xf32>,
            %add3A_280 = arith.constant 36 : i32
            %add3A_281 = vector.broadcast %add3A_280 : i32 to vector<16xi32>
            %add3A_282 = arith.addi %min3A_255, %add3A_281 : vector<16xi32>
            %gather3A_283 = tpu.vector_load_idx %arg12[%add3A_282] : memref<96xf32, #tpu.memory_space<vmem>>[vector<16xi32>], vector<16xf32>,
            %add3A_284 = arith.constant 42 : i32
            %add3A_285 = vector.broadcast %add3A_284 : i32 to vector<16xi32>
            %add3A_286 = arith.addi %min3A_255, %add3A_285 : vector<16xi32>
            %gather3A_287 = tpu.vector_load_idx %arg12[%add3A_286] : memref<96xf32, #tpu.memory_space<vmem>>[vector<16xi32>], vector<16xf32>,
            %add3A_288 = arith.constant 48 : i32
            %add3A_289 = vector.broadcast %add3A_288 : i32 to vector<16xi32>
            %add3A_290 = arith.addi %min3A_255, %add3A_289 : vector<16xi32>
            %gather3A_291 = tpu.vector_load_idx %arg12[%add3A_290] : memref<96xf32, #tpu.memory_space<vmem>>[vector<16xi32>], vector<16xf32>,
            %add3A_292 = arith.constant 54 : i32
            %add3A_293 = vector.broadcast %add3A_292 : i32 to vector<16xi32>
            %add3A_294 = arith.addi %min3A_255, %add3A_293 : vector<16xi32>
            %gather3A_295 = tpu.vector_load_idx %arg12[%add3A_294] : memref<96xf32, #tpu.memory_space<vmem>>[vector<16xi32>], vector<16xf32>,
            %add3A_296 = arith.constant 60 : i32
            %add3A_297 = vector.broadcast %add3A_296 : i32 to vector<16xi32>
            %add3A_298 = arith.addi %min3A_255, %add3A_297 : vector<16xi32>
            %gather3A_299 = tpu.vector_load_idx %arg12[%add3A_298] : memref<96xf32, #tpu.memory_space<vmem>>[vector<16xi32>], vector<16xf32>,
            %add3A_300 = arith.constant 66 : i32
            %add3A_301 = vector.broadcast %add3A_300 : i32 to vector<16xi32>
            %add3A_302 = arith.addi %min3A_255, %add3A_301 : vector<16xi32>
            %gather3A_303 = tpu.vector_load_idx %arg12[%add3A_302] : memref<96xf32, #tpu.memory_space<vmem>>[vector<16xi32>], vector<16xf32>,
            %add3A_304 = arith.constant 72 : i32
            %add3A_305 = vector.broadcast %add3A_304 : i32 to vector<16xi32>
            %add3A_306 = arith.addi %min3A_255, %add3A_305 : vector<16xi32>
            %gather3A_307 = tpu.vector_load_idx %arg12[%add3A_306] : memref<96xf32, #tpu.memory_space<vmem>>[vector<16xi32>], vector<16xf32>,
            %add3A_308 = arith.constant 78 : i32
            %add3A_309 = vector.broadcast %add3A_308 : i32 to vector<16xi32>
            %add3A_310 = arith.addi %min3A_255, %add3A_309 : vector<16xi32>
            %gather3A_311 = tpu.vector_load_idx %arg12[%add3A_310] : memref<96xf32, #tpu.memory_space<vmem>>[vector<16xi32>], vector<16xf32>,
            %add3A_312 = arith.constant 84 : i32
            %add3A_313 = vector.broadcast %add3A_312 : i32 to vector<16xi32>
            %add3A_314 = arith.addi %min3A_255, %add3A_313 : vector<16xi32>
            %gather3A_315 = tpu.vector_load_idx %arg12[%add3A_314] : memref<96xf32, #tpu.memory_space<vmem>>[vector<16xi32>], vector<16xf32>,
            %add3A_316 = arith.constant 90 : i32
            %add3A_317 = vector.broadcast %add3A_316 : i32 to vector<16xi32>
            %add3A_318 = arith.addi %min3A_255, %add3A_317 : vector<16xi32>
            %gather3A_319 = tpu.vector_load_idx %arg12[%add3A_318] : memref<96xf32, #tpu.memory_space<vmem>>[vector<16xi32>], vector<16xf32>,
            %swap3A_320 = arith.constant 0 : i32
            %swap3A_321 = arith.index_cast %swap3A_320 : i32 to index
            %swap3A_322 = arith.index_cast %mul3A_249 : i32 to index
            %swap3A_323 = tpu.vector_load %arg19[%swap3A_321, %swap3A_322] {strides = array<i32>} : memref<16x2560xf32, #tpu.memory_space<vmem>>, vector<16xf32>,
            tpu.vector_store %arg19[%swap3A_321, %swap3A_322], %gather3A_259 {strides = array<i32>} : memref<16x2560xf32, #tpu.memory_space<vmem>>, vector<16xf32>,
            %swap3A_324 = arith.constant 1 : i32
            %swap3A_325 = arith.index_cast %swap3A_324 : i32 to index
            %swap3A_326 = arith.index_cast %mul3A_249 : i32 to index
            %swap3A_327 = tpu.vector_load %arg19[%swap3A_325, %swap3A_326] {strides = array<i32>} : memref<16x2560xf32, #tpu.memory_space<vmem>>, vector<16xf32>,
            tpu.vector_store %arg19[%swap3A_325, %swap3A_326], %gather3A_263 {strides = array<i32>} : memref<16x2560xf32, #tpu.memory_space<vmem>>, vector<16xf32>,
            %swap3A_328 = arith.constant 2 : i32
            %swap3A_329 = arith.index_cast %swap3A_328 : i32 to index
            %swap3A_330 = arith.index_cast %mul3A_249 : i32 to index
            %swap3A_331 = tpu.vector_load %arg19[%swap3A_329, %swap3A_330] {strides = array<i32>} : memref<16x2560xf32, #tpu.memory_space<vmem>>, vector<16xf32>,
            tpu.vector_store %arg19[%swap3A_329, %swap3A_330], %gather3A_267 {strides = array<i32>} : memref<16x2560xf32, #tpu.memory_space<vmem>>, vector<16xf32>,
            %swap3A_332 = arith.constant 3 : i32
            %swap3A_333 = arith.index_cast %swap3A_332 : i32 to index
            %swap3A_334 = arith.index_cast %mul3A_249 : i32 to index
            %swap3A_335 = tpu.vector_load %arg19[%swap3A_333, %swap3A_334] {strides = array<i32>} : memref<16x2560xf32, #tpu.memory_space<vmem>>, vector<16xf32>,
            tpu.vector_store %arg19[%swap3A_333, %swap3A_334], %gather3A_271 {strides = array<i32>} : memref<16x2560xf32, #tpu.memory_space<vmem>>, vector<16xf32>,
            %swap3A_336 = arith.constant 4 : i32
            %swap3A_337 = arith.index_cast %swap3A_336 : i32 to index
            %swap3A_338 = arith.index_cast %mul3A_249 : i32 to index
            %swap3A_339 = tpu.vector_load %arg19[%swap3A_337, %swap3A_338] {strides = array<i32>} : memref<16x2560xf32, #tpu.memory_space<vmem>>, vector<16xf32>,
            tpu.vector_store %arg19[%swap3A_337, %swap3A_338], %gather3A_275 {strides = array<i32>} : memref<16x2560xf32, #tpu.memory_space<vmem>>, vector<16xf32>,
            %swap3A_340 = arith.constant 5 : i32
            %swap3A_341 = arith.index_cast %swap3A_340 : i32 to index
            %swap3A_342 = arith.index_cast %mul3A_249 : i32 to index
            %swap3A_343 = tpu.vector_load %arg19[%swap3A_341, %swap3A_342] {strides = array<i32>} : memref<16x2560xf32, #tpu.memory_space<vmem>>, vector<16xf32>,
            tpu.vector_store %arg19[%swap3A_341, %swap3A_342], %gather3A_279 {strides = array<i32>} : memref<16x2560xf32, #tpu.memory_space<vmem>>, vector<16xf32>,
            %swap3A_344 = arith.constant 6 : i32
            %swap3A_345 = arith.index_cast %swap3A_344 : i32 to index
            %swap3A_346 = arith.index_cast %mul3A_249 : i32 to index
            %swap3A_347 = tpu.vector_load %arg19[%swap3A_345, %swap3A_346] {strides = array<i32>} : memref<16x2560xf32, #tpu.memory_space<vmem>>, vector<16xf32>,
            tpu.vector_store %arg19[%swap3A_345, %swap3A_346], %gather3A_283 {strides = array<i32>} : memref<16x2560xf32, #tpu.memory_space<vmem>>, vector<16xf32>,
            %swap3A_348 = arith.constant 7 : i32
            %swap3A_349 = arith.index_cast %swap3A_348 : i32 to index
            %swap3A_350 = arith.index_cast %mul3A_249 : i32 to index
            %swap3A_351 = tpu.vector_load %arg19[%swap3A_349, %swap3A_350] {strides = array<i32>} : memref<16x2560xf32, #tpu.memory_space<vmem>>, vector<16xf32>,
            tpu.vector_store %arg19[%swap3A_349, %swap3A_350], %gather3A_287 {strides = array<i32>} : memref<16x2560xf32, #tpu.memory_space<vmem>>, vector<16xf32>,
            %swap3A_352 = arith.constant 8 : i32
            %swap3A_353 = arith.index_cast %swap3A_352 : i32 to index
            %swap3A_354 = arith.index_cast %mul3A_249 : i32 to index
            %swap3A_355 = tpu.vector_load %arg19[%swap3A_353, %swap3A_354] {strides = array<i32>} : memref<16x2560xf32, #tpu.memory_space<vmem>>, vector<16xf32>,
            tpu.vector_store %arg19[%swap3A_353, %swap3A_354], %gather3A_291 {strides = array<i32>} : memref<16x2560xf32, #tpu.memory_space<vmem>>, vector<16xf32>,
            %swap3A_356 = arith.constant 9 : i32
            %swap3A_357 = arith.index_cast %swap3A_356 : i32 to index
            %swap3A_358 = arith.index_cast %mul3A_249 : i32 to index
            %swap3A_359 = tpu.vector_load %arg19[%swap3A_357, %swap3A_358] {strides = array<i32>} : memref<16x2560xf32, #tpu.memory_space<vmem>>, vector<16xf32>,
            tpu.vector_store %arg19[%swap3A_357, %swap3A_358], %gather3A_295 {strides = array<i32>} : memref<16x2560xf32, #tpu.memory_space<vmem>>, vector<16xf32>,
            %swap3A_360 = arith.constant 10 : i32
            %swap3A_361 = arith.index_cast %swap3A_360 : i32 to index
            %swap3A_362 = arith.index_cast %mul3A_249 : i32 to index
            %swap3A_363 = tpu.vector_load %arg19[%swap3A_361, %swap3A_362] {strides = array<i32>} : memref<16x2560xf32, #tpu.memory_space<vmem>>, vector<16xf32>,
            tpu.vector_store %arg19[%swap3A_361, %swap3A_362], %gather3A_299 {strides = array<i32>} : memref<16x2560xf32, #tpu.memory_space<vmem>>, vector<16xf32>,
            %swap3A_364 = arith.constant 11 : i32
            %swap3A_365 = arith.index_cast %swap3A_364 : i32 to index
            %swap3A_366 = arith.index_cast %mul3A_249 : i32 to index
            %swap3A_367 = tpu.vector_load %arg19[%swap3A_365, %swap3A_366] {strides = array<i32>} : memref<16x2560xf32, #tpu.memory_space<vmem>>, vector<16xf32>,
            tpu.vector_store %arg19[%swap3A_365, %swap3A_366], %gather3A_303 {strides = array<i32>} : memref<16x2560xf32, #tpu.memory_space<vmem>>, vector<16xf32>,
            %swap3A_368 = arith.constant 12 : i32
            %swap3A_369 = arith.index_cast %swap3A_368 : i32 to index
            %swap3A_370 = arith.index_cast %mul3A_249 : i32 to index
            %swap3A_371 = tpu.vector_load %arg19[%swap3A_369, %swap3A_370] {strides = array<i32>} : memref<16x2560xf32, #tpu.memory_space<vmem>>, vector<16xf32>,
            tpu.vector_store %arg19[%swap3A_369, %swap3A_370], %gather3A_307 {strides = array<i32>} : memref<16x2560xf32, #tpu.memory_space<vmem>>, vector<16xf32>,
            %swap3A_372 = arith.constant 13 : i32
            %swap3A_373 = arith.index_cast %swap3A_372 : i32 to index
            %swap3A_374 = arith.index_cast %mul3A_249 : i32 to index
            %swap3A_375 = tpu.vector_load %arg19[%swap3A_373, %swap3A_374] {strides = array<i32>} : memref<16x2560xf32, #tpu.memory_space<vmem>>, vector<16xf32>,
            tpu.vector_store %arg19[%swap3A_373, %swap3A_374], %gather3A_311 {strides = array<i32>} : memref<16x2560xf32, #tpu.memory_space<vmem>>, vector<16xf32>,
            %swap3A_376 = arith.constant 14 : i32
            %swap3A_377 = arith.index_cast %swap3A_376 : i32 to index
            %swap3A_378 = arith.index_cast %mul3A_249 : i32 to index
            %swap3A_379 = tpu.vector_load %arg19[%swap3A_377, %swap3A_378] {strides = array<i32>} : memref<16x2560xf32, #tpu.memory_space<vmem>>, vector<16xf32>,
            tpu.vector_store %arg19[%swap3A_377, %swap3A_378], %gather3A_315 {strides = array<i32>} : memref<16x2560xf32, #tpu.memory_space<vmem>>, vector<16xf32>,
            %swap3A_380 = arith.constant 15 : i32
            %swap3A_381 = arith.index_cast %swap3A_380 : i32 to index
            %swap3A_382 = arith.index_cast %mul3A_249 : i32 to index
            %swap3A_383 = tpu.vector_load %arg19[%swap3A_381, %swap3A_382] {strides = array<i32>} : memref<16x2560xf32, #tpu.memory_space<vmem>>, vector<16xf32>,
            tpu.vector_store %arg19[%swap3A_381, %swap3A_382], %gather3A_319 {strides = array<i32>} : memref<16x2560xf32, #tpu.memory_space<vmem>>, vector<16xf32>,
          }
          %scan3A_98 = arith.constant 160 : i32
          %mul3A_99 = arith.constant 2560 : i32
          %mul3A_100 = arith.muli %add3A_74, %mul3A_99 : i32
          %dma_start3A_101 = arith.constant 0 : i32
          %dma_start3A_102 = tpu.memref_slice %arg9[%dma_start3A_101, %mul3A_100] : memref<17x3200000xf32, #tpu.memory_space<hbm>> -> memref<16x2560xf32, #tpu.memory_space<hbm>>
          %dma_start3A_103 = arith.constant 0 : i32
          %dma_start3A_104 = tpu.memref_slice %arg9[%dma_start3A_103, %mul3A_100] : memref<17x3200000xf32, #tpu.memory_space<hbm>> -> memref<16x2560xf32, #tpu.memory_space<hbm>>
          tpu.enqueue_dma source(%arg19 : memref<16x2560xf32, #tpu.memory_space<vmem>>) target(%dma_start3A_104 : memref<16x2560xf32, #tpu.memory_space<hbm>>) target_semaphore(%arg21 : memref<!tpu.dma_semaphore, #tpu.memory_space<semaphore_mem>>)
        } else {
        }
      }
      %scan3A_39 = arith.constant 24 : i32
      %dma_wait3A = arith.constant 0 : i32
      %dma_wait3A_40 = arith.constant 0 : i32
      %dma_wait3A_41 = tpu.memref_slice %arg9[%dma_wait3A, %dma_wait3A_40] : memref<17x3200000xf32, #tpu.memory_space<hbm>> -> memref<16x2560xf32, #tpu.memory_space<hbm>>
      %dma_wait3A_42 = arith.constant 0 : i32
      %dma_wait3A_43 = arith.constant 0 : i32
      %dma_wait3A_44 = tpu.memref_slice %arg9[%dma_wait3A_42, %dma_wait3A_43] : memref<17x3200000xf32, #tpu.memory_space<hbm>> -> memref<16x2560xf32, #tpu.memory_space<hbm>>
      tpu.wait_dma2 semaphore(%arg20 : memref<!tpu.dma_semaphore, #tpu.memory_space<semaphore_mem>>) src(%arg18 : memref<16x2560xf32, #tpu.memory_space<vmem>>) dst(%dma_wait3A_44 : memref<16x2560xf32, #tpu.memory_space<hbm>>)
      %dma_wait3A_45 = arith.constant 0 : i32
      %dma_wait3A_46 = arith.constant 0 : i32
      %dma_wait3A_47 = tpu.memref_slice %arg9[%dma_wait3A_45, %dma_wait3A_46] : memref<17x3200000xf32, #tpu.memory_space<hbm>> -> memref<16x2560xf32, #tpu.memory_space<hbm>>
      %dma_wait3A_48 = arith.constant 0 : i32
      %dma_wait3A_49 = arith.constant 0 : i32
      %dma_wait3A_50 = tpu.memref_slice %arg9[%dma_wait3A_48, %dma_wait3A_49] : memref<17x3200000xf32, #tpu.memory_space<hbm>> -> memref<16x2560xf32, #tpu.memory_space<hbm>>
      tpu.wait_dma2 semaphore(%arg21 : memref<!tpu.dma_semaphore, #tpu.memory_space<semaphore_mem>>) src(%arg19 : memref<16x2560xf32, #tpu.memory_space<vmem>>) dst(%dma_wait3A_50 : memref<16x2560xf32, #tpu.memory_space<hbm>>)
      %eq3A_51 = arith.constant 0 : i32
      %eq3A_52 = arith.cmpi eq, %sub3A_7, %eq3A_51 : i32
      %convert_element_type3A_53 = arith.extui %eq3A_52 : i1 to i32
      %cond3A_54 = arith.constant 0 : i32
      %cond3A_55 = arith.cmpi ne, %convert_element_type3A_53, %cond3A_54 : i32
      scf.if %cond3A_55 {
        %dma_wait3A_56 = arith.constant 16 : i32
        %dma_wait3A_57 = arith.constant 0 : i32
        %dma_wait3A_58 = tpu.memref_slice %arg9[%dma_wait3A_56, %dma_wait3A_57] : memref<17x3200000xf32, #tpu.memory_space<hbm>> -> memref<1x3200000xf32, #tpu.memory_space<hbm>>
        tpu.wait_dma2 semaphore(%arg26 : memref<!tpu.dma_semaphore, #tpu.memory_space<semaphore_mem>>) src(%arg4 : memref<1x3200000xf32, #tpu.memory_space<hbm>>) dst(%dma_wait3A_58 : memref<1x3200000xf32, #tpu.memory_space<hbm>>)
      } else {
      }
    } else {
    }
    return
  }
}

</mosaic_0001>

<sc_bundles>
// kernel: kernel.3.cloned.1.call-start
scs
__scs_entry_jumppad:
0x0: {  	(pc) =	sbr.rel $0x88, $3  }
0x1: {  	(tag) =	ssettag $0x0;
	lr =	simm.s32 $0x1  }
0x2: {  	[smem:$0x3F9C] =	sst lr;
	_ =	strace $0xD0000000  }
0x3: {  	_ = 	snop  }
0x4: {  	_ = 	snop  }
0x5: {  	_ = 	snop  }
0x6: {  	_ = 	snop  }
0x7: {  	_ = 	snop  }
__scs_overlays_trampoline_lowered:
0x8: {  	[smem:$0x3FAB] =	sst s0  }
0x9: {  	[smem:$0x3FAC] =	sst s1  }
0xa: {  	[smem:$0x3FAD] =	sst s2  }
0xb: {  	[smem:$0x3FAE] =	sst s3  }
0xc: {  	[smem:$0x3FAF] =	sst s4  }
0xd: {  	[smem:$0x3FB0] =	sst s5  }
0xe: {  	[smem:$0x3FB1] =	sst s6  }
0xf: {  	[smem:$0x3FB2] =	sst s7  }
0x10: {  	[smem:$0x3FB3] =	sst s8  }
0x11: {  	[smem:$0x3FB4] =	sst s9;
	s0 =	simm.s32 @!p0 $0x0  }
0x12: {  	s1 =	sld [smem:$0x3F9A];
	s0 =	simm.s32 @p0 $0x1  }
0x13: {  	[smem:$0x3FB5] =	sst s0;
	s0 =	simm.s32 @!p1 $0x0  }
0x14: {  	s2 =	sld [smem:$0x3F99];
	s0 =	simm.s32 @p1 $0x1  }
0x15: {  	[smem:$0x3FB6] =	sst s0;
	s0 =	simm.s32 @!p2 $0x0  }
0x16: {  	s3 =	sld [smem:$0x3FDB];
	s0 =	simm.s32 @p2 $0x1  }
0x17: {  	s4 =	simm.s32 $0x1BF5;
	[smem:$0x3FB8] =	sst s0  }
0x18: {  	s0 =	sld [smem:$0x3F9B];
	_ =	swait.ge [sflag:s4], $0x0  }
0x19: {  	s7 =	sld [smem:$0x3F9C]  }
0x1a: {  	s8 =	sadd.s32 $0xFFFFE003, lr  }
0x1b: {  	s9 =	sadd.s32 $0xFFFFFEF7, lr;
	s5 =	simm.s32 $0xFFFFFFFF;
	p2 =	slt.u32 s8, $0xFFFFF086  }
0x1c: {  	p1 =	slt.u32 s9, $0xF7A;
	s5 =	simm.s32 @!p2 $0x0  }
0x1d: {  	s5 =	simm.s32 @p1 $0x1;
	p0 =	seq.s32 s7, s2  }
0x1e: {  	s7 =	smul.u32 @!p0 $0xF7A, s2;
	p2 =	seq.s32 @!p0 s5, $0x0  }
0x1f: {  	s9 =	smul.u32 $0xF7A, s1;
	s8 =	simm.s32 @!p0 $0x1BF5;
	p2 =	por !p2, p0  }
0x20: {  	[sflag:s8] =	ssyncset.s32 @!p0 $0xFFFFF086;
	s6 =	sadd.s32 @!p0 s3, s7;
	s7 =	simm.s32 @!p0 $0x108  }
0x21: {  	s3 =	sadd.s32 s3, s9;
	s6 =	sadd.s32 @!p0 $0x88, s6;
	s7 =	simm.s32 @p2 $0x1082  }
0x22: {  	[simem:s7], [sflag:s8] =	dma.local @!p0 [hbm:s6], $0xF7A  }
0x23: {  	s9 =	sor.u32 $0xD0000000, s2;
	s6 =	simm.s32 $0x108;
	_ =	swait.ge @!p0 [sflag:s8], $0x0  }
0x24: {  	s3 =	sadd.s32 $0x88, s3;
	s6 =	simm.s32 @!p1 $0x1082;
	[sflag:s4] =	ssyncset.s32 $0xFFFFF086  }
0x25: {  	[simem:s6], [sflag:s4] =	dma.local [hbm:s3], $0xF7A  }
0x26: {  	[smem:$0x3F9C] =	sst s1;
	(tag) =	ssettag s2;
	_ =	strace s9  }
0x27: {  	s1 =	sld [smem:$0x3FAC]  }
0x28: {  	s2 =	sld [smem:$0x3FAD]  }
0x29: {  	s4 =	sld [smem:$0x3FAF]  }
0x2a: {  	p0 =	seq.s32 s5, $0x0;
	s5 =	sld [smem:$0x3FB0]  }
0x2b: {  	s6 =	sld [smem:$0x3FB1]  }
0x2c: {  	s7 =	sld [smem:$0x3FB2]  }
0x2d: {  	s3 =	simm.s32 $0x108;
	s8 =	sld [smem:$0x3FB3]  }
0x2e: {  	s3 =	simm.s32 @!p0 $0x1082;
	s9 =	sld [smem:$0x3FB4]  }
0x2f: {  	lr =	sadd.s32 s0, s3;
	s0 =	sld [smem:$0x3FAB]  }
0x30: {  	s3 =	sld [smem:$0x3FAE]  }
0x31: {  	[smem:$0x3FB7] =	sst s10  }
0x32: {  	s10 =	sld [smem:$0x3FB5];
	_ =	sdelay $0x3  }
0x33: {  	p0 =	seq.s32 s10, $0x1;
	s10 =	sld [smem:$0x3FB7];
	_ =	sdelay $0x3  }
0x34: {  	[smem:$0x3FB7] =	sst s10  }
0x35: {  	s10 =	sld [smem:$0x3FB6];
	_ =	sdelay $0x3  }
0x36: {  	p1 =	seq.s32 s10, $0x1;
	s10 =	sld [smem:$0x3FB7];
	_ =	sdelay $0x3  }
0x37: {  	[smem:$0x3FB7] =	sst s10  }
0x38: {  	s10 =	sld [smem:$0x3FB8]  }
0x39: {  	_ = 	snop;
	(pc) =	sbr.ind lr, $3  }
0x3a: {  	_ = 	snop  }
0x3b: {  	_ = 	snop  }
0x3c: {  	p2 =	seq.s32 s10, $0x1;
	s10 =	sld [smem:$0x3FB7]  }
0x3d: {  	_ =	shalt  }
0x3e: {  	_ =	shalt  }
0x3f: {  	_ =	shalt  }
0x40: {  	_ =	shalt  }
0x41: {  	_ =	shalt  }
0x42: {  	_ =	shalt  }
0x43: {  	_ =	shalt  }
0x44: {  	_ =	shalt  }
0x45: {  	_ =	shalt  }
0x46: {  	_ =	shalt  }
0x47: {  	_ =	shalt  }
0x48: {  	_ =	shalt  }
0x49: {  	_ =	shalt  }
0x4a: {  	_ =	shalt  }
0x4b: {  	_ =	shalt  }
0x4c: {  	_ =	shalt  }
0x4d: {  	_ =	shalt  }
0x4e: {  	_ =	shalt  }
0x4f: {  	_ =	shalt  }
0x50: {  	_ =	shalt  }
0x51: {  	_ =	shalt  }
0x52: {  	_ =	shalt  }
0x53: {  	_ =	shalt  }
0x54: {  	_ =	shalt  }
0x55: {  	_ =	shalt  }
0x56: {  	_ =	shalt  }
0x57: {  	_ =	shalt  }
0x58: {  	_ =	shalt  }
0x59: {  	_ =	shalt  }
0x5a: {  	_ =	shalt  }
0x5b: {  	_ =	shalt  }
0x5c: {  	_ =	shalt  }
0x5d: {  	_ =	shalt  }
0x5e: {  	_ =	shalt  }
0x5f: {  	_ =	shalt  }
0x60: {  	_ =	shalt  }
0x61: {  	_ =	shalt  }
0x62: {  	_ =	shalt  }
0x63: {  	_ =	shalt  }
0x64: {  	_ =	shalt  }
0x65: {  	_ =	shalt  }
0x66: {  	_ =	shalt  }
0x67: {  	_ =	shalt  }
0x68: {  	_ =	shalt  }
0x69: {  	_ =	shalt  }
0x6a: {  	_ =	shalt  }
0x6b: {  	_ =	shalt  }
0x6c: {  	_ =	shalt  }
0x6d: {  	_ =	shalt  }
0x6e: {  	_ =	shalt  }
0x6f: {  	_ =	shalt  }
0x70: {  	_ =	shalt  }
0x71: {  	_ =	shalt  }
0x72: {  	_ =	shalt  }
0x73: {  	_ =	shalt  }
0x74: {  	_ =	shalt  }
0x75: {  	_ =	shalt  }
0x76: {  	_ =	shalt  }
0x77: {  	_ =	shalt  }
0x78: {  	_ =	shalt  }
0x79: {  	_ =	shalt  }
0x7a: {  	_ =	shalt  }
0x7b: {  	_ =	shalt  }
0x7c: {  	_ =	shalt  }
0x7d: {  	_ =	shalt  }
0x7e: {  	_ =	shalt  }
0x7f: {  	_ =	shalt  }
0x80: {  	_ =	shalt  }
0x81: {  	_ =	shalt  }
0x82: {  	_ =	shalt  }
0x83: {  	_ =	shalt  }
0x84: {  	_ =	shalt  }
0x85: {  	_ =	shalt  }
0x86: {  	_ =	shalt  }
0x87: {  	_ =	shalt  }
.Lfunc_end0:
.L_simem_size_0:
called_computation_lowered:
.L_overlay_start_0:
0x88: {  	s2 =	sld [smem:$0x3FD9]  }
0x89: {  	s3 =	sld [smem:$0x3FFE];
	_ =	sdelay $0x1  }
0x8a: {  	s1 =	srdreg.scid  }
0x8b: {  	s0 =	sand.u32 $0x1, s1  }
0x8c: {  	s14 =	sshll.u32 s0, $0xA;
	s2 =	sadd.s32 s3, s2  }
0x8d: {  	s2 =	sadd.s32 s2, s14  }
0x8e: {  	[smem:$0x3FC3] =	sst s2  }
0x8f: {  	_ = 	snop  }
0x90: {  	s2 =	sld [smem:$0x3FD0];
	_ =	sdelay $0x2  }
0x91: {  	s4 =	simm.s32 $0xA;
	s5 =	simm.s32 $0x10;
	s15 =	sld [smem:$0x3FC9]  }
0x92: {  	[smem:s5], [sflag:s4] =	dma.local [hbm:s2], $0x1  }
0x93: {  	_ =	swait.eq [sflag:s4], $0x1  }
0x94: {  	[sflag:s4] =	ssyncset.done $0x0  }
0x95: {  	s16 =	sld [smem:$0x10];
	[sflag:s4] =	ssyncadd.s32 $0xFFFFFFFF  }
0x96: {  	s17 =	sld [smem:$0x11];
	(tm) =	ssettm $0x1  }
0x97: {  	s18 =	sld [smem:$0x3FFB];
	_ =	sdelay $0x3  }
0x98: {  	_ =	strace s18  }
0x99: {  	s5 =	sld [smem:$0x3FFC];
	_ =	sdelay $0x3  }
0x9a: {  	_ =	strace s5  }
0x9b: {  	s5 =	sld [smem:$0x3FFD];
	_ =	sdelay $0x3  }
0x9c: {  	_ =	strace s5  }
0x9d: {  	_ =	strace $0x8FFFFFFF  }
0x9e: {  	s19 =	sld [smem:$0x3FDB];
	_ =	sdelay $0x1  }
0x9f: {  	s6 =	simm.s32 $_scs_section_size  }
0xa0: {  	s7 =	simm.s32 $_size__tile_overlayer_lowered;
	s8 =	simm.s32 $_tile_overlayer_lowered  }
0xa1: {  	s22 =	simm.s32 $0x1BFF;
	s21 =	sshll.u32 s8, $0x1;
	s5 =	sadd.s32 s6, s19  }
0xa2: {  	s9 =	simm.s32 $0x0;
	s20 =	sshll.u32 s7, $0x1;
	s7 =	sadd.s32 s21, s5  }
0xa3: {  	[timem:s9], [sflag:s22] =	dma.local [hbm:s7], s20  }
0xa4: {  	_ =	swait.ge [sflag:s22], s20  }
0xa5: {  	s6 =	ssub.s32 $0x0, s20;
	[sflag:s22] =	ssyncset.done $0x0  }
0xa6: {  	[sflag:s22] =	ssyncadd.s32 s6;
	_ =	sdelay $0x1  }
0xa7: {  	s23 =	simm.s32 $0x1B8B  }
0xa8: {  	_ =	swait.ge [sflag:s23], $0x1  }
0xa9: {  	[sflag:s23] =	ssyncset.done $0x0  }
0xaa: {  	s25 =	simm.s32 $0x1B8E;
	s24 =	sld [smem:$0x3FFE];
	[sflag:s23] =	ssyncadd.s32 $0xFFFFFFFF  }
0xab: {  	s26 =	simm.s32 $execute0_lowered;
	[smem:$0x3FD2] =	sst s25  }
0xac: {  	s7 =	sshll.u32 s26, $0x1;
	_ =	strace $0x80000046;
	[dreg:$0x1] =	wrdreg $0xFFFFFFFF  }
0xad: {  	s28 =	simm.s32 $_size_execute0_lowered;
	s5 =	sadd.s32 s5, s7;
	[dreg:$0x0] =	wrdreg $0x0  }
0xae: {  	s7 =	sshll.u32 s28, $0x1;
	[dreg:$0x2] =	wrdreg s5  }
0xaf: {  	[dreg:$0x3] =	wrdreg s7  }
0xb0: {  	[dreg:$0x4] =	wrdreg $0xC0  }
0xb1: {  	_ =	task [dreg:s9], $0x5FFFF  }
0xb2: {  	[dreg:$0x1] =	wrdreg $0xFFFFFFFF  }
0xb3: {  	[dreg:$0x0] =	wrdreg $0x60  }
0xb4: {  	[dreg:$0x2] =	wrdreg s15  }
0xb5: {  	[dreg:$0x3] =	wrdreg s24  }
0xb6: {  	[dreg:$0x4] =	wrdreg s16  }
0xb7: {  	[dreg:$0x5] =	wrdreg s17  }
0xb8: {  	[dreg:$0x6] =	wrdreg $0x9  }
0xb9: {  	_ =	task.clear_ibuf [dreg:s9], $0x7FFFF;
	_ =	strace $0x90000046  }
0xba: {  	s29 =	simm.s32 $0x9;
	_ =	strace $0x80000048  }
0xbb: {  	_ =	swait.ge [sflag:s29], $0x1  }
0xbc: {  	[sflag:s29] =	ssyncadd.s32 $0xFFFFFFFF  }
0xbd: {  	_ =	strace $0x90000048  }
0xbe: {  	_ =	sfence  }
0xbf: {  	s30 =	sld [smem:$0x0];
	_ =	sdelay $0x2  }
0xc0: {  	s31 =	sshll.u32 s1, $0xD;
	s1 =	sshrl.u32 s1, $0x2  }
0xc1: {  	s3 =	sand.u32 $0x4000, s31;
	s1 =	sadd.s32 s1, s30  }
0xc2: {  	s0 =	sor.u32 s3, s0;
	s1 =	sshll.u32 s1, $0x11  }
0xc3: {  	s0 =	sor.u32 s1, s0  }
0xc4: {  	s0 =	sadd.s32 $0x8F2B, s0  }
0xc5: {  	[sflag:s0] =	ssyncadd.remote.s32 $0x1  }
0xc6: {  	_ =	sfence.sel $0xFFFF  }
0xc7: {  	[dreg:$0x0] =	wrdreg $0xFFFFFFFF;
	(pc) =	sbr.abs _section_cstart, $3  }
0xc8: {  	[dreg:$0x1] =	wrdreg $0xFFFFFFFF  }
0xc9: {  	_ =	task.clear_ibuf [dreg:s9], $0x2FFFF;
	_ =	strace $0x9FFFFFFF  }
0xca: {  	(tm) =	ssettm $0x7FFFFFFF  }
0xcb: {  	_ =	shalt  }
tec
execute0_lowered:
.L_overlay_start_1:
0x0: {  	(tag) =	ssettag $0x1  }
0x1: {  	s7 =	rddreg [dreg:$0x0]  }
0x2: {  	s0 =	rddreg [dreg:$0x1]  }
0x3: {  	s8 =	rddreg [dreg:$0x2]  }
0x4: {  	s9 =	rddreg [dreg:$0x3];
	s5 =	simm.s32 $0x0;
	s1 =	srdreg.scid  }
0x5: {  	s2 =	stileid.u32;
	[smem:$0x7FF] =	sst s5;
	s21 =	sadd.s32 $0x1000, s0  }
0x6: {  	s22 =	sadd.s32 $0xA00, s0;
	_ =	strace $0x80000047;
	[dreg:$0xa] =	wrdreg s21  }
0x7: {  	s15 =	simm.s32 $0x3;
	s3 =	sadd.s32 $0xC00, s0;
	[dreg:$0xb] =	wrdreg s22  }
0x8: {  	s6 =	sadd.s32 $0x62C00, s0;
	s0 =	sadd.s32 $0xE00, s0;
	[dreg:$0xd] =	wrdreg s3  }
0x9: {  	s1 =	sand.u32 $0x1, s1;
	s26 =	sadd.s32 $0x61A800, s9;
	[dreg:$0xe] =	wrdreg s0  }
0xa: {  	s2 =	sshll.u32 s2, $0x1;
	s31 =	sadd.s32 $0x18600, s8;
	[dreg:$0xf] =	wrdreg s26  }
0xb: {  	s10 =	sor.u32 s1, s2;
	s1 =	ssub.s32 $0x2, s1;
	[dreg:$0x14] =	wrdreg s31  }
0xc: {  	s21 =	simm.s32 $0x8;
	s22 =	simm.s32 $0x500;
	s23 =	ssub.s32 $0x4E6, s10  }
0xd: {  	s11 =	sadd.s32 $0xFFFFFFFB, s10;
	s24 =	sshrl.u32 s1, $0x1;
	s29 =	sadd.s32 $0x16, s10  }
0xe: {  	p0 =	sgt.u32 s10, $0x4;
	[dreg:$0x9] =	wrdreg s10;
	s2 =	smul.u32 $0x97C, s23  }
0xf: {  	p1 =	sne.s32 s10, $0x0;
	s4 =	smul.u32 $0x140, s11;
	s25 =	ssub.s32 s1, s24  }
0x10: {  	[dreg:$0x11] =	wrdreg s29;
	s23 =	simm.s32 $0x580;
	s24 =	simm.s32 $0x800  }
.Ltmp0:
0x11: {  	[dreg:$0xc] =	wrdreg s11;
	s0 =	smax.u32 s25, $0x1;
	(pc) =	sbr.rel .LBB2_1-.Ltmp0, $4  }
0x12: {  	p2 =	sne.s32 s11, $0x0;
	s28 =	sadd.s32 s6, s4;
	[dreg:$0x15] =	wrdreg s0  }
0x13: {  	s4 =	smov.u32 s7;
	s7 =	sadd.s32 $0x5, s10;
	[dreg:$0x10] =	wrdreg s28  }
0x14: {  	s1 =	simm.s32 $0x0;
	s30 =	sadd.s32 $0x18600, s4;
	[dreg:$0x12] =	wrdreg s7  }
0x15: {  	s25 =	simm.s32 $0xC3800;
	s13 =	sshrl.u32 s2, $0x10;
	[dreg:$0x13] =	wrdreg s30  }
.LBB2_27:
0x16: {  	s0 =	simm.s32 $0x1  }
0x17: {  	_ =	swait.ge [sflag:s0], $0xA000  }
0x18: {  	[sflag:s0] =	ssyncset.done $0x0  }
0x19: {  	s31 =	simm.s32 $0x2;
	[sflag:s0] =	ssyncadd.s32 $0xFFFF6000  }
0x1a: {  	_ =	swait.ge [sflag:s31], $0xA000  }
0x1b: {  	[sflag:s31] =	ssyncset.done $0x0  }
0x1c: {  	s0 =	simm.s32 @!p2 $0x7;
	[sflag:s31] =	ssyncadd.s32 $0xFFFF6000  }
0x1d: {  	_ =	swait.ge @!p2 [sflag:s0], $0x61A80  }
0x1e: {  	[sflag:s0] =	ssyncset.done @!p2 $0x0;
	s7 =	rddreg [dreg:$0x12]  }
0x1f: {  	s1 =	rddreg [dreg:$0x16];
	[sflag:s0] =	ssyncadd.s32 @!p2 $0xFFF9E580  }
0x20: {  	s4 =	rddreg [dreg:$0x0]  }
.LBB2_28:
0x21: {  	s1 =	sadd.s32 $0x1, s1;
	s0 =	rddreg [dreg:$0x15]  }
0x22: {  	p3 =	sne.s32 s1, s0  }
.Ltmp1:
0x23: {  	_ = 	snop;
	(pc) =	sbr.rel @!p3 .LBB2_29-.Ltmp1, $1  }
0x24: {  	_ =	sdelay $0x3  }
.LBB2_1:
0x25: {  	[dreg:$0x16] =	wrdreg s1  }
0x26: {  	s0 =	rddreg [dreg:$0xb]  }
0x27: {  	[tilespmem:s5], [sflag:$0x8] =	stream.linear.gather [hbm4b:s0+s5], $0x500, $0x38;
	[tilespmem:$0x1EA00] =	vst v63  }
0x28: {  	_ =	swait.ge [sflag:s21], $0x500  }
0x29: {  	[sflag:s21] =	ssyncset.done $0x0  }
0x2a: {  	s30 =	rddreg [dreg:$0xd];
	[sflag:s21] =	ssyncadd.s32 $0xFFFFFB00  }
0x2b: {  	[tilespmem:s22], [sflag:$0x8] =	stream.linear.gather [hbm4b:s30+s5], $0x80, $0x38;
	[tilespmem:$0x1EA00] =	vst v63  }
0x2c: {  	_ =	swait.ge [sflag:s21], $0x80  }
0x2d: {  	[sflag:s21] =	ssyncset.done $0x0  }
.Ltmp2:
0x2e: {  	s31 =	rddreg [dreg:$0xe];
	[sflag:s21] =	ssyncadd.s32 $0xFFFFFF80;
	(pc) =	sbr.rel @p0 .LBB2_17-.Ltmp2, $4  }
0x2f: {  	[tilespmem:s23], [sflag:$0x8] =	stream.linear.gather [hbm4b:s31+s5], $0x80, $0x38;
	[tilespmem:$0x1EA00] =	vst v63  }
0x30: {  	_ =	swait.ge [sflag:s21], $0x80  }
0x31: {  	[sflag:s21] =	ssyncset.done $0x0  }
0x32: {  	s11 =	simm.s32 $0x0;
	[sflag:s21] =	ssyncadd.s32 $0xFFFFFF80  }
.LBB2_2:
0x33: {  	p3 =	seq.s32 s11, $0x0  }
.Ltmp3:
0x34: {  	_ = 	snop;
	(pc) =	sbr.rel @p3 .LBB2_5-.Ltmp3, $1  }
0x35: {  	_ =	sdelay $0x3  }
0x36: {  	p4 =	seq.s32 s11, $0x27  }
.Ltmp4:
0x37: {  	_ = 	snop;
	(pc) =	sbr.rel @p4 .LBB2_13-.Ltmp4, $1  }
0x38: {  	_ =	sdelay $0x3  }
0x39: {  	s0 =	simm.s32 $0x5  }
0x3a: {  	_ =	swait.ge [sflag:s0], $0x4000  }
0x3b: {  	[sflag:s0] =	ssyncset.done $0x0  }
0x3c: {  	[sflag:s0] =	ssyncadd.s32 $0xFFFFC000  }
.LBB2_5:
0x3d: {  	s12 =	smul.u32 $0xA, s11  }
0x3e: {  	s0 =	rddreg [dreg:$0x9]  }
0x3f: {  	s1 =	sadd.s32 s0, s12  }
0x40: {  	s14 =	sshll.u32 s1, $0x8  }
0x41: {  	s31 =	simm.s32 $0x600;
	s1 =	sadd.s32 s4, s14  }
0x42: {  	[tilespmem:s31], [sflag:$0x8] =	stream.strided.gather [hbm4b:s1+s24], $0x1000, s25, s24, $0x38;
	[tilespmem:$0x1EA00] =	vst v63  }
0x43: {  	_ =	swait.ge [sflag:s21], $0x1000  }
0x44: {  	[sflag:s21] =	ssyncset.done $0x0  }
0x45: {  	s20 =	simm.s32 $0x0;
	s29 =	simm.s32 $0x0;
	[sflag:s21] =	ssyncadd.s32 $0xFFFFF000  }
.LBB2_6:
0x46: {  	s1 =	sand.u32 $0x70, s29;
	s2 =	sand.u32 $0x400, s20  }
0x47: {  	s3 =	sor.u32 s1, s2  }
0x48: {  	v0 =	vld [tilespmem:s3+$0x600];
	_ =	sdelay $0x4  }
0x49: {  	v0 =	vtrunc.f32 v0  }
0x4a: {  	v0 =	vcvt.f32.s32 v0;
	_ =	sdelay $0x1  }
0x4b: {  	vm0 =	vgt.s32 v0, $0x0  }
0x4c: {  	v0 =	vnsel vm0, $0x0, v0  }
0x4d: {  	v0 =	vmin.u32 v0, $0x26  }
0x4e: {  	s18 =	sand.u32 $0xFFFFFC00, s20;
	v1 =	vadd.s32 $0x27, v0  }
0x4f: {  	s1 =	sadd.s32 s18, s29;
	v2 =	vadd.s32 $0x4E, v0  }
0x50: {  	s19 =	sor.u32 $0x80, s1;
	v3 =	vadd.s32 $0x75, v0  }
0x51: {  	v4 =	vld [tilespmem:s19+$0x600];
	v5 =	vadd.s32 $0x9C, v0  }
0x52: {  	v7 =	vadd.s32 $0xC3, v0;
	v6 =	vld.idx.msk [tilespmem:v0+s5+$0x0], $0xffff  }
0x53: {  	v8 =	vadd.s32 $0xEA, v0;
	v1 =	vld.idx.msk [tilespmem:v1+s5+$0x0], $0xffff  }
0x54: {  	v9 =	vadd.s32 $0x111, v0;
	v2 =	vld.idx.msk [tilespmem:v2+s5+$0x0], $0xffff  }
0x55: {  	v10 =	vadd.s32 $0x138, v0;
	v3 =	vld.idx.msk [tilespmem:v3+s5+$0x0], $0xffff  }
0x56: {  	v11 =	vadd.s32 $0x15F, v0;
	v5 =	vld.idx.msk [tilespmem:v5+s5+$0x0], $0xffff  }
0x57: {  	v12 =	vadd.s32 $0x186, v0;
	v7 =	vld.idx.msk [tilespmem:v7+s5+$0x0], $0xffff  }
0x58: {  	v13 =	vadd.s32 $0x1AD, v0;
	v8 =	vld.idx.msk [tilespmem:v8+s5+$0x0], $0xffff  }
0x59: {  	v14 =	vadd.s32 $0x1D4, v0;
	v9 =	vld.idx.msk [tilespmem:v9+s5+$0x0], $0xffff  }
0x5a: {  	v15 =	vadd.s32 $0x1FB, v0;
	v10 =	vld.idx.msk [tilespmem:v10+s5+$0x0], $0xffff  }
0x5b: {  	v16 =	vadd.s32 $0x222, v0;
	v11 =	vld.idx.msk [tilespmem:v11+s5+$0x0], $0xffff  }
0x5c: {  	v17 =	vadd.s32 $0x249, v0;
	v12 =	vld.idx.msk [tilespmem:v12+s5+$0x0], $0xffff  }
0x5d: {  	v13 =	vld.idx.msk [tilespmem:v13+s5+$0x0], $0xffff  }
0x5e: {  	v14 =	vld.idx.msk [tilespmem:v14+s5+$0x0], $0xffff  }
0x5f: {  	v15 =	vld.idx.msk [tilespmem:v15+s5+$0x0], $0xffff  }
0x60: {  	v16 =	vld.idx.msk [tilespmem:v16+s5+$0x0], $0xffff  }
0x61: {  	v17 =	vld.idx.msk [tilespmem:v17+s5+$0x0], $0xffff;
	[tilespmem:s3+$0x1600] =	vst v6  }
0x62: {  	[tilespmem:s19+$0x1600] =	vst v1  }
0x63: {  	s8 =	sor.u32 $0x180, s1;
	[tilespmem:s3+$0x1700] =	vst v2  }
0x64: {  	[tilespmem:s8+$0x1600] =	vst v3  }
0x65: {  	s28 =	sor.u32 $0x280, s1;
	[tilespmem:s3+$0x1800] =	vst v5  }
0x66: {  	s26 =	sor.u32 s29, s20;
	[tilespmem:s28+$0x1600] =	vst v7  }
0x67: {  	s30 =	sor.u32 $0x380, s26;
	[tilespmem:s3+$0x1900] =	vst v8  }
0x68: {  	[tilespmem:s30+$0x1600] =	vst v9  }
0x69: {  	s31 =	sor.u32 $0x880, s1;
	[tilespmem:s3+$0x1E00] =	vst v10  }
0x6a: {  	[tilespmem:s31+$0x1600] =	vst v11  }
0x6b: {  	s9 =	sor.u32 $0x980, s1;
	[tilespmem:s3+$0x1F00] =	vst v12  }
0x6c: {  	v27 =	vadd.s32 $0x270, v0;
	[tilespmem:s9+$0x1600] =	vst v13  }
0x6d: {  	s1 =	sor.u32 $0xA80, s1;
	v28 =	vadd.s32 $0x297, v0;
	[tilespmem:s3+$0x2000] =	vst v14  }
0x6e: {  	v29 =	vadd.s32 $0x2BE, v0;
	[tilespmem:s1+$0x1600] =	vst v15  }
0x6f: {  	s2 =	sor.u32 $0xB80, s26;
	v30 =	vadd.s32 $0x2E5, v0;
	[tilespmem:s3+$0x2100] =	vst v16  }
0x70: {  	v31 =	vadd.s32 $0x30C, v0;
	[tilespmem:s2+$0x1600] =	vst v17  }
0x71: {  	v32 =	vadd.s32 $0x333, v0;
	v1 =	vld.idx.msk [tilespmem:v27+s5+$0x0], $0xffff  }
0x72: {  	v33 =	vadd.s32 $0x35A, v0;
	v2 =	vld.idx.msk [tilespmem:v28+s5+$0x0], $0xffff  }
0x73: {  	v34 =	vadd.s32 $0x381, v0;
	v3 =	vld.idx.msk [tilespmem:v29+s5+$0x0], $0xffff  }
0x74: {  	v35 =	vadd.s32 $0x3A8, v0;
	v5 =	vld.idx.msk [tilespmem:v30+s5+$0x0], $0xffff  }
0x75: {  	v36 =	vadd.s32 $0x3CF, v0;
	v6 =	vld.idx.msk [tilespmem:v31+s5+$0x0], $0xffff  }
0x76: {  	v37 =	vadd.s32 $0x3F6, v0;
	v7 =	vld.idx.msk [tilespmem:v32+s5+$0x0], $0xffff  }
0x77: {  	v38 =	vadd.s32 $0x41D, v0;
	v8 =	vld.idx.msk [tilespmem:v33+s5+$0x0], $0xffff  }
0x78: {  	v39 =	vadd.s32 $0x444, v0;
	v9 =	vld.idx.msk [tilespmem:v34+s5+$0x0], $0xffff  }
0x79: {  	v40 =	vadd.s32 $0x46B, v0;
	v10 =	vld.idx.msk [tilespmem:v35+s5+$0x0], $0xffff  }
0x7a: {  	v41 =	vadd.s32 $0x492, v0;
	v11 =	vld.idx.msk [tilespmem:v36+s5+$0x0], $0xffff  }
0x7b: {  	v0 =	vadd.s32 $0x4B9, v0;
	v12 =	vld.idx.msk [tilespmem:v37+s5+$0x0], $0xffff  }
0x7c: {  	v13 =	vld.idx.msk [tilespmem:v38+s5+$0x0], $0xffff  }
0x7d: {  	v14 =	vld.idx.msk [tilespmem:v39+s5+$0x0], $0xffff  }
0x7e: {  	v15 =	vld.idx.msk [tilespmem:v40+s5+$0x0], $0xffff  }
0x7f: {  	v16 =	vld.idx.msk [tilespmem:v41+s5+$0x0], $0xffff  }
0x80: {  	v0 =	vld.idx.msk [tilespmem:v0+s5+$0x0], $0xffff;
	[tilespmem:s3+$0x2600] =	vst v1  }
0x81: {  	[tilespmem:s3+$0x2680] =	vst v2  }
0x82: {  	[tilespmem:s3+$0x2700] =	vst v3  }
0x83: {  	[tilespmem:s3+$0x2780] =	vst v5  }
0x84: {  	[tilespmem:s3+$0x2800] =	vst v6  }
0x85: {  	[tilespmem:s3+$0x2880] =	vst v7  }
0x86: {  	v42 =	vtrunc.f32 v4;
	[tilespmem:s3+$0x2900] =	vst v8  }
0x87: {  	v1 =	vcvt.f32.s32 v42;
	[tilespmem:s3+$0x2980] =	vst v9  }
0x88: {  	[tilespmem:s3+$0x2E00] =	vst v10  }
0x89: {  	[tilespmem:s3+$0x2E80] =	vst v11;
	vm15 =	vgt.s32 v1, $0x0  }
0x8a: {  	[tilespmem:s3+$0x2F00] =	vst v12;
	v1 =	vnsel vm15, $0x0, v1  }
0x8b: {  	[tilespmem:s3+$0x2F80] =	vst v13;
	v1 =	vmin.u32 v1, $0x7  }
0x8c: {  	[tilespmem:s3+$0x3000] =	vst v14;
	v43 =	vor.u32 $0x8, v1  }
0x8d: {  	[tilespmem:s3+$0x3080] =	vst v15;
	v44 =	vor.u32 $0x10, v1  }
0x8e: {  	[tilespmem:s3+$0x3100] =	vst v16;
	v45 =	vor.u32 $0x18, v1  }
0x8f: {  	[tilespmem:s3+$0x3180] =	vst v0;
	v46 =	vor.u32 $0x20, v1  }
0x90: {  	v47 =	vor.u32 $0x28, v1;
	v5 =	vld.idx.msk [tilespmem:v1+s22+$0x0], $0xffff  }
0x91: {  	v48 =	vor.u32 $0x30, v1;
	v2 =	vld.idx.msk [tilespmem:v43+s22+$0x0], $0xffff  }
0x92: {  	v49 =	vor.u32 $0x38, v1;
	v3 =	vld.idx.msk [tilespmem:v44+s22+$0x0], $0xffff  }
0x93: {  	v50 =	vor.u32 $0x40, v1;
	v4 =	vld.idx.msk [tilespmem:v45+s22+$0x0], $0xffff  }
0x94: {  	v51 =	vor.u32 $0x48, v1;
	v0 =	vld.idx.msk [tilespmem:v46+s22+$0x0], $0xffff  }
0x95: {  	v52 =	vor.u32 $0x50, v1;
	v6 =	vld.idx.msk [tilespmem:v47+s22+$0x0], $0xffff  }
0x96: {  	v53 =	vor.u32 $0x58, v1;
	v7 =	vld.idx.msk [tilespmem:v48+s22+$0x0], $0xffff  }
0x97: {  	v54 =	vor.u32 $0x60, v1;
	v8 =	vld.idx.msk [tilespmem:v49+s22+$0x0], $0xffff  }
0x98: {  	v55 =	vor.u32 $0x68, v1;
	v9 =	vld.idx.msk [tilespmem:v50+s22+$0x0], $0xffff  }
0x99: {  	v56 =	vor.u32 $0x70, v1;
	v10 =	vld.idx.msk [tilespmem:v51+s22+$0x0], $0xffff  }
0x9a: {  	v1 =	vor.u32 $0x78, v1;
	v11 =	vld.idx.msk [tilespmem:v52+s22+$0x0], $0xffff  }
0x9b: {  	v12 =	vld.idx.msk [tilespmem:v53+s22+$0x0], $0xffff  }
0x9c: {  	v13 =	vld.idx.msk [tilespmem:v54+s22+$0x0], $0xffff  }
0x9d: {  	v14 =	vld.idx.msk [tilespmem:v55+s22+$0x0], $0xffff  }
0x9e: {  	v15 =	vld.idx.msk [tilespmem:v56+s22+$0x0], $0xffff  }
0x9f: {  	v1 =	vld.idx.msk [tilespmem:v1+s22+$0x0], $0xffff;
	[tilespmem:s3+$0x3600] =	vst v5  }
0xa0: {  	[tilespmem:s3+$0x3680] =	vst v2  }
0xa1: {  	[tilespmem:s3+$0x3700] =	vst v3  }
0xa2: {  	[tilespmem:s3+$0x3780] =	vst v4  }
0xa3: {  	[tilespmem:s3+$0x3800] =	vst v0  }
0xa4: {  	[tilespmem:s3+$0x3880] =	vst v6  }
0xa5: {  	[tilespmem:s3+$0x3900] =	vst v7  }
0xa6: {  	[tilespmem:s3+$0x3980] =	vst v8  }
0xa7: {  	[tilespmem:s3+$0x3E00] =	vst v9  }
0xa8: {  	[tilespmem:s3+$0x3E80] =	vst v10  }
0xa9: {  	v57 =	vld [tilespmem:s3+$0x700];
	[tilespmem:s3+$0x3F00] =	vst v11  }
0xaa: {  	v58 =	vld [tilespmem:s3+$0x800];
	[tilespmem:s3+$0x3F80] =	vst v12  }
0xab: {  	v59 =	vld [tilespmem:s3+$0x900];
	[tilespmem:s3+$0x4000] =	vst v13  }
0xac: {  	v60 =	vld [tilespmem:s3+$0xE00];
	[tilespmem:s3+$0x4080] =	vst v14  }
0xad: {  	v61 =	vld [tilespmem:s3+$0xF00];
	[tilespmem:s3+$0x4100] =	vst v15  }
0xae: {  	v62 =	vld [tilespmem:s3+$0x1000];
	[tilespmem:s3+$0x4180] =	vst v1  }
0xaf: {  	v1 =	vld [tilespmem:s8+$0x600]  }
0xb0: {  	v3 =	vld [tilespmem:s28+$0x600]  }
0xb1: {  	v5 =	vld [tilespmem:s30+$0x600]  }
0xb2: {  	v6 =	vld [tilespmem:s31+$0x600]  }
0xb3: {  	v7 =	vld [tilespmem:s9+$0x600]  }
0xb4: {  	v8 =	vld [tilespmem:s1+$0x600]  }
0xb5: {  	v9 =	vld [tilespmem:s2+$0x600];
	[tilespmem:s3+$0x4600] =	vst v57  }
0xb6: {  	v63 =	vld [tilespmem:s3+$0x1100];
	[tilespmem:s3+$0x4700] =	vst v58  }
0xb7: {  	[tilespmem:s3+$0x4800] =	vst v59  }
0xb8: {  	[tilespmem:s3+$0x4900] =	vst v60  }
0xb9: {  	[tilespmem:s3+$0x4E00] =	vst v61  }
0xba: {  	[tilespmem:s3+$0x4F00] =	vst v62  }
0xbb: {  	[tilespmem:s3+$0x5000] =	vst v63  }
0xbc: {  	[tilespmem:s3+$0x4680] =	vst v1  }
0xbd: {  	p4 =	sne.s32 s29, $0xF0;
	[tilespmem:s3+$0x4780] =	vst v3  }
.Ltmp5:
0xbe: {  	[tilespmem:s3+$0x4880] =	vst v5;
	(pc) =	sbr.rel @p4 .LBB2_6-.Ltmp5, $4  }
0xbf: {  	[tilespmem:s3+$0x4980] =	vst v6  }
0xc0: {  	[tilespmem:s3+$0x4E80] =	vst v7  }
0xc1: {  	[tilespmem:s3+$0x4F80] =	vst v8  }
0xc2: {  	s20 =	sadd.s32 $0x80, s20;
	s29 =	sadd.s32 $0x10, s29;
	[tilespmem:s3+$0x5080] =	vst v9  }
.Ltmp6:
0xc3: {  	(pc) =	sbr.rel @p3 .LBB2_10-.Ltmp6, $4  }
0xc4: {  	_ = 	snop  }
0xc5: {  	s0 =	rddreg [dreg:$0x2]  }
0xc6: {  	s31 =	simm.s32 $0x1600;
	s1 =	sadd.s32 s0, s14  }
0xc7: {  	[hbm4b:s1+s24] =	stream.strided.scatter [tilespmem:s31], [sflag:$0x5], $0x4000, s25, s24, $0x38;
	[tilespmem:$0x1EA00] =	vst v63  }
0xc8: {  	p3 =	seq.s32 s11, $0x27  }
.Ltmp7:
0xc9: {  	_ = 	snop;
	(pc) =	sbr.rel @p3 .LBB2_13-.Ltmp7, $1  }
0xca: {  	_ =	sdelay $0x3  }
0xcb: {  	s0 =	simm.s32 $0x6  }
0xcc: {  	_ =	swait.ge [sflag:s0], $0x4000  }
0xcd: {  	[sflag:s0] =	ssyncset.done $0x0  }
0xce: {  	[sflag:s0] =	ssyncadd.s32 $0xFFFFC000  }
.LBB2_10:
0xcf: {  	s1 =	sadd.s32 s12, s7  }
0xd0: {  	s12 =	sshll.u32 s1, $0x8  }
0xd1: {  	s0 =	simm.s32 $0x600;
	s1 =	sadd.s32 s4, s12  }
0xd2: {  	[tilespmem:s0], [sflag:$0x8] =	stream.strided.gather [hbm4b:s1+s24], $0x1000, s25, s24, $0x38;
	[tilespmem:$0x1EA00] =	vst v63  }
0xd3: {  	_ =	swait.ge [sflag:s21], $0x1000  }
0xd4: {  	[sflag:s21] =	ssyncset.done $0x0  }
0xd5: {  	s14 =	simm.s32 $0x0;
	s20 =	simm.s32 $0x0;
	[sflag:s21] =	ssyncadd.s32 $0xFFFFF000  }
.LBB2_11:
0xd6: {  	s1 =	sand.u32 $0x70, s20;
	s2 =	sand.u32 $0x400, s14  }
0xd7: {  	s3 =	sor.u32 s1, s2  }
0xd8: {  	v0 =	vld [tilespmem:s3+$0x600];
	_ =	sdelay $0x4  }
0xd9: {  	v0 =	vtrunc.f32 v0  }
0xda: {  	v0 =	vcvt.f32.s32 v0;
	_ =	sdelay $0x1  }
0xdb: {  	vm0 =	vgt.s32 v0, $0x0  }
0xdc: {  	v0 =	vnsel vm0, $0x0, v0  }
0xdd: {  	v0 =	vmin.u32 v0, $0x26  }
0xde: {  	s29 =	sand.u32 $0xFFFFFC00, s14;
	v1 =	vadd.s32 $0x27, v0  }
0xdf: {  	s1 =	sadd.s32 s29, s20;
	v2 =	vadd.s32 $0x4E, v0  }
0xe0: {  	s30 =	sor.u32 $0x80, s1;
	v3 =	vadd.s32 $0x75, v0  }
0xe1: {  	v4 =	vld [tilespmem:s30+$0x600];
	v5 =	vadd.s32 $0x9C, v0  }
0xe2: {  	v7 =	vadd.s32 $0xC3, v0;
	v6 =	vld.idx.msk [tilespmem:v0+s5+$0x0], $0xffff  }
0xe3: {  	v8 =	vadd.s32 $0xEA, v0;
	v1 =	vld.idx.msk [tilespmem:v1+s5+$0x0], $0xffff  }
0xe4: {  	v9 =	vadd.s32 $0x111, v0;
	v2 =	vld.idx.msk [tilespmem:v2+s5+$0x0], $0xffff  }
0xe5: {  	v10 =	vadd.s32 $0x138, v0;
	v3 =	vld.idx.msk [tilespmem:v3+s5+$0x0], $0xffff  }
0xe6: {  	v11 =	vadd.s32 $0x15F, v0;
	v5 =	vld.idx.msk [tilespmem:v5+s5+$0x0], $0xffff  }
0xe7: {  	v12 =	vadd.s32 $0x186, v0;
	v7 =	vld.idx.msk [tilespmem:v7+s5+$0x0], $0xffff  }
0xe8: {  	v13 =	vadd.s32 $0x1AD, v0;
	v8 =	vld.idx.msk [tilespmem:v8+s5+$0x0], $0xffff  }
0xe9: {  	v14 =	vadd.s32 $0x1D4, v0;
	v9 =	vld.idx.msk [tilespmem:v9+s5+$0x0], $0xffff  }
0xea: {  	v15 =	vadd.s32 $0x1FB, v0;
	v10 =	vld.idx.msk [tilespmem:v10+s5+$0x0], $0xffff  }
0xeb: {  	v16 =	vadd.s32 $0x222, v0;
	v11 =	vld.idx.msk [tilespmem:v11+s5+$0x0], $0xffff  }
0xec: {  	v17 =	vadd.s32 $0x249, v0;
	v12 =	vld.idx.msk [tilespmem:v12+s5+$0x0], $0xffff  }
0xed: {  	v13 =	vld.idx.msk [tilespmem:v13+s5+$0x0], $0xffff  }
0xee: {  	v14 =	vld.idx.msk [tilespmem:v14+s5+$0x0], $0xffff  }
0xef: {  	v15 =	vld.idx.msk [tilespmem:v15+s5+$0x0], $0xffff  }
0xf0: {  	v16 =	vld.idx.msk [tilespmem:v16+s5+$0x0], $0xffff  }
0xf1: {  	v17 =	vld.idx.msk [tilespmem:v17+s5+$0x0], $0xffff;
	[tilespmem:s3+$0x5600] =	vst v6  }
0xf2: {  	[tilespmem:s30+$0x5600] =	vst v1  }
0xf3: {  	s8 =	sor.u32 $0x180, s1;
	[tilespmem:s3+$0x5700] =	vst v2  }
0xf4: {  	[tilespmem:s8+$0x5600] =	vst v3  }
0xf5: {  	s28 =	sor.u32 $0x280, s1;
	[tilespmem:s3+$0x5800] =	vst v5  }
0xf6: {  	s31 =	sor.u32 s20, s14;
	[tilespmem:s28+$0x5600] =	vst v7  }
0xf7: {  	s29 =	sor.u32 $0x380, s31;
	[tilespmem:s3+$0x5900] =	vst v8  }
0xf8: {  	[tilespmem:s29+$0x5600] =	vst v9  }
0xf9: {  	s30 =	sor.u32 $0x880, s1;
	[tilespmem:s3+$0x5E00] =	vst v10  }
0xfa: {  	[tilespmem:s30+$0x5600] =	vst v11  }
0xfb: {  	s9 =	sor.u32 $0x980, s1;
	[tilespmem:s3+$0x5F00] =	vst v12  }
0xfc: {  	v27 =	vadd.s32 $0x270, v0;
	[tilespmem:s9+$0x5600] =	vst v13  }
0xfd: {  	v28 =	vadd.s32 $0x297, v0;
	s1 =	sor.u32 $0xA80, s1;
	[tilespmem:s3+$0x6000] =	vst v14  }
0xfe: {  	v29 =	vadd.s32 $0x2BE, v0;
	[tilespmem:s1+$0x5600] =	vst v15  }
0xff: {  	s2 =	sor.u32 $0xB80, s31;
	v30 =	vadd.s32 $0x2E5, v0;
	[tilespmem:s3+$0x6100] =	vst v16  }
0x100: {  	v31 =	vadd.s32 $0x30C, v0;
	[tilespmem:s2+$0x5600] =	vst v17  }
0x101: {  	v32 =	vadd.s32 $0x333, v0;
	v1 =	vld.idx.msk [tilespmem:v27+s5+$0x0], $0xffff  }
0x102: {  	v33 =	vadd.s32 $0x35A, v0;
	v2 =	vld.idx.msk [tilespmem:v28+s5+$0x0], $0xffff  }
0x103: {  	v34 =	vadd.s32 $0x381, v0;
	v3 =	vld.idx.msk [tilespmem:v29+s5+$0x0], $0xffff  }
0x104: {  	v35 =	vadd.s32 $0x3A8, v0;
	v5 =	vld.idx.msk [tilespmem:v30+s5+$0x0], $0xffff  }
0x105: {  	v36 =	vadd.s32 $0x3CF, v0;
	v6 =	vld.idx.msk [tilespmem:v31+s5+$0x0], $0xffff  }
0x106: {  	v37 =	vadd.s32 $0x3F6, v0;
	v7 =	vld.idx.msk [tilespmem:v32+s5+$0x0], $0xffff  }
0x107: {  	v38 =	vadd.s32 $0x41D, v0;
	v8 =	vld.idx.msk [tilespmem:v33+s5+$0x0], $0xffff  }
0x108: {  	v39 =	vadd.s32 $0x444, v0;
	v9 =	vld.idx.msk [tilespmem:v34+s5+$0x0], $0xffff  }
0x109: {  	v40 =	vadd.s32 $0x46B, v0;
	v10 =	vld.idx.msk [tilespmem:v35+s5+$0x0], $0xffff  }
0x10a: {  	v41 =	vadd.s32 $0x492, v0;
	v11 =	vld.idx.msk [tilespmem:v36+s5+$0x0], $0xffff  }
0x10b: {  	v0 =	vadd.s32 $0x4B9, v0;
	v12 =	vld.idx.msk [tilespmem:v37+s5+$0x0], $0xffff  }
0x10c: {  	v13 =	vld.idx.msk [tilespmem:v38+s5+$0x0], $0xffff  }
0x10d: {  	v14 =	vld.idx.msk [tilespmem:v39+s5+$0x0], $0xffff  }
0x10e: {  	v15 =	vld.idx.msk [tilespmem:v40+s5+$0x0], $0xffff  }
0x10f: {  	v16 =	vld.idx.msk [tilespmem:v41+s5+$0x0], $0xffff  }
0x110: {  	v0 =	vld.idx.msk [tilespmem:v0+s5+$0x0], $0xffff;
	[tilespmem:s3+$0x6600] =	vst v1  }
0x111: {  	[tilespmem:s3+$0x6680] =	vst v2  }
0x112: {  	[tilespmem:s3+$0x6700] =	vst v3  }
0x113: {  	[tilespmem:s3+$0x6780] =	vst v5  }
0x114: {  	[tilespmem:s3+$0x6800] =	vst v6  }
0x115: {  	[tilespmem:s3+$0x6880] =	vst v7  }
0x116: {  	v42 =	vtrunc.f32 v4;
	[tilespmem:s3+$0x6900] =	vst v8  }
0x117: {  	v1 =	vcvt.f32.s32 v42;
	[tilespmem:s3+$0x6980] =	vst v9  }
0x118: {  	[tilespmem:s3+$0x6E00] =	vst v10  }
0x119: {  	[tilespmem:s3+$0x6E80] =	vst v11;
	vm15 =	vgt.s32 v1, $0x0  }
0x11a: {  	[tilespmem:s3+$0x6F00] =	vst v12;
	v1 =	vnsel vm15, $0x0, v1  }
0x11b: {  	[tilespmem:s3+$0x6F80] =	vst v13;
	v1 =	vmin.u32 v1, $0x7  }
0x11c: {  	[tilespmem:s3+$0x7000] =	vst v14;
	v43 =	vor.u32 $0x8, v1  }
0x11d: {  	[tilespmem:s3+$0x7080] =	vst v15;
	v44 =	vor.u32 $0x10, v1  }
0x11e: {  	[tilespmem:s3+$0x7100] =	vst v16;
	v45 =	vor.u32 $0x18, v1  }
0x11f: {  	[tilespmem:s3+$0x7180] =	vst v0;
	v46 =	vor.u32 $0x20, v1  }
0x120: {  	v47 =	vor.u32 $0x28, v1;
	v5 =	vld.idx.msk [tilespmem:v1+s22+$0x0], $0xffff  }
0x121: {  	v48 =	vor.u32 $0x30, v1;
	v2 =	vld.idx.msk [tilespmem:v43+s22+$0x0], $0xffff  }
0x122: {  	v49 =	vor.u32 $0x38, v1;
	v3 =	vld.idx.msk [tilespmem:v44+s22+$0x0], $0xffff  }
0x123: {  	v50 =	vor.u32 $0x40, v1;
	v4 =	vld.idx.msk [tilespmem:v45+s22+$0x0], $0xffff  }
0x124: {  	v51 =	vor.u32 $0x48, v1;
	v0 =	vld.idx.msk [tilespmem:v46+s22+$0x0], $0xffff  }
0x125: {  	v52 =	vor.u32 $0x50, v1;
	v6 =	vld.idx.msk [tilespmem:v47+s22+$0x0], $0xffff  }
0x126: {  	v53 =	vor.u32 $0x58, v1;
	v7 =	vld.idx.msk [tilespmem:v48+s22+$0x0], $0xffff  }
0x127: {  	v54 =	vor.u32 $0x60, v1;
	v8 =	vld.idx.msk [tilespmem:v49+s22+$0x0], $0xffff  }
0x128: {  	v55 =	vor.u32 $0x68, v1;
	v9 =	vld.idx.msk [tilespmem:v50+s22+$0x0], $0xffff  }
0x129: {  	v56 =	vor.u32 $0x70, v1;
	v10 =	vld.idx.msk [tilespmem:v51+s22+$0x0], $0xffff  }
0x12a: {  	v1 =	vor.u32 $0x78, v1;
	v11 =	vld.idx.msk [tilespmem:v52+s22+$0x0], $0xffff  }
0x12b: {  	v12 =	vld.idx.msk [tilespmem:v53+s22+$0x0], $0xffff  }
0x12c: {  	v13 =	vld.idx.msk [tilespmem:v54+s22+$0x0], $0xffff  }
0x12d: {  	v14 =	vld.idx.msk [tilespmem:v55+s22+$0x0], $0xffff  }
0x12e: {  	v15 =	vld.idx.msk [tilespmem:v56+s22+$0x0], $0xffff  }
0x12f: {  	v1 =	vld.idx.msk [tilespmem:v1+s22+$0x0], $0xffff;
	[tilespmem:s3+$0x7600] =	vst v5  }
0x130: {  	[tilespmem:s3+$0x7680] =	vst v2  }
0x131: {  	[tilespmem:s3+$0x7700] =	vst v3  }
0x132: {  	[tilespmem:s3+$0x7780] =	vst v4  }
0x133: {  	[tilespmem:s3+$0x7800] =	vst v0  }
0x134: {  	[tilespmem:s3+$0x7880] =	vst v6  }
0x135: {  	[tilespmem:s3+$0x7900] =	vst v7  }
0x136: {  	[tilespmem:s3+$0x7980] =	vst v8  }
0x137: {  	[tilespmem:s3+$0x7E00] =	vst v9  }
0x138: {  	[tilespmem:s3+$0x7E80] =	vst v10  }
0x139: {  	v57 =	vld [tilespmem:s3+$0x700];
	[tilespmem:s3+$0x7F00] =	vst v11  }
0x13a: {  	v58 =	vld [tilespmem:s3+$0x800];
	[tilespmem:s3+$0x7F80] =	vst v12  }
0x13b: {  	v59 =	vld [tilespmem:s3+$0x900];
	[tilespmem:s3+$0x8000] =	vst v13  }
0x13c: {  	v60 =	vld [tilespmem:s3+$0xE00];
	[tilespmem:s3+$0x8080] =	vst v14  }
0x13d: {  	v61 =	vld [tilespmem:s3+$0xF00];
	[tilespmem:s3+$0x8100] =	vst v15  }
0x13e: {  	v62 =	vld [tilespmem:s3+$0x1000];
	[tilespmem:s3+$0x8180] =	vst v1  }
0x13f: {  	v1 =	vld [tilespmem:s8+$0x600]  }
0x140: {  	v3 =	vld [tilespmem:s28+$0x600]  }
0x141: {  	v5 =	vld [tilespmem:s29+$0x600]  }
0x142: {  	v6 =	vld [tilespmem:s30+$0x600]  }
0x143: {  	v7 =	vld [tilespmem:s9+$0x600]  }
0x144: {  	v8 =	vld [tilespmem:s1+$0x600]  }
0x145: {  	v9 =	vld [tilespmem:s2+$0x600];
	[tilespmem:s3+$0x8600] =	vst v57  }
0x146: {  	v63 =	vld [tilespmem:s3+$0x1100];
	[tilespmem:s3+$0x8700] =	vst v58  }
0x147: {  	[tilespmem:s3+$0x8800] =	vst v59  }
0x148: {  	[tilespmem:s3+$0x8900] =	vst v60  }
0x149: {  	[tilespmem:s3+$0x8E00] =	vst v61  }
0x14a: {  	[tilespmem:s3+$0x8F00] =	vst v62  }
0x14b: {  	[tilespmem:s3+$0x9000] =	vst v63  }
0x14c: {  	[tilespmem:s3+$0x8680] =	vst v1  }
0x14d: {  	p3 =	sne.s32 s20, $0xF0;
	[tilespmem:s3+$0x8780] =	vst v3  }
.Ltmp8:
0x14e: {  	[tilespmem:s3+$0x8880] =	vst v5;
	(pc) =	sbr.rel @p3 .LBB2_11-.Ltmp8, $4  }
0x14f: {  	[tilespmem:s3+$0x8980] =	vst v6  }
0x150: {  	[tilespmem:s3+$0x8E80] =	vst v7  }
0x151: {  	[tilespmem:s3+$0x8F80] =	vst v8  }
0x152: {  	s14 =	sadd.s32 $0x80, s14;
	s20 =	sadd.s32 $0x10, s20;
	[tilespmem:s3+$0x9080] =	vst v9  }
0x153: {  	s11 =	sadd.s32 $0x1, s11  }
0x154: {  	p3 =	sne.s32 s11, $0x28  }
.Ltmp9:
0x155: {  	_ = 	snop;
	(pc) =	sbr.rel @p3 .LBB2_2-.Ltmp9, $4  }
0x156: {  	_ = 	snop  }
0x157: {  	s0 =	rddreg [dreg:$0x2]  }
0x158: {  	s31 =	simm.s32 $0x5600;
	s1 =	sadd.s32 s0, s12  }
0x159: {  	[hbm4b:s1+s24] =	stream.strided.scatter [tilespmem:s31], [sflag:$0x6], $0x4000, s25, s24, $0x38;
	[tilespmem:$0x1EA00] =	vst v63  }
.LBB2_13:
0x15a: {  	s0 =	simm.s32 $0x5  }
0x15b: {  	_ =	swait.ge [sflag:s0], $0x4000  }
.Ltmp10:
0x15c: {  	[sflag:s0] =	ssyncset.done $0x0;
	(pc) =	sbr.rel @p1 .LBB2_28-.Ltmp10, $4  }
0x15d: {  	s31 =	simm.s32 $0x6;
	[sflag:s0] =	ssyncadd.s32 $0xFFFFC000  }
0x15e: {  	_ =	swait.ge [sflag:s31], $0x4000  }
0x15f: {  	[sflag:s31] =	ssyncset.done $0x0  }
0x160: {  	s1 =	rddreg [dreg:$0x16];
	[sflag:s31] =	ssyncadd.s32 $0xFFFFC000  }
0x161: {  	s0 =	rddreg [dreg:$0x13];
	s1 =	simm.s32 $0x600  }
0x162: {  	[tilespmem:s1], [sflag:$0x8] =	stream.strided.gather [hbm4b:s0+s24], $0x1000, s25, s24, $0x38;
	[tilespmem:$0x1EA00] =	vst v63  }
0x163: {  	_ =	swait.ge [sflag:s21], $0x1000  }
0x164: {  	[sflag:s21] =	ssyncset.done $0x0  }
0x165: {  	s11 =	simm.s32 $0x0;
	s12 =	simm.s32 $0x0;
	[sflag:s21] =	ssyncadd.s32 $0xFFFFF000  }
.LBB2_15:
0x166: {  	s1 =	sand.u32 $0x70, s12;
	s2 =	sand.u32 $0x400, s11  }
0x167: {  	s3 =	sor.u32 s1, s2  }
0x168: {  	v0 =	vld [tilespmem:s3+$0x600];
	_ =	sdelay $0x4  }
0x169: {  	v0 =	vtrunc.f32 v0  }
0x16a: {  	v0 =	vcvt.f32.s32 v0;
	_ =	sdelay $0x1  }
0x16b: {  	vm0 =	vgt.s32 v0, $0x0  }
0x16c: {  	v0 =	vnsel vm0, $0x0, v0  }
0x16d: {  	v0 =	vmin.u32 v0, $0x26  }
0x16e: {  	s29 =	sand.u32 $0xFFFFFC00, s11;
	v1 =	vadd.s32 $0x27, v0  }
0x16f: {  	s1 =	sadd.s32 s29, s12;
	v2 =	vadd.s32 $0x4E, v0  }
0x170: {  	s30 =	sor.u32 $0x80, s1;
	v3 =	vadd.s32 $0x75, v0  }
0x171: {  	v4 =	vld [tilespmem:s30+$0x600];
	v5 =	vadd.s32 $0x9C, v0  }
0x172: {  	v7 =	vadd.s32 $0xC3, v0;
	v6 =	vld.idx.msk [tilespmem:v0+s5+$0x0], $0xffff  }
0x173: {  	v8 =	vadd.s32 $0xEA, v0;
	v1 =	vld.idx.msk [tilespmem:v1+s5+$0x0], $0xffff  }
0x174: {  	v9 =	vadd.s32 $0x111, v0;
	v2 =	vld.idx.msk [tilespmem:v2+s5+$0x0], $0xffff  }
0x175: {  	v10 =	vadd.s32 $0x138, v0;
	v3 =	vld.idx.msk [tilespmem:v3+s5+$0x0], $0xffff  }
0x176: {  	v11 =	vadd.s32 $0x15F, v0;
	v5 =	vld.idx.msk [tilespmem:v5+s5+$0x0], $0xffff  }
0x177: {  	v12 =	vadd.s32 $0x186, v0;
	v7 =	vld.idx.msk [tilespmem:v7+s5+$0x0], $0xffff  }
0x178: {  	v13 =	vadd.s32 $0x1AD, v0;
	v8 =	vld.idx.msk [tilespmem:v8+s5+$0x0], $0xffff  }
0x179: {  	v14 =	vadd.s32 $0x1D4, v0;
	v9 =	vld.idx.msk [tilespmem:v9+s5+$0x0], $0xffff  }
0x17a: {  	v15 =	vadd.s32 $0x1FB, v0;
	v10 =	vld.idx.msk [tilespmem:v10+s5+$0x0], $0xffff  }
0x17b: {  	v16 =	vadd.s32 $0x222, v0;
	v11 =	vld.idx.msk [tilespmem:v11+s5+$0x0], $0xffff  }
0x17c: {  	v17 =	vadd.s32 $0x249, v0;
	v12 =	vld.idx.msk [tilespmem:v12+s5+$0x0], $0xffff  }
0x17d: {  	v13 =	vld.idx.msk [tilespmem:v13+s5+$0x0], $0xffff  }
0x17e: {  	v14 =	vld.idx.msk [tilespmem:v14+s5+$0x0], $0xffff  }
0x17f: {  	v15 =	vld.idx.msk [tilespmem:v15+s5+$0x0], $0xffff  }
0x180: {  	v16 =	vld.idx.msk [tilespmem:v16+s5+$0x0], $0xffff  }
0x181: {  	v17 =	vld.idx.msk [tilespmem:v17+s5+$0x0], $0xffff;
	[tilespmem:s3+$0x1600] =	vst v6  }
0x182: {  	[tilespmem:s30+$0x1600] =	vst v1  }
0x183: {  	s8 =	sor.u32 $0x180, s1;
	[tilespmem:s3+$0x1700] =	vst v2  }
0x184: {  	[tilespmem:s8+$0x1600] =	vst v3  }
0x185: {  	s14 =	sor.u32 $0x280, s1;
	[tilespmem:s3+$0x1800] =	vst v5  }
0x186: {  	s31 =	sor.u32 s12, s11;
	[tilespmem:s14+$0x1600] =	vst v7  }
0x187: {  	s20 =	sor.u32 $0x380, s31;
	[tilespmem:s3+$0x1900] =	vst v8  }
0x188: {  	[tilespmem:s20+$0x1600] =	vst v9  }
0x189: {  	s28 =	sor.u32 $0x880, s1;
	[tilespmem:s3+$0x1E00] =	vst v10  }
0x18a: {  	[tilespmem:s28+$0x1600] =	vst v11  }
0x18b: {  	s9 =	sor.u32 $0x980, s1;
	[tilespmem:s3+$0x1F00] =	vst v12  }
0x18c: {  	v27 =	vadd.s32 $0x270, v0;
	[tilespmem:s9+$0x1600] =	vst v13  }
0x18d: {  	s1 =	sor.u32 $0xA80, s1;
	v28 =	vadd.s32 $0x297, v0;
	[tilespmem:s3+$0x2000] =	vst v14  }
0x18e: {  	v29 =	vadd.s32 $0x2BE, v0;
	[tilespmem:s1+$0x1600] =	vst v15  }
0x18f: {  	s2 =	sor.u32 $0xB80, s31;
	v30 =	vadd.s32 $0x2E5, v0;
	[tilespmem:s3+$0x2100] =	vst v16  }
0x190: {  	v31 =	vadd.s32 $0x30C, v0;
	[tilespmem:s2+$0x1600] =	vst v17  }
0x191: {  	v32 =	vadd.s32 $0x333, v0;
	v1 =	vld.idx.msk [tilespmem:v27+s5+$0x0], $0xffff  }
0x192: {  	v33 =	vadd.s32 $0x35A, v0;
	v2 =	vld.idx.msk [tilespmem:v28+s5+$0x0], $0xffff  }
0x193: {  	v34 =	vadd.s32 $0x381, v0;
	v3 =	vld.idx.msk [tilespmem:v29+s5+$0x0], $0xffff  }
0x194: {  	v35 =	vadd.s32 $0x3A8, v0;
	v5 =	vld.idx.msk [tilespmem:v30+s5+$0x0], $0xffff  }
0x195: {  	v36 =	vadd.s32 $0x3CF, v0;
	v6 =	vld.idx.msk [tilespmem:v31+s5+$0x0], $0xffff  }
0x196: {  	v37 =	vadd.s32 $0x3F6, v0;
	v7 =	vld.idx.msk [tilespmem:v32+s5+$0x0], $0xffff  }
0x197: {  	v38 =	vadd.s32 $0x41D, v0;
	v8 =	vld.idx.msk [tilespmem:v33+s5+$0x0], $0xffff  }
0x198: {  	v39 =	vadd.s32 $0x444, v0;
	v9 =	vld.idx.msk [tilespmem:v34+s5+$0x0], $0xffff  }
0x199: {  	v40 =	vadd.s32 $0x46B, v0;
	v10 =	vld.idx.msk [tilespmem:v35+s5+$0x0], $0xffff  }
0x19a: {  	v41 =	vadd.s32 $0x492, v0;
	v11 =	vld.idx.msk [tilespmem:v36+s5+$0x0], $0xffff  }
0x19b: {  	v0 =	vadd.s32 $0x4B9, v0;
	v12 =	vld.idx.msk [tilespmem:v37+s5+$0x0], $0xffff  }
0x19c: {  	v13 =	vld.idx.msk [tilespmem:v38+s5+$0x0], $0xffff  }
0x19d: {  	v14 =	vld.idx.msk [tilespmem:v39+s5+$0x0], $0xffff  }
0x19e: {  	v15 =	vld.idx.msk [tilespmem:v40+s5+$0x0], $0xffff  }
0x19f: {  	v16 =	vld.idx.msk [tilespmem:v41+s5+$0x0], $0xffff  }
0x1a0: {  	v0 =	vld.idx.msk [tilespmem:v0+s5+$0x0], $0xffff;
	[tilespmem:s3+$0x2600] =	vst v1  }
0x1a1: {  	[tilespmem:s3+$0x2680] =	vst v2  }
0x1a2: {  	[tilespmem:s3+$0x2700] =	vst v3  }
0x1a3: {  	[tilespmem:s3+$0x2780] =	vst v5  }
0x1a4: {  	[tilespmem:s3+$0x2800] =	vst v6  }
0x1a5: {  	[tilespmem:s3+$0x2880] =	vst v7  }
0x1a6: {  	v42 =	vtrunc.f32 v4;
	[tilespmem:s3+$0x2900] =	vst v8  }
0x1a7: {  	v1 =	vcvt.f32.s32 v42;
	[tilespmem:s3+$0x2980] =	vst v9  }
0x1a8: {  	[tilespmem:s3+$0x2E00] =	vst v10  }
0x1a9: {  	[tilespmem:s3+$0x2E80] =	vst v11;
	vm15 =	vgt.s32 v1, $0x0  }
0x1aa: {  	[tilespmem:s3+$0x2F00] =	vst v12;
	v1 =	vnsel vm15, $0x0, v1  }
0x1ab: {  	[tilespmem:s3+$0x2F80] =	vst v13;
	v1 =	vmin.u32 v1, $0x7  }
0x1ac: {  	[tilespmem:s3+$0x3000] =	vst v14;
	v43 =	vor.u32 $0x8, v1  }
0x1ad: {  	[tilespmem:s3+$0x3080] =	vst v15;
	v44 =	vor.u32 $0x10, v1  }
0x1ae: {  	[tilespmem:s3+$0x3100] =	vst v16;
	v45 =	vor.u32 $0x18, v1  }
0x1af: {  	[tilespmem:s3+$0x3180] =	vst v0;
	v46 =	vor.u32 $0x20, v1  }
0x1b0: {  	v47 =	vor.u32 $0x28, v1;
	v5 =	vld.idx.msk [tilespmem:v1+s22+$0x0], $0xffff  }
0x1b1: {  	v48 =	vor.u32 $0x30, v1;
	v2 =	vld.idx.msk [tilespmem:v43+s22+$0x0], $0xffff  }
0x1b2: {  	v49 =	vor.u32 $0x38, v1;
	v3 =	vld.idx.msk [tilespmem:v44+s22+$0x0], $0xffff  }
0x1b3: {  	v50 =	vor.u32 $0x40, v1;
	v4 =	vld.idx.msk [tilespmem:v45+s22+$0x0], $0xffff  }
0x1b4: {  	v51 =	vor.u32 $0x48, v1;
	v0 =	vld.idx.msk [tilespmem:v46+s22+$0x0], $0xffff  }
0x1b5: {  	v52 =	vor.u32 $0x50, v1;
	v6 =	vld.idx.msk [tilespmem:v47+s22+$0x0], $0xffff  }
0x1b6: {  	v53 =	vor.u32 $0x58, v1;
	v7 =	vld.idx.msk [tilespmem:v48+s22+$0x0], $0xffff  }
0x1b7: {  	v54 =	vor.u32 $0x60, v1;
	v8 =	vld.idx.msk [tilespmem:v49+s22+$0x0], $0xffff  }
0x1b8: {  	v55 =	vor.u32 $0x68, v1;
	v9 =	vld.idx.msk [tilespmem:v50+s22+$0x0], $0xffff  }
0x1b9: {  	v56 =	vor.u32 $0x70, v1;
	v10 =	vld.idx.msk [tilespmem:v51+s22+$0x0], $0xffff  }
0x1ba: {  	v1 =	vor.u32 $0x78, v1;
	v11 =	vld.idx.msk [tilespmem:v52+s22+$0x0], $0xffff  }
0x1bb: {  	v12 =	vld.idx.msk [tilespmem:v53+s22+$0x0], $0xffff  }
0x1bc: {  	v13 =	vld.idx.msk [tilespmem:v54+s22+$0x0], $0xffff  }
0x1bd: {  	v14 =	vld.idx.msk [tilespmem:v55+s22+$0x0], $0xffff  }
0x1be: {  	v15 =	vld.idx.msk [tilespmem:v56+s22+$0x0], $0xffff  }
0x1bf: {  	v1 =	vld.idx.msk [tilespmem:v1+s22+$0x0], $0xffff;
	[tilespmem:s3+$0x3600] =	vst v5  }
0x1c0: {  	[tilespmem:s3+$0x3680] =	vst v2  }
0x1c1: {  	[tilespmem:s3+$0x3700] =	vst v3  }
0x1c2: {  	[tilespmem:s3+$0x3780] =	vst v4  }
0x1c3: {  	[tilespmem:s3+$0x3800] =	vst v0  }
0x1c4: {  	[tilespmem:s3+$0x3880] =	vst v6  }
0x1c5: {  	[tilespmem:s3+$0x3900] =	vst v7  }
0x1c6: {  	[tilespmem:s3+$0x3980] =	vst v8  }
0x1c7: {  	[tilespmem:s3+$0x3E00] =	vst v9  }
0x1c8: {  	[tilespmem:s3+$0x3E80] =	vst v10  }
0x1c9: {  	v57 =	vld [tilespmem:s3+$0x700];
	[tilespmem:s3+$0x3F00] =	vst v11  }
0x1ca: {  	v58 =	vld [tilespmem:s3+$0x800];
	[tilespmem:s3+$0x3F80] =	vst v12  }
0x1cb: {  	v59 =	vld [tilespmem:s3+$0x900];
	[tilespmem:s3+$0x4000] =	vst v13  }
0x1cc: {  	v60 =	vld [tilespmem:s3+$0xE00];
	[tilespmem:s3+$0x4080] =	vst v14  }
0x1cd: {  	v61 =	vld [tilespmem:s3+$0xF00];
	[tilespmem:s3+$0x4100] =	vst v15  }
0x1ce: {  	v62 =	vld [tilespmem:s3+$0x1000];
	[tilespmem:s3+$0x4180] =	vst v1  }
0x1cf: {  	v1 =	vld [tilespmem:s8+$0x600]  }
0x1d0: {  	v3 =	vld [tilespmem:s14+$0x600]  }
0x1d1: {  	v5 =	vld [tilespmem:s20+$0x600]  }
0x1d2: {  	v6 =	vld [tilespmem:s28+$0x600]  }
0x1d3: {  	v7 =	vld [tilespmem:s9+$0x600]  }
0x1d4: {  	v8 =	vld [tilespmem:s1+$0x600]  }
0x1d5: {  	v9 =	vld [tilespmem:s2+$0x600];
	[tilespmem:s3+$0x4600] =	vst v57  }
0x1d6: {  	v63 =	vld [tilespmem:s3+$0x1100];
	[tilespmem:s3+$0x4700] =	vst v58  }
0x1d7: {  	[tilespmem:s3+$0x4800] =	vst v59  }
0x1d8: {  	[tilespmem:s3+$0x4900] =	vst v60  }
0x1d9: {  	[tilespmem:s3+$0x4E00] =	vst v61  }
0x1da: {  	[tilespmem:s3+$0x4F00] =	vst v62  }
0x1db: {  	[tilespmem:s3+$0x5000] =	vst v63  }
0x1dc: {  	[tilespmem:s3+$0x4680] =	vst v1  }
0x1dd: {  	p3 =	sne.s32 s12, $0xF0;
	[tilespmem:s3+$0x4780] =	vst v3  }
.Ltmp11:
0x1de: {  	[tilespmem:s3+$0x4880] =	vst v5;
	(pc) =	sbr.rel @p3 .LBB2_15-.Ltmp11, $4  }
0x1df: {  	[tilespmem:s3+$0x4980] =	vst v6  }
0x1e0: {  	[tilespmem:s3+$0x4E80] =	vst v7  }
0x1e1: {  	[tilespmem:s3+$0x4F80] =	vst v8  }
0x1e2: {  	s11 =	sadd.s32 $0x80, s11;
	s12 =	sadd.s32 $0x10, s12;
	[tilespmem:s3+$0x5080] =	vst v9  }
.Ltmp12:
0x1e3: {  	s0 =	rddreg [dreg:$0x14];
	s1 =	simm.s32 $0x1600;
	(pc) =	sbr.rel .LBB2_28-.Ltmp12, $4  }
0x1e4: {  	[hbm4b:s0+s24] =	stream.strided.scatter [tilespmem:s1], [sflag:$0x8], $0x4000, s25, s24, $0x38;
	[tilespmem:$0x1EA00] =	vst v63  }
0x1e5: {  	_ =	swait.ge [sflag:s21], $0x4000  }
0x1e6: {  	[sflag:s21] =	ssyncset.done $0x0  }
0x1e7: {  	s1 =	rddreg [dreg:$0x16];
	[sflag:s21] =	ssyncadd.s32 $0xFFFFC000  }
.LBB2_17:
0x1e8: {  	s1 =	simm.s32 @!p2 $0x100000  }
0x1e9: {  	[smem:s1], [sflag:$0x0] =	smem.add.s32 @!p2 $0x0;
	s1 =	simm.s32 @!p2 $0x0  }
0x1ea: {  	_ =	swait.done @!p2 [sflag:s1]  }
0x1eb: {  	s2 =	ssyncread @!p2 [sflag:$0x0]  }
0x1ec: {  	s0 =	stileid.u32;
	[sflag:s1] =	ssyncset.s32 @!p2 $0x0;
	s7 =	rddreg [dreg:$0xf]  }
0x1ed: {  	[sflag:s1] =	ssyncset.done @!p2 $0x0;
	s1 =	sshll.u32 @!p2 s0, $0x6;
	s0 =	rddreg [dreg:$0xa]  }
0x1ee: {  	[dreg:$0x0] =	wrdreg @!p2 $0x30D400  }
0x1ef: {  	[dreg:$0x1] =	wrdreg @!p2 $0x30D400  }
0x1f0: {  	[dreg:$0x2] =	wrdreg @!p2 $0x61A8  }
0x1f1: {  	[dreg:$0x3] =	wrdreg @!p2 $0x10  }
0x1f2: {  	[dreg:$0x4] =	wrdreg @!p2 $0x80  }
0x1f3: {  	[dreg:$0x5] =	wrdreg @!p2 $0x8  }
0x1f4: {  	[dreg:$0x6] =	wrdreg @!p2 $0x61A80  }
0x1f5: {  	s3 =	sor.u32 @!p2 $0x1C00, s1;
	[dreg:$0x7] =	wrdreg @!p2 $0x10  }
0x1f6: {  	s1 =	sor.u32 @!p2 $0x1C07, s1;
	s2 =	sor.u32 @!p2 $0x4044000, s2;
	[dreg:$0x8] =	wrdreg @!p2 $0x1  }
0x1f7: {  	[hbm:s7], [sflag:s1] =	dma.general @!p2 [hbm:s0], [sflag:s3], length:$0x0, [dreg:$0x0], stride_count:$0x3, ici_dest:s2, dma_misc:DstOpCode:WRITE  }
.Ltmp13:
0x1f8: {  	_ = 	snop;
	(pc) =	sbr.rel .LBB2_18-.Ltmp13, $4  }
0x1f9: {  	s4 =	simm.s32 @!p2 $0x10;
	s2 =	simm.s32 @!p2 $0x1;
	s3 =	simm.s32 @!p2 $0x80  }
0x1fa: {  	[hbm:s7@s3], [sflag:s1] =	dma.strided @!p2 [hbm:s0@s4], $0x61A80, s2, $0x10   }
0x1fb: {  	s11 =	simm.s32 $0x0;
	s31 =	simm.s32 $0x9600;
	s0 =	rddreg [dreg:$0x10]  }
0x1fc: {  	[tilespmem:s31], [sflag:$0x3] =	stream.linear.gather [hbm4b:s0+s11], $0xA00, $0x38;
	[tilespmem:$0x1EA00] =	vst v63  }
.LBB2_26:
0x1fd: {  	s11 =	sadd.s32 $0x1, s11  }
0x1fe: {  	p3 =	sne.s32 s11, $0x18  }
.Ltmp14:
0x1ff: {  	_ = 	snop;
	(pc) =	sbr.rel @!p3 .LBB2_27-.Ltmp14, $1  }
0x200: {  	_ =	sdelay $0x3  }
.LBB2_18:
0x201: {  	s3 =	sshll.u32 s11, $0x1  }
0x202: {  	p3 =	sgt.u32 s3, s13  }
.Ltmp15:
0x203: {  	_ = 	snop;
	(pc) =	sbr.rel @p3 .LBB2_22-.Ltmp15, $2  }
0x204: {  	_ =	sdelay $0x2  }
0x205: {  	s12 =	smul.u32 $0x36, s11  }
0x206: {  	s0 =	rddreg [dreg:$0xc]  }
0x207: {  	p3 =	sge.u32 s3, s13;
	s14 =	sadd.s32 s0, s12  }
0x208: {  	s1 =	smul.u32 @!p3 $0xA00, s14;
	_ =	sdelay $0x1  }
0x209: {  	_ =	swait.ge [sflag:s15], $0xA00;
	s1 =	sadd.s32 @!p3 $0x10E00, s1  }
0x20a: {  	[sflag:s15] =	ssyncset.done $0x0;
	s2 =	simm.s32 @!p3 $0x0;
	s1 =	sshrl.u32 @!p3 s1, $0x3  }
0x20b: {  	s4 =	simm.s32 @!p3 $0xA000;
	[sflag:s15] =	ssyncadd.s32 $0xFFFFF600;
	s1 =	sadd.s32 @!p3 s6, s1  }
0x20c: {  	[tilespmem:s4], [sflag:$0x4] =	stream.linear.gather @!p3 [hbm4b:s1+s2], $0xA00, $0x38;
	[tilespmem:$0x1EA00] =	vst v63  }
0x20d: {  	p3 =	seq.s32 s11, $0x0  }
0x20e: {  	s1 =	simm.s32 @!p3 $0x1  }
0x20f: {  	s20 =	simm.s32 $0xFFFFFFFE;
	_ =	swait.ge @!p3 [sflag:s1], $0xA000  }
0x210: {  	s29 =	simm.s32 $0x0;
	s8 =	simm.s32 $0x9600;
	[sflag:s1] =	ssyncset.done @!p3 $0x0  }
0x211: {  	s28 =	simm.s32 $0x0;
	s30 =	simm.s32 $0x0;
	[sflag:s1] =	ssyncadd.s32 @!p3 $0xFFFF6000  }
.LBB2_20:
0x212: {  	v0 =	vld [tilespmem:s8+$0x0];
	_ =	sdelay $0x4  }
0x213: {  	v0 =	vtrunc.f32 v0  }
0x214: {  	v0 =	vcvt.f32.s32 v0;
	_ =	sdelay $0x1  }
0x215: {  	v0 =	vmin.u32 v0, $0x5  }
0x216: {  	v1 =	vadd.s32 $0x6, v0  }
0x217: {  	v2 =	vadd.s32 $0xC, v0  }
0x218: {  	v3 =	vadd.s32 $0x12, v0  }
0x219: {  	v4 =	vor.u32 $0x18, v0  }
0x21a: {  	v6 =	vadd.s32 $0x1E, v0;
	v5 =	vld.idx.msk [tilespmem:v0+s23+$0x0], $0xffff  }
0x21b: {  	v7 =	vadd.s32 $0x24, v0;
	v1 =	vld.idx.msk [tilespmem:v1+s23+$0x0], $0xffff  }
0x21c: {  	v8 =	vadd.s32 $0x2A, v0;
	v2 =	vld.idx.msk [tilespmem:v2+s23+$0x0], $0xffff  }
0x21d: {  	v9 =	vor.u32 $0x30, v0;
	v3 =	vld.idx.msk [tilespmem:v3+s23+$0x0], $0xffff  }
0x21e: {  	v10 =	vadd.s32 $0x36, v0;
	v4 =	vld.idx.msk [tilespmem:v4+s23+$0x0], $0xffff  }
0x21f: {  	v11 =	vadd.s32 $0x3C, v0;
	v6 =	vld.idx.msk [tilespmem:v6+s23+$0x0], $0xffff  }
0x220: {  	v12 =	vadd.s32 $0x42, v0;
	v7 =	vld.idx.msk [tilespmem:v7+s23+$0x0], $0xffff  }
0x221: {  	v13 =	vor.u32 $0x48, v0;
	v8 =	vld.idx.msk [tilespmem:v8+s23+$0x0], $0xffff  }
0x222: {  	v14 =	vadd.s32 $0x4E, v0;
	v9 =	vld.idx.msk [tilespmem:v9+s23+$0x0], $0xffff  }
0x223: {  	v15 =	vadd.s32 $0x54, v0;
	v10 =	vld.idx.msk [tilespmem:v10+s23+$0x0], $0xffff  }
0x224: {  	v0 =	vadd.s32 $0x5A, v0;
	v11 =	vld.idx.msk [tilespmem:v11+s23+$0x0], $0xffff  }
0x225: {  	v12 =	vld.idx.msk [tilespmem:v12+s23+$0x0], $0xffff  }
0x226: {  	s19 =	sand.u32 $0x7C00, s30;
	v13 =	vld.idx.msk [tilespmem:v13+s23+$0x0], $0xffff  }
0x227: {  	s0 =	sand.u32 $0x60, s29;
	s1 =	sadd.s32 $0xAA00, s19;
	v14 =	vld.idx.msk [tilespmem:v14+s23+$0x0], $0xffff  }
0x228: {  	s4 =	sor.u32 s0, s1;
	v15 =	vld.idx.msk [tilespmem:v15+s23+$0x0], $0xffff  }
0x229: {  	v0 =	vld.idx.msk [tilespmem:v0+s23+$0x0], $0xffff;
	[tilespmem:s4+$0x0] =	vst v5  }
0x22a: {  	[tilespmem:s4+$0x80] =	vst v1  }
0x22b: {  	s2 =	sand.u32 $0x3, s28;
	[tilespmem:s4+$0x100] =	vst v2  }
0x22c: {  	s2 =	sshll.u32 s2, $0x5;
	[tilespmem:s4+$0x180] =	vst v3  }
0x22d: {  	s2 =	sadd.s32 s2, s30;
	[tilespmem:s4+$0x200] =	vst v4  }
0x22e: {  	s31 =	sor.u32 $0x300, s2;
	[tilespmem:s4+$0x280] =	vst v6  }
0x22f: {  	s9 =	sadd.s32 $0xFA00, s19;
	s7 =	sor.u32 $0x380, s2;
	[tilespmem:s31+$0xAA00] =	vst v7  }
0x230: {  	s10 =	sor.u32 s0, s9;
	s31 =	sadd.s32 $0xFA80, s19;
	[tilespmem:s7+$0xAA00] =	vst v8  }
0x231: {  	s4 =	sadd.s32 $0xFB00, s19;
	s7 =	sor.u32 s0, s31;
	[tilespmem:s10+$0x0] =	vst v9  }
0x232: {  	s17 =	sadd.s32 $0xFB80, s19;
	s16 =	sor.u32 s0, s4;
	[tilespmem:s7+$0x0] =	vst v10  }
0x233: {  	s18 =	sor.u32 s0, s17;
	s10 =	sadd.s32 $0xFC00, s19;
	[tilespmem:s16+$0x0] =	vst v11  }
0x234: {  	s26 =	sor.u32 s0, s10;
	s16 =	sadd.s32 $0xFC80, s19;
	[tilespmem:s18+$0x0] =	vst v12  }
0x235: {  	s7 =	sadd.s32 $0xFD00, s19;
	[tilespmem:s26+$0x0] =	vst v13;
	s26 =	sor.u32 s0, s16  }
0x236: {  	s18 =	sor.u32 s0, s7;
	[tilespmem:s26+$0x0] =	vst v14;
	s26 =	sadd.s32 $0xFD80, s19  }
0x237: {  	s19 =	sor.u32 $0x10, s0;
	[tilespmem:s18+$0x0] =	vst v15;
	s18 =	sor.u32 s0, s26;
	s0 =	sand.u32 $0xF80, s29  }
0x238: {  	[tilespmem:s18+$0x0] =	vst v0;
	s0 =	sor.u32 s19, s0  }
0x239: {  	v0 =	vld [tilespmem:s0+$0x9600];
	_ =	sdelay $0x4  }
0x23a: {  	v0 =	vtrunc.f32 v0  }
0x23b: {  	v0 =	vcvt.f32.s32 v0;
	_ =	sdelay $0x1  }
0x23c: {  	v0 =	vmin.u32 v0, $0x5  }
0x23d: {  	v50 =	vadd.s32 $0x6, v0  }
0x23e: {  	v51 =	vadd.s32 $0xC, v0  }
0x23f: {  	v52 =	vadd.s32 $0x12, v0  }
0x240: {  	v53 =	vor.u32 $0x18, v0  }
0x241: {  	v54 =	vadd.s32 $0x1E, v0;
	v5 =	vld.idx.msk [tilespmem:v0+s23+$0x0], $0xffff  }
0x242: {  	v55 =	vadd.s32 $0x24, v0;
	v1 =	vld.idx.msk [tilespmem:v50+s23+$0x0], $0xffff  }
0x243: {  	v56 =	vadd.s32 $0x2A, v0;
	v2 =	vld.idx.msk [tilespmem:v51+s23+$0x0], $0xffff  }
0x244: {  	v57 =	vor.u32 $0x30, v0;
	v3 =	vld.idx.msk [tilespmem:v52+s23+$0x0], $0xffff  }
0x245: {  	v58 =	vadd.s32 $0x36, v0;
	v4 =	vld.idx.msk [tilespmem:v53+s23+$0x0], $0xffff  }
0x246: {  	v59 =	vadd.s32 $0x3C, v0;
	v6 =	vld.idx.msk [tilespmem:v54+s23+$0x0], $0xffff  }
0x247: {  	v60 =	vadd.s32 $0x42, v0;
	v7 =	vld.idx.msk [tilespmem:v55+s23+$0x0], $0xffff  }
0x248: {  	v61 =	vor.u32 $0x48, v0;
	v8 =	vld.idx.msk [tilespmem:v56+s23+$0x0], $0xffff  }
0x249: {  	v62 =	vadd.s32 $0x4E, v0;
	v9 =	vld.idx.msk [tilespmem:v57+s23+$0x0], $0xffff  }
0x24a: {  	v63 =	vadd.s32 $0x54, v0;
	v10 =	vld.idx.msk [tilespmem:v58+s23+$0x0], $0xffff  }
0x24b: {  	v0 =	vadd.s32 $0x5A, v0;
	v11 =	vld.idx.msk [tilespmem:v59+s23+$0x0], $0xffff  }
0x24c: {  	v12 =	vld.idx.msk [tilespmem:v60+s23+$0x0], $0xffff  }
0x24d: {  	v13 =	vld.idx.msk [tilespmem:v61+s23+$0x0], $0xffff  }
0x24e: {  	v14 =	vld.idx.msk [tilespmem:v62+s23+$0x0], $0xffff  }
0x24f: {  	s1 =	sor.u32 s19, s1;
	v15 =	vld.idx.msk [tilespmem:v63+s23+$0x0], $0xffff  }
0x250: {  	v0 =	vld.idx.msk [tilespmem:v0+s23+$0x0], $0xffff;
	[tilespmem:s1+$0x0] =	vst v5  }
0x251: {  	[tilespmem:s1+$0x80] =	vst v1  }
0x252: {  	[tilespmem:s1+$0x100] =	vst v2  }
0x253: {  	[tilespmem:s1+$0x180] =	vst v3  }
0x254: {  	s18 =	sadd.s32 $0x10, s2;
	[tilespmem:s1+$0x200] =	vst v4  }
0x255: {  	s2 =	sor.u32 $0x300, s18;
	[tilespmem:s1+$0x280] =	vst v6  }
0x256: {  	s18 =	sor.u32 $0x380, s18;
	[tilespmem:s2+$0xAA00] =	vst v7  }
0x257: {  	s1 =	sor.u32 s19, s9;
	[tilespmem:s18+$0xAA00] =	vst v8  }
0x258: {  	s2 =	sor.u32 s19, s31;
	[tilespmem:s1+$0x0] =	vst v9  }
0x259: {  	s20 =	sadd.s32 $0x2, s20;
	s4 =	sor.u32 s19, s4;
	[tilespmem:s2+$0x0] =	vst v10  }
0x25a: {  	p3 =	slt.u32 s20, $0x9E;
	s9 =	sor.u32 s19, s17;
	[tilespmem:s4+$0x0] =	vst v11  }
.Ltmp16:
0x25b: {  	s10 =	sor.u32 s19, s10;
	[tilespmem:s9+$0x0] =	vst v12;
	(pc) =	sbr.rel @p3 .LBB2_20-.Ltmp16, $4  }
0x25c: {  	s17 =	sor.u32 s19, s16;
	[tilespmem:s10+$0x0] =	vst v13  }
0x25d: {  	s18 =	sor.u32 s19, s7;
	[tilespmem:s17+$0x0] =	vst v14  }
0x25e: {  	s28 =	sadd.s32 $0x1, s28;
	s31 =	sor.u32 s19, s26;
	[tilespmem:s18+$0x0] =	vst v15  }
0x25f: {  	s8 =	sadd.s32 $0x20, s8;
	s30 =	sadd.s32 $0x100, s30;
	s29 =	sadd.s32 $0x20, s29;
	[tilespmem:s31+$0x0] =	vst v0  }
0x260: {  	s0 =	smul.u32 $0x5000, s14;
	_ =	sdelay $0x1  }
0x261: {  	s1 =	rddreg [dreg:$0x3];
	s31 =	simm.s32 $0x5000;
	s0 =	sshrl.u32 s0, $0x3  }
0x262: {  	s2 =	simm.s32 $0x186A000;
	s4 =	simm.s32 $0xAA00;
	s0 =	sadd.s32 s1, s0  }
0x263: {  	[hbm4b:s0+s31] =	stream.strided.scatter [tilespmem:s4], [sflag:$0x1], $0xA000, s2, s31, $0x38;
	[tilespmem:$0x1EA00] =	vst v63  }
.LBB2_22:
0x264: {  	p3 =	sge.u32 s3, s13  }
.Ltmp17:
0x265: {  	_ = 	snop;
	(pc) =	sbr.rel @p3 .LBB2_26-.Ltmp17, $1  }
0x266: {  	_ =	sdelay $0x3  }
0x267: {  	s0 =	sadd.s32 $0x2, s3;
	s1 =	rddreg [dreg:$0x11]  }
0x268: {  	s3 =	sadd.s32 s12, s1;
	p3 =	sgt.u32 s0, s13  }
0x269: {  	s0 =	smul.u32 @!p3 $0xA00, s3  }
0x26a: {  	s31 =	simm.s32 $0x4  }
0x26b: {  	_ =	swait.ge [sflag:s31], $0xA00;
	s0 =	sshrl.u32 @!p3 s0, $0x3  }
0x26c: {  	[sflag:s31] =	ssyncset.done $0x0;
	s1 =	simm.s32 @!p3 $0x0;
	s0 =	sadd.s32 @!p3 s6, s0  }
0x26d: {  	s2 =	simm.s32 @!p3 $0x9600;
	[sflag:s31] =	ssyncadd.s32 $0xFFFFF600;
	s0 =	sadd.s32 @!p3 $0x21C0, s0  }
0x26e: {  	[tilespmem:s2], [sflag:$0x3] =	stream.linear.gather @!p3 [hbm4b:s0+s1], $0xA00, $0x38;
	[tilespmem:$0x1EA00] =	vst v63  }
0x26f: {  	p3 =	seq.s32 s11, $0x0  }
0x270: {  	s0 =	simm.s32 @!p3 $0x2  }
0x271: {  	s14 =	simm.s32 $0x0;
	_ =	swait.ge @!p3 [sflag:s0], $0xA000  }
0x272: {  	s8 =	simm.s32 $0xA000;
	s20 =	simm.s32 $0x0;
	[sflag:s0] =	ssyncset.done @!p3 $0x0  }
0x273: {  	s28 =	simm.s32 $0x0;
	s12 =	simm.s32 $0xFFFFFFFE;
	[sflag:s0] =	ssyncadd.s32 @!p3 $0xFFFF6000  }
.LBB2_24:
0x274: {  	v0 =	vld [tilespmem:s8+$0x0];
	_ =	sdelay $0x4  }
0x275: {  	v0 =	vtrunc.f32 v0  }
0x276: {  	v0 =	vcvt.f32.s32 v0;
	_ =	sdelay $0x1  }
0x277: {  	v0 =	vmin.u32 v0, $0x5  }
0x278: {  	v1 =	vadd.s32 $0x6, v0  }
0x279: {  	v2 =	vadd.s32 $0xC, v0  }
0x27a: {  	v3 =	vadd.s32 $0x12, v0  }
0x27b: {  	v4 =	vor.u32 $0x18, v0  }
0x27c: {  	v6 =	vadd.s32 $0x1E, v0;
	v5 =	vld.idx.msk [tilespmem:v0+s23+$0x0], $0xffff  }
0x27d: {  	v7 =	vadd.s32 $0x24, v0;
	v1 =	vld.idx.msk [tilespmem:v1+s23+$0x0], $0xffff  }
0x27e: {  	v8 =	vadd.s32 $0x2A, v0;
	v2 =	vld.idx.msk [tilespmem:v2+s23+$0x0], $0xffff  }
0x27f: {  	v9 =	vor.u32 $0x30, v0;
	v3 =	vld.idx.msk [tilespmem:v3+s23+$0x0], $0xffff  }
0x280: {  	v10 =	vadd.s32 $0x36, v0;
	v4 =	vld.idx.msk [tilespmem:v4+s23+$0x0], $0xffff  }
0x281: {  	v11 =	vadd.s32 $0x3C, v0;
	v6 =	vld.idx.msk [tilespmem:v6+s23+$0x0], $0xffff  }
0x282: {  	v12 =	vadd.s32 $0x42, v0;
	v7 =	vld.idx.msk [tilespmem:v7+s23+$0x0], $0xffff  }
0x283: {  	v13 =	vor.u32 $0x48, v0;
	v8 =	vld.idx.msk [tilespmem:v8+s23+$0x0], $0xffff  }
0x284: {  	v14 =	vadd.s32 $0x4E, v0;
	v9 =	vld.idx.msk [tilespmem:v9+s23+$0x0], $0xffff  }
0x285: {  	v15 =	vadd.s32 $0x54, v0;
	v10 =	vld.idx.msk [tilespmem:v10+s23+$0x0], $0xffff  }
0x286: {  	v0 =	vadd.s32 $0x5A, v0;
	v11 =	vld.idx.msk [tilespmem:v11+s23+$0x0], $0xffff  }
0x287: {  	v12 =	vld.idx.msk [tilespmem:v12+s23+$0x0], $0xffff  }
0x288: {  	s0 =	sand.u32 $0x7C00, s28;
	v13 =	vld.idx.msk [tilespmem:v13+s23+$0x0], $0xffff  }
0x289: {  	s18 =	sand.u32 $0x60, s14;
	s1 =	sadd.s32 $0x14A00, s0;
	v14 =	vld.idx.msk [tilespmem:v14+s23+$0x0], $0xffff  }
0x28a: {  	s4 =	sor.u32 s18, s1;
	v15 =	vld.idx.msk [tilespmem:v15+s23+$0x0], $0xffff  }
0x28b: {  	v0 =	vld.idx.msk [tilespmem:v0+s23+$0x0], $0xffff;
	[tilespmem:s4+$0x0] =	vst v5  }
0x28c: {  	[tilespmem:s4+$0x80] =	vst v1  }
0x28d: {  	s2 =	sand.u32 $0x3, s20;
	[tilespmem:s4+$0x100] =	vst v2  }
0x28e: {  	s2 =	sshll.u32 s2, $0x5;
	[tilespmem:s4+$0x180] =	vst v3  }
0x28f: {  	s2 =	sadd.s32 s2, s28;
	[tilespmem:s4+$0x200] =	vst v4  }
0x290: {  	s10 =	sor.u32 $0x300, s2;
	[tilespmem:s4+$0x280] =	vst v6  }
0x291: {  	s9 =	sadd.s32 $0x19A00, s0;
	s16 =	sor.u32 $0x380, s2;
	[tilespmem:s10+$0x14A00] =	vst v7  }
0x292: {  	s29 =	sadd.s32 $0x19A80, s0;
	s17 =	sor.u32 s18, s9;
	[tilespmem:s16+$0x14A00] =	vst v8  }
0x293: {  	s7 =	sor.u32 s18, s29;
	s4 =	sadd.s32 $0x19B00, s0;
	[tilespmem:s17+$0x0] =	vst v9  }
0x294: {  	s19 =	sor.u32 s18, s4;
	s17 =	sadd.s32 $0x19B80, s0;
	[tilespmem:s7+$0x0] =	vst v10  }
0x295: {  	s10 =	sadd.s32 $0x19C00, s0;
	s26 =	sor.u32 s18, s17;
	[tilespmem:s19+$0x0] =	vst v11  }
0x296: {  	s30 =	sor.u32 s18, s10;
	s16 =	sadd.s32 $0x19C80, s0;
	[tilespmem:s26+$0x0] =	vst v12  }
0x297: {  	s7 =	sadd.s32 $0x19D00, s0;
	s19 =	sor.u32 s18, s16;
	[tilespmem:s30+$0x0] =	vst v13  }
0x298: {  	s31 =	sor.u32 s18, s7;
	s26 =	sadd.s32 $0x19D80, s0;
	[tilespmem:s19+$0x0] =	vst v14  }
0x299: {  	s0 =	sor.u32 s18, s26;
	s30 =	sand.u32 $0xF80, s14;
	s19 =	sor.u32 $0x10, s18;
	[tilespmem:s31+$0x0] =	vst v15  }
0x29a: {  	s31 =	sor.u32 s19, s30;
	[tilespmem:s0+$0x0] =	vst v0  }
0x29b: {  	v0 =	vld [tilespmem:s31+$0xA000];
	_ =	sdelay $0x4  }
0x29c: {  	v0 =	vtrunc.f32 v0  }
0x29d: {  	v0 =	vcvt.f32.s32 v0;
	_ =	sdelay $0x1  }
0x29e: {  	v0 =	vmin.u32 v0, $0x5  }
0x29f: {  	v50 =	vadd.s32 $0x6, v0  }
0x2a0: {  	v51 =	vadd.s32 $0xC, v0  }
0x2a1: {  	v52 =	vadd.s32 $0x12, v0  }
0x2a2: {  	v53 =	vor.u32 $0x18, v0  }
0x2a3: {  	v54 =	vadd.s32 $0x1E, v0;
	v5 =	vld.idx.msk [tilespmem:v0+s23+$0x0], $0xffff  }
0x2a4: {  	v55 =	vadd.s32 $0x24, v0;
	v1 =	vld.idx.msk [tilespmem:v50+s23+$0x0], $0xffff  }
0x2a5: {  	v56 =	vadd.s32 $0x2A, v0;
	v2 =	vld.idx.msk [tilespmem:v51+s23+$0x0], $0xffff  }
0x2a6: {  	v57 =	vor.u32 $0x30, v0;
	v3 =	vld.idx.msk [tilespmem:v52+s23+$0x0], $0xffff  }
0x2a7: {  	v58 =	vadd.s32 $0x36, v0;
	v4 =	vld.idx.msk [tilespmem:v53+s23+$0x0], $0xffff  }
0x2a8: {  	v59 =	vadd.s32 $0x3C, v0;
	v6 =	vld.idx.msk [tilespmem:v54+s23+$0x0], $0xffff  }
0x2a9: {  	v60 =	vadd.s32 $0x42, v0;
	v7 =	vld.idx.msk [tilespmem:v55+s23+$0x0], $0xffff  }
0x2aa: {  	v61 =	vor.u32 $0x48, v0;
	v8 =	vld.idx.msk [tilespmem:v56+s23+$0x0], $0xffff  }
0x2ab: {  	v62 =	vadd.s32 $0x4E, v0;
	v9 =	vld.idx.msk [tilespmem:v57+s23+$0x0], $0xffff  }
0x2ac: {  	v63 =	vadd.s32 $0x54, v0;
	v10 =	vld.idx.msk [tilespmem:v58+s23+$0x0], $0xffff  }
0x2ad: {  	v0 =	vadd.s32 $0x5A, v0;
	v11 =	vld.idx.msk [tilespmem:v59+s23+$0x0], $0xffff  }
0x2ae: {  	v12 =	vld.idx.msk [tilespmem:v60+s23+$0x0], $0xffff  }
0x2af: {  	v13 =	vld.idx.msk [tilespmem:v61+s23+$0x0], $0xffff  }
0x2b0: {  	v14 =	vld.idx.msk [tilespmem:v62+s23+$0x0], $0xffff  }
0x2b1: {  	s1 =	sor.u32 s19, s1;
	v15 =	vld.idx.msk [tilespmem:v63+s23+$0x0], $0xffff  }
0x2b2: {  	v0 =	vld.idx.msk [tilespmem:v0+s23+$0x0], $0xffff;
	[tilespmem:s1+$0x0] =	vst v5  }
0x2b3: {  	[tilespmem:s1+$0x80] =	vst v1  }
0x2b4: {  	[tilespmem:s1+$0x100] =	vst v2  }
0x2b5: {  	[tilespmem:s1+$0x180] =	vst v3  }
0x2b6: {  	s18 =	sadd.s32 $0x10, s2;
	[tilespmem:s1+$0x200] =	vst v4  }
0x2b7: {  	s30 =	sor.u32 $0x300, s18;
	[tilespmem:s1+$0x280] =	vst v6  }
0x2b8: {  	s31 =	sor.u32 $0x380, s18;
	[tilespmem:s30+$0x14A00] =	vst v7  }
0x2b9: {  	s1 =	sor.u32 s19, s9;
	[tilespmem:s31+$0x14A00] =	vst v8  }
0x2ba: {  	s2 =	sor.u32 s19, s29;
	[tilespmem:s1+$0x0] =	vst v9  }
0x2bb: {  	s12 =	sadd.s32 $0x2, s12;
	s9 =	sor.u32 s19, s4;
	[tilespmem:s2+$0x0] =	vst v10  }
0x2bc: {  	p3 =	slt.u32 s12, $0x9E;
	s17 =	sor.u32 s19, s17;
	[tilespmem:s9+$0x0] =	vst v11  }
.Ltmp18:
0x2bd: {  	s18 =	sor.u32 s19, s10;
	[tilespmem:s17+$0x0] =	vst v12;
	(pc) =	sbr.rel @p3 .LBB2_24-.Ltmp18, $4  }
0x2be: {  	s29 =	sor.u32 s19, s16;
	[tilespmem:s18+$0x0] =	vst v13  }
0x2bf: {  	s30 =	sor.u32 s19, s7;
	[tilespmem:s29+$0x0] =	vst v14  }
0x2c0: {  	s20 =	sadd.s32 $0x1, s20;
	s31 =	sor.u32 s19, s26;
	[tilespmem:s30+$0x0] =	vst v15  }
0x2c1: {  	s8 =	sadd.s32 $0x20, s8;
	s28 =	sadd.s32 $0x100, s28;
	s14 =	sadd.s32 $0x20, s14;
	[tilespmem:s31+$0x0] =	vst v0  }
.Ltmp19:
0x2c2: {  	(pc) =	sbr.rel .LBB2_26-.Ltmp19, $4  }
0x2c3: {  	s0 =	smul.u32 $0xA00, s3  }
0x2c4: {  	s1 =	rddreg [dreg:$0x3];
	s30 =	simm.s32 $0x5000  }
0x2c5: {  	s2 =	simm.s32 $0x186A000;
	s31 =	simm.s32 $0x14A00;
	s0 =	sadd.s32 s1, s0  }
0x2c6: {  	[hbm4b:s0+s30] =	stream.strided.scatter [tilespmem:s31], [sflag:$0x2], $0xA000, s2, s30, $0x38;
	[tilespmem:$0x1EA00] =	vst v63  }
.LBB2_29:
0x2c7: {  	_ =	sfence.sel $0x180000  }
0x2c8: {  	[bflag:$0x0] =	sbarrier.arrive $0xFFFF  }
0x2c9: {  	_ =	strace $0x90000047  }
0x2ca: {  	s0 =	stileid.u32;
	[bflag:$0x2] =	sbarrier.arrive $0xFFFF  }
0x2cb: {  	p0 =	sne.s32 s0, $0x0;
	s0 =	rddreg [dreg:$0x4]  }
0x2cc: {  	s0 =	sadd.s32 @!p0 $0x100000, s0  }
0x2cd: {  	[sflag:s0] =	ssyncadd.tile.s32 @!p0 $0x1;
	_ =	shalt  }
.Lfunc_end2:
_tile_overlayer_lowered:
.L_overlay_start_2:
0x2ce: {  	(tag) =	ssettag $0x2  }
0x2cf: {  	s0 =	rddreg [dreg:$0x0];
	s2 =	stileid.u32  }
0x2d0: {  	s1 =	rddreg [dreg:$0x1];
	p0 =	sne.s32 s2, $0x0  }
0x2d1: {  	s3 =	rddreg [dreg:$0x2];
	[bflag:$0x3] =	sbarrier.arrive $0xFFFF;
	s2 =	simm.s32 @!p0 $0x1C08  }
0x2d2: {  	[timem:s3], [sflag:s2] =	dma.local @!p0 [hbm:s0], s1  }
0x2d3: {  	s0 =	simm.s32 @!p0 $0x8  }
0x2d4: {  	_ =	swait.ge @!p0 [sflag:s0], s1  }
0x2d5: {  	s1 =	ssub.s32 @!p0 $0x0, s1;
	[sflag:s0] =	ssyncset.done @!p0 $0x0  }
0x2d6: {  	[sflag:s0] =	ssyncadd.s32 @!p0 s1  }
0x2d7: {  	[bflag:$0x3] =	sbarrier.arrive $0xFFFF  }
0x2d8: {  	_ =	shalt  }

</sc_bundles>
